<compile_context>
chip_gen: v7x
topology: tpu7x:2x2x1
jax: 0.10.2.dev20260603
libtpu: 0.0.44.dev20260713+nightly
codegen_flags: <defaults>
</compile_context>

<pallas_src>
import functools

import jax
import jax.numpy as jnp
from jax import lax
from jax.experimental import pallas as pl
from jax.experimental.pallas import tpu as pltpu
from jax.experimental.pallas import tpu_sc as plsc

N = 10000
NPAD = 10240
SINK = 10000
NW = 32
CH = 128
NSUB = 16
ZR = NPAD // NSUB
ZDIM = 32
DEGW = 16

_f32 = jnp.float32

@functools.cache
def _sc_mesh():
    return plsc.VectorSubcoreMesh(core_axis_name="c", subcore_axis_name="s")


_linear_cp = pltpu.CompilerParams(use_tc_tiling_on_sc=False)



def _sc_degree(dstw):
    nch = dstw.shape[1]

    @functools.partial(
        pl.kernel, mesh=_sc_mesh(), compiler_params=_linear_cp,
        out_type=jax.ShapeDtypeStruct((2, NPAD, DEGW), _f32),
        scratch_types=[
            pltpu.VMEM((nch, CH), jnp.int32),
            pltpu.VMEM((CH, DEGW), _f32),
            pltpu.VMEM_SHARED((NPAD, DEGW), _f32),
        ],
    )
    def k(dstw_hbm, zeros_hbm, ones_hbm, out_hbm, didx, ones_v, acc):
        cid = lax.axis_index("c")
        sid = lax.axis_index("s")
        wid = sid * 2 + cid
        pltpu.sync_copy(zeros_hbm.at[pl.ds(0, ZR)], acc.at[pl.ds(sid * ZR, ZR)])
        pltpu.sync_copy(dstw_hbm.at[wid], didx)
        pltpu.sync_copy(ones_hbm, ones_v)
        plsc.subcore_barrier()

        @pl.loop(0, nch)
        def _(j):
            pltpu.sync_copy(ones_v, acc.at[didx.at[j]], add=True)

        plsc.subcore_barrier()
        pltpu.sync_copy(acc.at[pl.ds(sid * ZR, ZR)],
                        out_hbm.at[cid, pl.ds(sid * ZR, ZR)])

    zeros = jnp.zeros((ZR, DEGW), _f32)
    ones = jnp.ones((CH, DEGW), _f32)
    return k(dstw, zeros, ones)


def _sc_prop(xs, srcw, dstw):
    nch = srcw.shape[1]
    f = xs.shape[1]

    @functools.partial(
        pl.kernel, mesh=_sc_mesh(),
        out_type=jax.ShapeDtypeStruct((2, NPAD, f), _f32),
        scratch_types=[
            pltpu.VMEM((nch, CH), jnp.int32),
            pltpu.VMEM((nch, CH), jnp.int32),
            pltpu.VMEM((CH, f), _f32),
            pltpu.VMEM((CH, f), _f32),
            pltpu.VMEM_SHARED((NPAD, f), _f32),
            pltpu.SemaphoreType.DMA,
            pltpu.SemaphoreType.DMA,
        ],
    )
    def k(xs_hbm, srcw_hbm, dstw_hbm, zeros_hbm, out_hbm,
          sidx, didx, rows0, rows1, acc, sem0, sem1):
        cid = lax.axis_index("c")
        sid = lax.axis_index("s")
        wid = sid * 2 + cid
        pltpu.sync_copy(zeros_hbm.at[pl.ds(0, ZR)], acc.at[pl.ds(sid * ZR, ZR)])
        pltpu.sync_copy(srcw_hbm.at[wid], sidx)
        pltpu.sync_copy(dstw_hbm.at[wid], didx)
        plsc.subcore_barrier()

        pltpu.async_copy(xs_hbm.at[sidx.at[0]], rows0, sem0)

        @pl.loop(0, nch, step=2)
        def _(j):
            pltpu.async_copy(xs_hbm.at[sidx.at[j + 1]], rows1, sem1)
            pltpu.make_async_copy(xs_hbm.at[sidx.at[j]], rows0, sem0).wait()
            pltpu.sync_copy(rows0, acc.at[didx.at[j]], add=True)

            @pl.when(j + 2 < nch)
            def _():
                pltpu.async_copy(xs_hbm.at[sidx.at[j + 2]], rows0, sem0)

            pltpu.make_async_copy(xs_hbm.at[sidx.at[j + 1]], rows1, sem1).wait()
            pltpu.sync_copy(rows1, acc.at[didx.at[j + 1]], add=True)

        plsc.subcore_barrier()
        pltpu.sync_copy(acc.at[pl.ds(sid * ZR, ZR)],
                        out_hbm.at[cid, pl.ds(sid * ZR, ZR)])

    zeros = jnp.zeros((ZR, f), _f32)
    return k(xs, srcw, dstw, zeros)


def _sc_zgather(z, srcw, dstw):
    nch = srcw.shape[1]
    epad = NW * nch * CH
    epw = nch * CH
    out_sds = jax.ShapeDtypeStruct((epad, ZDIM), _f32)

    @functools.partial(
        pl.kernel, mesh=_sc_mesh(), compiler_params=_linear_cp,
        out_type=(out_sds, out_sds),
        scratch_types=[
            pltpu.VMEM((nch, CH), jnp.int32),
            pltpu.VMEM((nch, CH), jnp.int32),
            pltpu.VMEM((CH, ZDIM), _f32),
            pltpu.VMEM((CH, ZDIM), _f32),
            pltpu.VMEM((CH, ZDIM), _f32),
            pltpu.VMEM((CH, ZDIM), _f32),
            pltpu.SemaphoreType.DMA,
            pltpu.SemaphoreType.DMA,
        ],
    )
    def k(z_hbm, srcw_hbm, dstw_hbm, zs_hbm, zd_hbm,
          sidx, didx, s0, d0, s1, d1, sem0, sem1):
        cid = lax.axis_index("c")
        sid = lax.axis_index("s")
        wid = sid * 2 + cid
        pltpu.sync_copy(srcw_hbm.at[wid], sidx)
        pltpu.sync_copy(dstw_hbm.at[wid], didx)

        pltpu.async_copy(z_hbm.at[sidx.at[0]], s0, sem0)
        pltpu.async_copy(z_hbm.at[didx.at[0]], d0, sem0)

        @pl.loop(0, nch, step=2)
        def _(j):
            pltpu.async_copy(z_hbm.at[sidx.at[j + 1]], s1, sem1)
            pltpu.async_copy(z_hbm.at[didx.at[j + 1]], d1, sem1)
            base = wid * epw + j * CH
            pltpu.make_async_copy(z_hbm.at[sidx.at[j]], s0, sem0).wait()
            pltpu.make_async_copy(z_hbm.at[didx.at[j]], d0, sem0).wait()
            pltpu.sync_copy(s0, zs_hbm.at[pl.ds(base, CH)])
            pltpu.sync_copy(d0, zd_hbm.at[pl.ds(base, CH)])

            @pl.when(j + 2 < nch)
            def _():
                pltpu.async_copy(z_hbm.at[sidx.at[j + 2]], s0, sem0)
                pltpu.async_copy(z_hbm.at[didx.at[j + 2]], d0, sem0)

            pltpu.make_async_copy(z_hbm.at[sidx.at[j + 1]], s1, sem1).wait()
            pltpu.make_async_copy(z_hbm.at[didx.at[j + 1]], d1, sem1).wait()
            pltpu.sync_copy(s1, zs_hbm.at[pl.ds(base + CH, CH)])
            pltpu.sync_copy(d1, zd_hbm.at[pl.ds(base + CH, CH)])

    return k(z, srcw, dstw)



_RB = 1000


def _full(shape):
    return pl.BlockSpec(shape, lambda i: tuple(0 for _ in shape))


def _rows(shape):
    return pl.BlockSpec(shape, lambda i: (i,) + tuple(0 for _ in shape[1:]))


def _rows3(shape):
    return pl.BlockSpec(shape, lambda i: (0, i, 0))


def _tc_a0(x1, x2, w1, w2):
    def body(x1_ref, x2_ref, w1_ref, w2_ref, o1_ref, o2_ref):
        o1_ref[...] = jnp.dot(x1_ref[...], w1_ref[...],
                              preferred_element_type=_f32)
        o2_ref[...] = jnp.dot(x2_ref[...], w2_ref[...],
                              preferred_element_type=_f32)

    d = x1.shape[1]
    h = w1.shape[1]
    return pl.pallas_call(
        body,
        grid=(N // _RB,),
        in_specs=[_rows((_RB, d)), _rows((_RB, d)), _full((d, h)), _full((d, h))],
        out_specs=[_rows((_RB, h)), _rows((_RB, h))],
        out_shape=[jax.ShapeDtypeStruct((N, h), _f32)] * 2,
    )(x1, x2, w1, w2)


def _tc_a1(degp, xw1, xw2):
    def body(degp_ref, xw1_ref, xw2_ref, xs1_ref, xs2_ref, dinv_ref):
        dp = degp_ref[...]
        deg = dp[0] + dp[1] + 1.0
        dinv = 1.0 / jnp.sqrt(deg)
        dinv_ref[...] = dinv
        d1 = dinv[:, 0:1]
        xs1_ref[...] = xw1_ref[...] * d1
        xs2_ref[...] = xw2_ref[...] * d1

    h = xw1.shape[1]
    return pl.pallas_call(
        body,
        grid=(N // _RB,),
        in_specs=[_rows3((2, _RB, DEGW)), _rows((_RB, h)), _rows((_RB, h))],
        out_specs=[_rows((_RB, h)), _rows((_RB, h)), _rows((_RB, DEGW))],
        out_shape=[jax.ShapeDtypeStruct((N, h), _f32),
                   jax.ShapeDtypeStruct((N, h), _f32),
                   jax.ShapeDtypeStruct((N, DEGW), _f32)],
    )(degp, xw1, xw2)


def _tc_b(acc1, acc2, xs1, xs2, dinv16, w2a, w2b, b1a, b1b):
    def body(a1_ref, a2_ref, xs1_ref, xs2_ref, dinv_ref,
             w2a_ref, w2b_ref, b1a_ref, b1b_ref, out_ref):
        dinv = dinv_ref[:, 0:1]
        a1 = a1_ref[...]
        a2 = a2_ref[...]
        h1 = jax.nn.relu(dinv * (a1[0] + a1[1] + xs1_ref[...]) + b1a_ref[...])
        h2 = jax.nn.relu(dinv * (a2[0] + a2[1] + xs2_ref[...]) + b1b_ref[...])
        xw1 = jnp.dot(h1, w2a_ref[...], preferred_element_type=_f32)
        xw2 = jnp.dot(h2, w2b_ref[...], preferred_element_type=_f32)
        out_ref[...] = jnp.concatenate([xw1 * dinv, xw2 * dinv], axis=1)

    h1w = xs1.shape[1]
    h2w = w2a.shape[1]
    return pl.pallas_call(
        body,
        grid=(N // _RB,),
        in_specs=[_rows3((2, _RB, h1w)), _rows3((2, _RB, h1w)),
                  _rows((_RB, h1w)), _rows((_RB, h1w)), _rows((_RB, DEGW)),
                  _full((h1w, h2w)), _full((h1w, h2w)),
                  _full((1, h1w)), _full((1, h1w))],
        out_specs=[_rows((_RB, 2 * h2w))],
        out_shape=[jax.ShapeDtypeStruct((N, 2 * h2w), _f32)],
    )(acc1, acc2, xs1, xs2, dinv16, w2a, w2b, b1a, b1b)[0]


def _tc_c1(acc3, xscat, dinv16, b2cat, fw, fb, muw, mub, lvw, lvb, eps):
    def body(a_ref, xs_ref, dinv_ref, b2_ref, fw_ref, fb_ref,
             muw_ref, mub_ref, lvw_ref, lvb_ref, eps_ref,
             z_ref, mu_ref, lv_ref):
        dinv = dinv_ref[:, 0:1]
        a = a_ref[...]
        hcat = jax.nn.relu(dinv * (a[0] + a[1] + xs_ref[...]) + b2_ref[...])
        h = jax.nn.relu(jnp.dot(hcat, fw_ref[...],
                                preferred_element_type=_f32) + fb_ref[...])
        mu = jnp.dot(h, muw_ref[...], preferred_element_type=_f32) + mub_ref[...]
        lv = jnp.dot(h, lvw_ref[...], preferred_element_type=_f32) + lvb_ref[...]
        mu_ref[...] = mu
        lv_ref[...] = lv
        z_ref[...] = mu + eps_ref[...] * jnp.exp(0.5 * lv)

    cw = xscat.shape[1]
    fu = fw.shape[1]
    return pl.pallas_call(
        body,
        grid=(N // _RB,),
        in_specs=[_rows3((2, _RB, cw)), _rows((_RB, cw)), _rows((_RB, DEGW)),
                  _full((1, cw)), _full((cw, fu)), _full((1, fu)),
                  _full((fu, ZDIM)), _full((1, ZDIM)),
                  _full((fu, ZDIM)), _full((1, ZDIM)),
                  _rows((_RB, ZDIM))],
        out_specs=[_rows((_RB, ZDIM))] * 3,
        out_shape=[jax.ShapeDtypeStruct((N, ZDIM), _f32)] * 3,
    )(acc3, xscat, dinv16, b2cat, fw, fb, muw, mub, lvw, lvb, eps)


def _tc_c2(z, w11, b11, w12, b12, w21, b21, w22, b22, ws1, bs1, ws2, bs2):
    def body(z_ref, w11_ref, b11_ref, w12_ref, b12_ref,
             w21_ref, b21_ref, w22_ref, b22_ref,
             ws1_ref, bs1_ref, ws2_ref, bs2_ref,
             x1_ref, x2_ref, xs_ref):
        z = z_ref[...]
        t1 = jax.nn.relu(jnp.dot(z, w11_ref[...],
                                 preferred_element_type=_f32) + b11_ref[...])
        x1_ref[...] = jnp.dot(t1, w12_ref[...],
                              preferred_element_type=_f32) + b12_ref[...]
        t2 = jax.nn.relu(jnp.dot(z, w21_ref[...],
                                 preferred_element_type=_f32) + b21_ref[...])
        x2_ref[...] = jnp.dot(t2, w22_ref[...],
                              preferred_element_type=_f32) + b22_ref[...]
        ts = jax.nn.relu(jnp.dot(z, ws1_ref[...],
                                 preferred_element_type=_f32) + bs1_ref[...])
        xs_ref[...] = jnp.dot(ts, ws2_ref[...],
                              preferred_element_type=_f32) + bs2_ref[...]

    fu = w11.shape[1]
    r1 = w12.shape[1]
    r2 = w22.shape[1]
    rs = ws2.shape[1]
    return pl.pallas_call(
        body,
        grid=(N // _RB,),
        in_specs=[_rows((_RB, ZDIM)),
                  _full((ZDIM, fu)), _full((1, fu)), _full((fu, r1)), _full((1, r1)),
                  _full((ZDIM, fu)), _full((1, fu)), _full((fu, r2)), _full((1, r2)),
                  _full((ZDIM, fu)), _full((1, fu)), _full((fu, rs)), _full((1, rs))],
        out_specs=[_rows((_RB, r1)), _rows((_RB, r2)), _rows((_RB, rs))],
        out_shape=[jax.ShapeDtypeStruct((N, r1), _f32),
                   jax.ShapeDtypeStruct((N, r2), _f32),
                   jax.ShapeDtypeStruct((N, rs), _f32)],
    )(z, w11, b11, w12, b12, w21, b21, w22, b22, ws1, bs1, ws2, bs2)


def _tc_d(zs, zd):
    eb = 2048

    def body(zs_ref, zd_ref, o_ref):
        prod = zs_ref[...] * zd_ref[...]
        s = jnp.dot(prod, jnp.ones((ZDIM, 1), _f32),
                    preferred_element_type=_f32)
        o_ref[...] = jax.nn.sigmoid(s)

    epad = zs.shape[0]
    return pl.pallas_call(
        body,
        grid=(epad // eb,),
        in_specs=[_rows((eb, ZDIM)), _rows((eb, ZDIM))],
        out_specs=[_rows((eb, 1))],
        out_shape=[jax.ShapeDtypeStruct((epad, 1), _f32)],
    )(zs, zd)[0]



def kernel(x_omics1, x_omics2, edge_index, params):
    p = params
    src = edge_index[0].astype(jnp.int32)
    dst = edge_index[1].astype(jnp.int32)
    e = src.shape[0]
    epad = -(-e // (NW * CH)) * (NW * CH)
    nch = epad // (NW * CH)
    pad = epad - e
    srcw = jnp.concatenate([src, jnp.zeros((pad,), jnp.int32)]).reshape(NW, nch, CH)
    dstw_sink = jnp.concatenate(
        [dst, jnp.full((pad,), SINK, jnp.int32)]).reshape(NW, nch, CH)
    dstw_zero = jnp.concatenate(
        [dst, jnp.zeros((pad,), jnp.int32)]).reshape(NW, nch, CH)

    degp = _sc_degree(dstw_sink)
    xw1, xw2 = _tc_a0(x_omics1, x_omics2, p['gcn1_w1'], p['gcn2_w1'])
    xs1, xs2, dinv16 = _tc_a1(degp, xw1, xw2)

    acc1 = _sc_prop(xs1, srcw, dstw_sink)
    acc2 = _sc_prop(xs2, srcw, dstw_sink)

    xscat = _tc_b(acc1, acc2, xs1, xs2, dinv16,
                  p['gcn1_w2'], p['gcn2_w2'],
                  p['gcn1_b1'][None, :], p['gcn2_b1'][None, :])

    acc3 = _sc_prop(xscat, srcw, dstw_sink)

    b2cat = jnp.concatenate([p['gcn1_b2'], p['gcn2_b2']])[None, :]
    eps = jax.random.normal(jax.random.key(42), (N, ZDIM), _f32)
    z, mu, logvar = _tc_c1(acc3, xscat, dinv16, b2cat,
                           p['fuse_w'], p['fuse_b'][None, :],
                           p['mu_w'], p['mu_b'][None, :],
                           p['logvar_w'], p['logvar_b'][None, :], eps)

    xhat1, xhat2, xhat_s = _tc_c2(
        z, p['rec1_w1'], p['rec1_b1'][None, :], p['rec1_w2'], p['rec1_b2'][None, :],
        p['rec2_w1'], p['rec2_b1'][None, :], p['rec2_w2'], p['rec2_b2'][None, :],
        p['recs_w1'], p['recs_b1'][None, :], p['recs_w2'], p['recs_b2'][None, :])

    zs, zd = _sc_zgather(z, srcw, dstw_zero)
    adj = _tc_d(zs, zd)
    adj_pred = adj[:e, 0]

    return (z, mu, logvar, xhat1, xhat2, xhat_s, adj_pred)

# --- scband reference (transcript-rebuilt; emitter-appended) ---
"""Pipeline reference for scband-model-30915174596992 (READ-ONLY COPY).

The authoritative reference and input builder live on the scoring server;
editing this copy changes nothing except your own understanding.
"""

import jax, jax.numpy as jnp
import numpy as np

N = 10000
E = 160000
D1 = 512
D2 = 512
H1 = 128
H2 = 64
FUSION = 128
ZDIM = 32
R1 = 512
R2 = 512
RS = 2


def _glorot(key, shape):
    lim = (6.0 / (shape[0] + shape[1])) ** 0.5
    return jax.random.uniform(key, shape, jnp.float32, -lim, lim)


def setup_inputs(seed: int = 0) -> dict:
    key = jax.random.key(seed)
    ks = jax.random.split(key, 32)
    x_omics1 = jax.random.normal(ks[0], (N, D1), jnp.float32)
    x_omics2 = jax.random.normal(ks[1], (N, D2), jnp.float32)
    edge_index = jax.random.randint(ks[2], (2, E), 0, N)
    params = {
        'gcn1_w1': _glorot(ks[3], (D1, H1)), 'gcn1_b1': jnp.zeros((H1,), jnp.float32),
        'gcn1_w2': _glorot(ks[4], (H1, H2)), 'gcn1_b2': jnp.zeros((H2,), jnp.float32),
        'gcn2_w1': _glorot(ks[5], (D2, H1)), 'gcn2_b1': jnp.zeros((H1,), jnp.float32),
        'gcn2_w2': _glorot(ks[6], (H1, H2)), 'gcn2_b2': jnp.zeros((H2,), jnp.float32),
        'fuse_w': _glorot(ks[7], (2 * H2, FUSION)), 'fuse_b': jnp.zeros((FUSION,), jnp.float32),
        'mu_w': _glorot(ks[8], (FUSION, ZDIM)), 'mu_b': jnp.zeros((ZDIM,), jnp.float32),
        'logvar_w': _glorot(ks[9], (FUSION, ZDIM)), 'logvar_b': jnp.zeros((ZDIM,), jnp.float32),
        'rec1_w1': _glorot(ks[10], (ZDIM, FUSION)), 'rec1_b1': jnp.zeros((FUSION,), jnp.float32),
        'rec1_w2': _glorot(ks[11], (FUSION, R1)), 'rec1_b2': jnp.zeros((R1,), jnp.float32),
        'rec2_w1': _glorot(ks[12], (ZDIM, FUSION)), 'rec2_b1': jnp.zeros((FUSION,), jnp.float32),
        'rec2_w2': _glorot(ks[13], (FUSION, R2)), 'rec2_b2': jnp.zeros((R2,), jnp.float32),
        'recs_w1': _glorot(ks[14], (ZDIM, FUSION)), 'recs_b1': jnp.zeros((FUSION,), jnp.float32),
        'recs_w2': _glorot(ks[15], (FUSION, RS)), 'recs_b2': jnp.zeros((RS,), jnp.float32),
    }
    return {'x_omics1': x_omics1, 'x_omics2': x_omics2, 'edge_index': edge_index, 'params': params}


def _gcn(x, w, b, src, dst, n):
    # PyG GCNConv: x' = D^{-1/2}(A+I)D^{-1/2} (x W) + b
    x = x @ w
    loop = jnp.arange(n)
    s = jnp.concatenate([src, loop])
    d = jnp.concatenate([dst, loop])
    deg = jax.ops.segment_sum(jnp.ones(s.shape[0], x.dtype), d, num_segments=n)
    dinv = jnp.where(deg > 0, 1.0 / jnp.sqrt(deg), 0.0)
    norm = dinv[s] * dinv[d]
    out = jax.ops.segment_sum(x[s] * norm[:, None], d, num_segments=n)
    return out + b


def _forward(x1, x2, p, src, dst):
    h1 = jax.nn.relu(_gcn(x1, p['gcn1_w1'], p['gcn1_b1'], src, dst, N))
    h1 = jax.nn.relu(_gcn(h1, p['gcn1_w2'], p['gcn1_b2'], src, dst, N))
    h2 = jax.nn.relu(_gcn(x2, p['gcn2_w1'], p['gcn2_b1'], src, dst, N))
    h2 = jax.nn.relu(_gcn(h2, p['gcn2_w2'], p['gcn2_b2'], src, dst, N))
    h = jnp.concatenate([h1, h2], axis=-1)
    h = jax.nn.relu(h @ p['fuse_w'] + p['fuse_b'])
    mu = h @ p['mu_w'] + p['mu_b']
    logvar = h @ p['logvar_w'] + p['logvar_b']
    std = jnp.exp(0.5 * logvar)
    eps = jax.random.normal(jax.random.key(42), mu.shape, mu.dtype)
    z = mu + eps * std
    xhat1 = jax.nn.relu(z @ p['rec1_w1'] + p['rec1_b1']) @ p['rec1_w2'] + p['rec1_b2']
    xhat2 = jax.nn.relu(z @ p['rec2_w1'] + p['rec2_b1']) @ p['rec2_w2'] + p['rec2_b2']
    xhat_s = jax.nn.relu(z @ p['recs_w1'] + p['recs_b1']) @ p['recs_w2'] + p['recs_b2']
    adj_pred = jax.nn.sigmoid(jnp.sum(z[src] * z[dst], axis=-1))
    return (z, mu, logvar, xhat1, xhat2, xhat_s, adj_pred)


def reference(x_omics1, x_omics2, edge_index, params):
    src = edge_index[0]
    dst = edge_index[1]
    return _forward(x_omics1, x_omics2, params, src, dst)

if __name__ == "__main__":
    import jax
    _d = setup_inputs()
    print(jax.jit(kernel)(*tuple(_d.values())))

</pallas_src>

<mosaic_0001>
#map = affine_map<(d0, d1) -> (0, 0, 0)>
#map1 = affine_map<(d0, d1) -> (0, 0)>
module attributes {stable_mosaic.version = 14 : i64} {
  func.func @k(%arg0: i32, %arg1: i32, %arg2: memref<32x40x128xi32, #tpu.memory_space<hbm>>, %arg3: memref<640x16xf32, #tpu.memory_space<hbm>>, %arg4: memref<128x16xf32, #tpu.memory_space<hbm>>, %arg5: memref<2x10240x16xf32, #tpu.memory_space<hbm>>, %arg6: memref<40x128xi32, #tpu.memory_space<vmem>>, %arg7: memref<128x16xf32, #tpu.memory_space<vmem>>, %arg8: memref<10240x16xf32, #tpu.memory_space<vmem_shared>>) attributes {dimension_semantics = [#tpu.dimension_semantics<core_parallel>, #tpu.dimension_semantics<subcore_parallel>], iteration_bounds = array<i64: 2, 16>, scalar_prefetch = 0 : i64, scratch_operands = 3 : i64, tpu.core_type = #tpu.core_type<sc_vector_subcore>, window_params = [{transform_indices = #map}, {transform_indices = #map1}, {transform_indices = #map1}, {transform_indices = #map}]} {
    %mul3A = arith.constant 2 : i32
    %mul3A_0 = arith.muli %arg1, %mul3A : i32
    %add3A = arith.addi %mul3A_0, %arg0 : i32
    %mul3A_1 = arith.constant 640 : i32
    %mul3A_2 = arith.muli %arg1, %mul3A_1 : i32
    "tpu.region"() ({
      %run_scoped3A = tpu.sem_alloc : memref<!tpu.dma_semaphore, #tpu.memory_space<semaphore_mem>>
      %dma_start3A = arith.constant 0 : i32
      %dma_start3A_12 = tpu.memref_slice %arg8[%mul3A_2, %dma_start3A] : memref<10240x16xf32, #tpu.memory_space<vmem_shared>> -> memref<640x16xf32, #tpu.memory_space<vmem_shared>>
      %dma_start3A_13 = arith.constant 0 : i32
      %dma_start3A_14 = arith.constant 0 : i32
      %dma_start3A_15 = tpu.memref_slice %arg3[%dma_start3A_13, %dma_start3A_14] : memref<640x16xf32, #tpu.memory_space<hbm>> -> memref<640x16xf32, #tpu.memory_space<hbm>>
      tpu.enqueue_dma source(%dma_start3A_15 : memref<640x16xf32, #tpu.memory_space<hbm>>) target(%dma_start3A_12 : memref<640x16xf32, #tpu.memory_space<vmem_shared>>) target_semaphore(%run_scoped3A : memref<!tpu.dma_semaphore, #tpu.memory_space<semaphore_mem>>)
      %dma_wait3A = arith.constant 0 : i32
      %dma_wait3A_16 = tpu.memref_slice %arg8[%mul3A_2, %dma_wait3A] : memref<10240x16xf32, #tpu.memory_space<vmem_shared>> -> memref<640x16xf32, #tpu.memory_space<vmem_shared>>
      %dma_wait3A_17 = arith.constant 0 : i32
      %dma_wait3A_18 = arith.constant 0 : i32
      %dma_wait3A_19 = tpu.memref_slice %arg3[%dma_wait3A_17, %dma_wait3A_18] : memref<640x16xf32, #tpu.memory_space<hbm>> -> memref<640x16xf32, #tpu.memory_space<hbm>>
      tpu.wait_dma2 semaphore(%run_scoped3A : memref<!tpu.dma_semaphore, #tpu.memory_space<semaphore_mem>>) src(%dma_wait3A_19 : memref<640x16xf32, #tpu.memory_space<hbm>>) dst(%dma_wait3A_16 : memref<640x16xf32, #tpu.memory_space<vmem_shared>>)
      tpu.yield
    }) : () -> ()
    "tpu.region"() ({
      %run_scoped3A = tpu.sem_alloc : memref<!tpu.dma_semaphore, #tpu.memory_space<semaphore_mem>>
      %dma_start3A = arith.constant 0 : i32
      %dma_start3A_12 = arith.constant 0 : i32
      %dma_start3A_13 = tpu.memref_slice %arg2[%add3A, %dma_start3A, %dma_start3A_12] : memref<32x40x128xi32, #tpu.memory_space<hbm>> -> memref<1x40x128xi32, #tpu.memory_space<hbm>>
      %dma_start3A_14 = tpu.memref_squeeze %dma_start3A_13 : memref<1x40x128xi32, #tpu.memory_space<hbm>> -> memref<40x128xi32, #tpu.memory_space<hbm>>
      %dma_start3A_15 = arith.constant 0 : i32
      %dma_start3A_16 = arith.constant 0 : i32
      %dma_start3A_17 = tpu.memref_slice %arg2[%add3A, %dma_start3A_15, %dma_start3A_16] : memref<32x40x128xi32, #tpu.memory_space<hbm>> -> memref<1x40x128xi32, #tpu.memory_space<hbm>>
      %dma_start3A_18 = tpu.memref_squeeze %dma_start3A_17 : memref<1x40x128xi32, #tpu.memory_space<hbm>> -> memref<40x128xi32, #tpu.memory_space<hbm>>
      tpu.enqueue_dma source(%dma_start3A_18 : memref<40x128xi32, #tpu.memory_space<hbm>>) target(%arg6 : memref<40x128xi32, #tpu.memory_space<vmem>>) target_semaphore(%run_scoped3A : memref<!tpu.dma_semaphore, #tpu.memory_space<semaphore_mem>>)
      %dma_wait3A = arith.constant 0 : i32
      %dma_wait3A_19 = arith.constant 0 : i32
      %dma_wait3A_20 = tpu.memref_slice %arg2[%add3A, %dma_wait3A, %dma_wait3A_19] : memref<32x40x128xi32, #tpu.memory_space<hbm>> -> memref<1x40x128xi32, #tpu.memory_space<hbm>>
      %dma_wait3A_21 = tpu.memref_squeeze %dma_wait3A_20 : memref<1x40x128xi32, #tpu.memory_space<hbm>> -> memref<40x128xi32, #tpu.memory_space<hbm>>
      %dma_wait3A_22 = arith.constant 0 : i32
      %dma_wait3A_23 = arith.constant 0 : i32
      %dma_wait3A_24 = tpu.memref_slice %arg2[%add3A, %dma_wait3A_22, %dma_wait3A_23] : memref<32x40x128xi32, #tpu.memory_space<hbm>> -> memref<1x40x128xi32, #tpu.memory_space<hbm>>
      %dma_wait3A_25 = tpu.memref_squeeze %dma_wait3A_24 : memref<1x40x128xi32, #tpu.memory_space<hbm>> -> memref<40x128xi32, #tpu.memory_space<hbm>>
      tpu.wait_dma2 semaphore(%run_scoped3A : memref<!tpu.dma_semaphore, #tpu.memory_space<semaphore_mem>>) src(%dma_wait3A_25 : memref<40x128xi32, #tpu.memory_space<hbm>>) dst(%arg6 : memref<40x128xi32, #tpu.memory_space<vmem>>)
      tpu.yield
    }) : () -> ()
    "tpu.region"() ({
      %run_scoped3A = tpu.sem_alloc : memref<!tpu.dma_semaphore, #tpu.memory_space<semaphore_mem>>
      tpu.enqueue_dma source(%arg4 : memref<128x16xf32, #tpu.memory_space<hbm>>) target(%arg7 : memref<128x16xf32, #tpu.memory_space<vmem>>) target_semaphore(%run_scoped3A : memref<!tpu.dma_semaphore, #tpu.memory_space<semaphore_mem>>)
      tpu.wait_dma2 semaphore(%run_scoped3A : memref<!tpu.dma_semaphore, #tpu.memory_space<semaphore_mem>>) src(%arg4 : memref<128x16xf32, #tpu.memory_space<hbm>>) dst(%arg7 : memref<128x16xf32, #tpu.memory_space<vmem>>)
      tpu.yield
    }) : () -> ()
    %barrier3A = arith.constant 0 : index
    tpu.barrier barrier_id(%barrier3A)
    %scan3A = arith.constant 0 : i32
    %scan3A_3 = arith.constant 40 : i32
    %scan3A_4 = arith.addi %scan3A, %scan3A_3 : i32
    %scan3A_5 = arith.constant 1 : i32
    scf.for %scan3A_12 = %scan3A to %scan3A_4 step %scan3A_5  : i32 {
      %mul3A_13 = arith.constant 1 : i32
      %mul3A_14 = arith.muli %scan3A_12, %mul3A_13 : i32
      %add3A_15 = arith.constant 0 : i32
      %add3A_16 = arith.addi %add3A_15, %mul3A_14 : i32
      "tpu.region"() ({
        %run_scoped3A = tpu.sem_alloc : memref<!tpu.dma_semaphore, #tpu.memory_space<semaphore_mem>>
        %dma_start3A = arith.constant 0 : i32
        %dma_start3A_17 = tpu.memref_slice %arg6[%add3A_16, %dma_start3A] : memref<40x128xi32, #tpu.memory_space<vmem>> -> memref<1x128xi32, #tpu.memory_space<vmem>>
        %dma_start3A_18 = tpu.memref_squeeze %dma_start3A_17 : memref<1x128xi32, #tpu.memory_space<vmem>> -> memref<128xi32, #tpu.memory_space<vmem>>
        %dma_start3A_19 = arith.constant 0 : i32
        %dma_start3A_20 = arith.constant 0 : i32
        %dma_start3A_21 = tpu.memref_slice %arg8[%dma_start3A_19, %dma_start3A_20] : memref<10240x16xf32, #tpu.memory_space<vmem_shared>> -> memref<10240x16xf32, #tpu.memory_space<vmem_shared>>
        tpu.enqueue_indirect_dma source(%arg7 : memref<128x16xf32, #tpu.memory_space<vmem>>) target(%dma_start3A_21 : memref<10240x16xf32, #tpu.memory_space<vmem_shared>>) offsets(%dma_start3A_18 : memref<128xi32, #tpu.memory_space<vmem>>) semaphore(%run_scoped3A : memref<!tpu.dma_semaphore, #tpu.memory_space<semaphore_mem>>) {add = true}
        %dma_wait3A = arith.constant 0 : i32
        %dma_wait3A_22 = tpu.memref_slice %arg6[%add3A_16, %dma_wait3A] : memref<40x128xi32, #tpu.memory_space<vmem>> -> memref<1x128xi32, #tpu.memory_space<vmem>>
        %dma_wait3A_23 = tpu.memref_squeeze %dma_wait3A_22 : memref<1x128xi32, #tpu.memory_space<vmem>> -> memref<128xi32, #tpu.memory_space<vmem>>
        %dma_wait3A_24 = arith.constant 0 : i32
        %dma_wait3A_25 = arith.constant 0 : i32
        %dma_wait3A_26 = tpu.memref_slice %arg8[%dma_wait3A_24, %dma_wait3A_25] : memref<10240x16xf32, #tpu.memory_space<vmem_shared>> -> memref<10240x16xf32, #tpu.memory_space<vmem_shared>>
        tpu.wait_indirect_dma semaphore(%run_scoped3A : memref<!tpu.dma_semaphore, #tpu.memory_space<semaphore_mem>>) src(%arg7 : memref<128x16xf32, #tpu.memory_space<vmem>>) dst(%dma_wait3A_26 : memref<10240x16xf32, #tpu.memory_space<vmem_shared>>)
        tpu.yield
      }) : () -> ()
    }
    %scan3A_6 = arith.constant 40 : i32
    %barrier3A_7 = arith.constant 0 : index
    tpu.barrier barrier_id(%barrier3A_7)
    %mul3A_8 = arith.constant 640 : i32
    %mul3A_9 = arith.muli %arg1, %mul3A_8 : i32
    %mul3A_10 = arith.constant 640 : i32
    %mul3A_11 = arith.muli %arg1, %mul3A_10 : i32
    "tpu.region"() ({
      %run_scoped3A = tpu.sem_alloc : memref<!tpu.dma_semaphore, #tpu.memory_space<semaphore_mem>>
      %dma_start3A = arith.constant 0 : i32
      %dma_start3A_12 = tpu.memref_slice %arg5[%arg0, %mul3A_11, %dma_start3A] : memref<2x10240x16xf32, #tpu.memory_space<hbm>> -> memref<1x640x16xf32, #tpu.memory_space<hbm>>
      %dma_start3A_13 = tpu.memref_squeeze %dma_start3A_12 : memref<1x640x16xf32, #tpu.memory_space<hbm>> -> memref<640x16xf32, #tpu.memory_space<hbm>>
      %dma_start3A_14 = arith.constant 0 : i32
      %dma_start3A_15 = tpu.memref_slice %arg8[%mul3A_9, %dma_start3A_14] : memref<10240x16xf32, #tpu.memory_space<vmem_shared>> -> memref<640x16xf32, #tpu.memory_space<vmem_shared>>
      tpu.enqueue_dma source(%dma_start3A_15 : memref<640x16xf32, #tpu.memory_space<vmem_shared>>) target(%dma_start3A_13 : memref<640x16xf32, #tpu.memory_space<hbm>>) target_semaphore(%run_scoped3A : memref<!tpu.dma_semaphore, #tpu.memory_space<semaphore_mem>>)
      %dma_wait3A = arith.constant 0 : i32
      %dma_wait3A_16 = tpu.memref_slice %arg5[%arg0, %mul3A_11, %dma_wait3A] : memref<2x10240x16xf32, #tpu.memory_space<hbm>> -> memref<1x640x16xf32, #tpu.memory_space<hbm>>
      %dma_wait3A_17 = tpu.memref_squeeze %dma_wait3A_16 : memref<1x640x16xf32, #tpu.memory_space<hbm>> -> memref<640x16xf32, #tpu.memory_space<hbm>>
      %dma_wait3A_18 = arith.constant 0 : i32
      %dma_wait3A_19 = tpu.memref_slice %arg8[%mul3A_9, %dma_wait3A_18] : memref<10240x16xf32, #tpu.memory_space<vmem_shared>> -> memref<640x16xf32, #tpu.memory_space<vmem_shared>>
      tpu.wait_dma2 semaphore(%run_scoped3A : memref<!tpu.dma_semaphore, #tpu.memory_space<semaphore_mem>>) src(%dma_wait3A_19 : memref<640x16xf32, #tpu.memory_space<vmem_shared>>) dst(%dma_wait3A_17 : memref<640x16xf32, #tpu.memory_space<hbm>>)
      tpu.yield
    }) : () -> ()
    return
  }
}

#map = affine_map<(d0, d1) -> (0, 0)>
#map1 = affine_map<(d0, d1) -> (0, 0, 0)>
module attributes {stable_mosaic.version = 14 : i64} {
  func.func @k(%arg0: i32, %arg1: i32, %arg2: memref<10000x128xf32, #tpu.memory_space<hbm>>, %arg3: memref<32x40x128xi32, #tpu.memory_space<hbm>>, %arg4: memref<32x40x128xi32, #tpu.memory_space<hbm>>, %arg5: memref<640x128xf32, #tpu.memory_space<hbm>>, %arg6: memref<2x10240x128xf32, #tpu.memory_space<hbm>>, %arg7: memref<40x128xi32, #tpu.memory_space<vmem>>, %arg8: memref<40x128xi32, #tpu.memory_space<vmem>>, %arg9: memref<128x128xf32, #tpu.memory_space<vmem>>, %arg10: memref<128x128xf32, #tpu.memory_space<vmem>>, %arg11: memref<10240x128xf32, #tpu.memory_space<vmem_shared>>, %arg12: memref<!tpu.dma_semaphore, #tpu.memory_space<semaphore_mem>>, %arg13: memref<!tpu.dma_semaphore, #tpu.memory_space<semaphore_mem>>) attributes {dimension_semantics = [#tpu.dimension_semantics<core_parallel>, #tpu.dimension_semantics<subcore_parallel>], iteration_bounds = array<i64: 2, 16>, scalar_prefetch = 0 : i64, scratch_operands = 7 : i64, tpu.core_type = #tpu.core_type<sc_vector_subcore>, window_params = [{transform_indices = #map}, {transform_indices = #map1}, {transform_indices = #map1}, {transform_indices = #map}, {transform_indices = #map1}]} {
    %mul3A = arith.constant 2 : i32
    %mul3A_0 = arith.muli %arg1, %mul3A : i32
    %add3A = arith.addi %mul3A_0, %arg0 : i32
    %mul3A_1 = arith.constant 640 : i32
    %mul3A_2 = arith.muli %arg1, %mul3A_1 : i32
    "tpu.region"() ({
      %run_scoped3A = tpu.sem_alloc : memref<!tpu.dma_semaphore, #tpu.memory_space<semaphore_mem>>
      %dma_start3A_18 = arith.constant 0 : i32
      %dma_start3A_19 = tpu.memref_slice %arg11[%mul3A_2, %dma_start3A_18] : memref<10240x128xf32, #tpu.memory_space<vmem_shared>> -> memref<640x128xf32, #tpu.memory_space<vmem_shared>>
      %dma_start3A_20 = arith.constant 0 : i32
      %dma_start3A_21 = arith.constant 0 : i32
      %dma_start3A_22 = tpu.memref_slice %arg5[%dma_start3A_20, %dma_start3A_21] : memref<640x128xf32, #tpu.memory_space<hbm>> -> memref<640x128xf32, #tpu.memory_space<hbm>>
      tpu.enqueue_dma source(%dma_start3A_22 : memref<640x128xf32, #tpu.memory_space<hbm>>) target(%dma_start3A_19 : memref<640x128xf32, #tpu.memory_space<vmem_shared>>) target_semaphore(%run_scoped3A : memref<!tpu.dma_semaphore, #tpu.memory_space<semaphore_mem>>)
      %dma_wait3A = arith.constant 0 : i32
      %dma_wait3A_23 = tpu.memref_slice %arg11[%mul3A_2, %dma_wait3A] : memref<10240x128xf32, #tpu.memory_space<vmem_shared>> -> memref<640x128xf32, #tpu.memory_space<vmem_shared>>
      %dma_wait3A_24 = arith.constant 0 : i32
      %dma_wait3A_25 = arith.constant 0 : i32
      %dma_wait3A_26 = tpu.memref_slice %arg5[%dma_wait3A_24, %dma_wait3A_25] : memref<640x128xf32, #tpu.memory_space<hbm>> -> memref<640x128xf32, #tpu.memory_space<hbm>>
      tpu.wait_dma2 semaphore(%run_scoped3A : memref<!tpu.dma_semaphore, #tpu.memory_space<semaphore_mem>>) src(%dma_wait3A_26 : memref<640x128xf32, #tpu.memory_space<hbm>>) dst(%dma_wait3A_23 : memref<640x128xf32, #tpu.memory_space<vmem_shared>>)
      tpu.yield
    }) : () -> ()
    "tpu.region"() ({
      %run_scoped3A = tpu.sem_alloc : memref<!tpu.dma_semaphore, #tpu.memory_space<semaphore_mem>>
      %dma_start3A_18 = arith.constant 0 : i32
      %dma_start3A_19 = arith.constant 0 : i32
      %dma_start3A_20 = tpu.memref_slice %arg3[%add3A, %dma_start3A_18, %dma_start3A_19] : memref<32x40x128xi32, #tpu.memory_space<hbm>> -> memref<1x40x128xi32, #tpu.memory_space<hbm>>
      %dma_start3A_21 = tpu.memref_squeeze %dma_start3A_20 : memref<1x40x128xi32, #tpu.memory_space<hbm>> -> memref<40x128xi32, #tpu.memory_space<hbm>>
      %dma_start3A_22 = arith.constant 0 : i32
      %dma_start3A_23 = arith.constant 0 : i32
      %dma_start3A_24 = tpu.memref_slice %arg3[%add3A, %dma_start3A_22, %dma_start3A_23] : memref<32x40x128xi32, #tpu.memory_space<hbm>> -> memref<1x40x128xi32, #tpu.memory_space<hbm>>
      %dma_start3A_25 = tpu.memref_squeeze %dma_start3A_24 : memref<1x40x128xi32, #tpu.memory_space<hbm>> -> memref<40x128xi32, #tpu.memory_space<hbm>>
      tpu.enqueue_dma source(%dma_start3A_25 : memref<40x128xi32, #tpu.memory_space<hbm>>) target(%arg7 : memref<40x128xi32, #tpu.memory_space<vmem>>) target_semaphore(%run_scoped3A : memref<!tpu.dma_semaphore, #tpu.memory_space<semaphore_mem>>)
      %dma_wait3A = arith.constant 0 : i32
      %dma_wait3A_26 = arith.constant 0 : i32
      %dma_wait3A_27 = tpu.memref_slice %arg3[%add3A, %dma_wait3A, %dma_wait3A_26] : memref<32x40x128xi32, #tpu.memory_space<hbm>> -> memref<1x40x128xi32, #tpu.memory_space<hbm>>
      %dma_wait3A_28 = tpu.memref_squeeze %dma_wait3A_27 : memref<1x40x128xi32, #tpu.memory_space<hbm>> -> memref<40x128xi32, #tpu.memory_space<hbm>>
      %dma_wait3A_29 = arith.constant 0 : i32
      %dma_wait3A_30 = arith.constant 0 : i32
      %dma_wait3A_31 = tpu.memref_slice %arg3[%add3A, %dma_wait3A_29, %dma_wait3A_30] : memref<32x40x128xi32, #tpu.memory_space<hbm>> -> memref<1x40x128xi32, #tpu.memory_space<hbm>>
      %dma_wait3A_32 = tpu.memref_squeeze %dma_wait3A_31 : memref<1x40x128xi32, #tpu.memory_space<hbm>> -> memref<40x128xi32, #tpu.memory_space<hbm>>
      tpu.wait_dma2 semaphore(%run_scoped3A : memref<!tpu.dma_semaphore, #tpu.memory_space<semaphore_mem>>) src(%dma_wait3A_32 : memref<40x128xi32, #tpu.memory_space<hbm>>) dst(%arg7 : memref<40x128xi32, #tpu.memory_space<vmem>>)
      tpu.yield
    }) : () -> ()
    "tpu.region"() ({
      %run_scoped3A = tpu.sem_alloc : memref<!tpu.dma_semaphore, #tpu.memory_space<semaphore_mem>>
      %dma_start3A_18 = arith.constant 0 : i32
      %dma_start3A_19 = arith.constant 0 : i32
      %dma_start3A_20 = tpu.memref_slice %arg4[%add3A, %dma_start3A_18, %dma_start3A_19] : memref<32x40x128xi32, #tpu.memory_space<hbm>> -> memref<1x40x128xi32, #tpu.memory_space<hbm>>
      %dma_start3A_21 = tpu.memref_squeeze %dma_start3A_20 : memref<1x40x128xi32, #tpu.memory_space<hbm>> -> memref<40x128xi32, #tpu.memory_space<hbm>>
      %dma_start3A_22 = arith.constant 0 : i32
      %dma_start3A_23 = arith.constant 0 : i32
      %dma_start3A_24 = tpu.memref_slice %arg4[%add3A, %dma_start3A_22, %dma_start3A_23] : memref<32x40x128xi32, #tpu.memory_space<hbm>> -> memref<1x40x128xi32, #tpu.memory_space<hbm>>
      %dma_start3A_25 = tpu.memref_squeeze %dma_start3A_24 : memref<1x40x128xi32, #tpu.memory_space<hbm>> -> memref<40x128xi32, #tpu.memory_space<hbm>>
      tpu.enqueue_dma source(%dma_start3A_25 : memref<40x128xi32, #tpu.memory_space<hbm>>) target(%arg8 : memref<40x128xi32, #tpu.memory_space<vmem>>) target_semaphore(%run_scoped3A : memref<!tpu.dma_semaphore, #tpu.memory_space<semaphore_mem>>)
      %dma_wait3A = arith.constant 0 : i32
      %dma_wait3A_26 = arith.constant 0 : i32
      %dma_wait3A_27 = tpu.memref_slice %arg4[%add3A, %dma_wait3A, %dma_wait3A_26] : memref<32x40x128xi32, #tpu.memory_space<hbm>> -> memref<1x40x128xi32, #tpu.memory_space<hbm>>
      %dma_wait3A_28 = tpu.memref_squeeze %dma_wait3A_27 : memref<1x40x128xi32, #tpu.memory_space<hbm>> -> memref<40x128xi32, #tpu.memory_space<hbm>>
      %dma_wait3A_29 = arith.constant 0 : i32
      %dma_wait3A_30 = arith.constant 0 : i32
      %dma_wait3A_31 = tpu.memref_slice %arg4[%add3A, %dma_wait3A_29, %dma_wait3A_30] : memref<32x40x128xi32, #tpu.memory_space<hbm>> -> memref<1x40x128xi32, #tpu.memory_space<hbm>>
      %dma_wait3A_32 = tpu.memref_squeeze %dma_wait3A_31 : memref<1x40x128xi32, #tpu.memory_space<hbm>> -> memref<40x128xi32, #tpu.memory_space<hbm>>
      tpu.wait_dma2 semaphore(%run_scoped3A : memref<!tpu.dma_semaphore, #tpu.memory_space<semaphore_mem>>) src(%dma_wait3A_32 : memref<40x128xi32, #tpu.memory_space<hbm>>) dst(%arg8 : memref<40x128xi32, #tpu.memory_space<vmem>>)
      tpu.yield
    }) : () -> ()
    %barrier3A = arith.constant 0 : index
    tpu.barrier barrier_id(%barrier3A)
    %dma_start3A = arith.constant 0 : i32
    %dma_start3A_3 = arith.constant 0 : i32
    %dma_start3A_4 = tpu.memref_slice %arg7[%dma_start3A, %dma_start3A_3] : memref<40x128xi32, #tpu.memory_space<vmem>> -> memref<1x128xi32, #tpu.memory_space<vmem>>
    %dma_start3A_5 = tpu.memref_squeeze %dma_start3A_4 : memref<1x128xi32, #tpu.memory_space<vmem>> -> memref<128xi32, #tpu.memory_space<vmem>>
    %dma_start3A_6 = arith.constant 0 : i32
    %dma_start3A_7 = arith.constant 0 : i32
    %dma_start3A_8 = tpu.memref_slice %arg2[%dma_start3A_6, %dma_start3A_7] : memref<10000x128xf32, #tpu.memory_space<hbm>> -> memref<10000x128xf32, #tpu.memory_space<hbm>>
    tpu.enqueue_indirect_dma source(%dma_start3A_8 : memref<10000x128xf32, #tpu.memory_space<hbm>>) target(%arg9 : memref<128x128xf32, #tpu.memory_space<vmem>>) offsets(%dma_start3A_5 : memref<128xi32, #tpu.memory_space<vmem>>) semaphore(%arg12 : memref<!tpu.dma_semaphore, #tpu.memory_space<semaphore_mem>>)
    %scan3A = arith.constant 0 : i32
    %scan3A_9 = arith.constant 20 : i32
    %scan3A_10 = arith.addi %scan3A, %scan3A_9 : i32
    %scan3A_11 = arith.constant 1 : i32
    scf.for %scan3A_18 = %scan3A to %scan3A_10 step %scan3A_11  : i32 {
      %mul3A_19 = arith.constant 2 : i32
      %mul3A_20 = arith.muli %scan3A_18, %mul3A_19 : i32
      %add3A_21 = arith.constant 0 : i32
      %add3A_22 = arith.addi %add3A_21, %mul3A_20 : i32
      %add3A_23 = arith.constant 1 : i32
      %add3A_24 = arith.addi %add3A_22, %add3A_23 : i32
      %dma_start3A_25 = arith.constant 0 : i32
      %dma_start3A_26 = tpu.memref_slice %arg7[%add3A_24, %dma_start3A_25] : memref<40x128xi32, #tpu.memory_space<vmem>> -> memref<1x128xi32, #tpu.memory_space<vmem>>
      %dma_start3A_27 = tpu.memref_squeeze %dma_start3A_26 : memref<1x128xi32, #tpu.memory_space<vmem>> -> memref<128xi32, #tpu.memory_space<vmem>>
      %dma_start3A_28 = arith.constant 0 : i32
      %dma_start3A_29 = arith.constant 0 : i32
      %dma_start3A_30 = tpu.memref_slice %arg2[%dma_start3A_28, %dma_start3A_29] : memref<10000x128xf32, #tpu.memory_space<hbm>> -> memref<10000x128xf32, #tpu.memory_space<hbm>>
      tpu.enqueue_indirect_dma source(%dma_start3A_30 : memref<10000x128xf32, #tpu.memory_space<hbm>>) target(%arg10 : memref<128x128xf32, #tpu.memory_space<vmem>>) offsets(%dma_start3A_27 : memref<128xi32, #tpu.memory_space<vmem>>) semaphore(%arg13 : memref<!tpu.dma_semaphore, #tpu.memory_space<semaphore_mem>>)
      %dma_wait3A = arith.constant 0 : i32
      %dma_wait3A_31 = tpu.memref_slice %arg7[%add3A_22, %dma_wait3A] : memref<40x128xi32, #tpu.memory_space<vmem>> -> memref<1x128xi32, #tpu.memory_space<vmem>>
      %dma_wait3A_32 = tpu.memref_squeeze %dma_wait3A_31 : memref<1x128xi32, #tpu.memory_space<vmem>> -> memref<128xi32, #tpu.memory_space<vmem>>
      %dma_wait3A_33 = arith.constant 0 : i32
      %dma_wait3A_34 = arith.constant 0 : i32
      %dma_wait3A_35 = tpu.memref_slice %arg2[%dma_wait3A_33, %dma_wait3A_34] : memref<10000x128xf32, #tpu.memory_space<hbm>> -> memref<10000x128xf32, #tpu.memory_space<hbm>>
      tpu.wait_indirect_dma semaphore(%arg12 : memref<!tpu.dma_semaphore, #tpu.memory_space<semaphore_mem>>) src(%dma_wait3A_35 : memref<10000x128xf32, #tpu.memory_space<hbm>>) dst(%arg9 : memref<128x128xf32, #tpu.memory_space<vmem>>)
      "tpu.region"() ({
        %run_scoped3A = tpu.sem_alloc : memref<!tpu.dma_semaphore, #tpu.memory_space<semaphore_mem>>
        %dma_start3A_50 = arith.constant 0 : i32
        %dma_start3A_51 = tpu.memref_slice %arg8[%add3A_22, %dma_start3A_50] : memref<40x128xi32, #tpu.memory_space<vmem>> -> memref<1x128xi32, #tpu.memory_space<vmem>>
        %dma_start3A_52 = tpu.memref_squeeze %dma_start3A_51 : memref<1x128xi32, #tpu.memory_space<vmem>> -> memref<128xi32, #tpu.memory_space<vmem>>
        %dma_start3A_53 = arith.constant 0 : i32
        %dma_start3A_54 = arith.constant 0 : i32
        %dma_start3A_55 = tpu.memref_slice %arg11[%dma_start3A_53, %dma_start3A_54] : memref<10240x128xf32, #tpu.memory_space<vmem_shared>> -> memref<10240x128xf32, #tpu.memory_space<vmem_shared>>
        tpu.enqueue_indirect_dma source(%arg9 : memref<128x128xf32, #tpu.memory_space<vmem>>) target(%dma_start3A_55 : memref<10240x128xf32, #tpu.memory_space<vmem_shared>>) offsets(%dma_start3A_52 : memref<128xi32, #tpu.memory_space<vmem>>) semaphore(%run_scoped3A : memref<!tpu.dma_semaphore, #tpu.memory_space<semaphore_mem>>) {add = true}
        %dma_wait3A_56 = arith.constant 0 : i32
        %dma_wait3A_57 = tpu.memref_slice %arg8[%add3A_22, %dma_wait3A_56] : memref<40x128xi32, #tpu.memory_space<vmem>> -> memref<1x128xi32, #tpu.memory_space<vmem>>
        %dma_wait3A_58 = tpu.memref_squeeze %dma_wait3A_57 : memref<1x128xi32, #tpu.memory_space<vmem>> -> memref<128xi32, #tpu.memory_space<vmem>>
        %dma_wait3A_59 = arith.constant 0 : i32
        %dma_wait3A_60 = arith.constant 0 : i32
        %dma_wait3A_61 = tpu.memref_slice %arg11[%dma_wait3A_59, %dma_wait3A_60] : memref<10240x128xf32, #tpu.memory_space<vmem_shared>> -> memref<10240x128xf32, #tpu.memory_space<vmem_shared>>
        tpu.wait_indirect_dma semaphore(%run_scoped3A : memref<!tpu.dma_semaphore, #tpu.memory_space<semaphore_mem>>) src(%arg9 : memref<128x128xf32, #tpu.memory_space<vmem>>) dst(%dma_wait3A_61 : memref<10240x128xf32, #tpu.memory_space<vmem_shared>>)
        tpu.yield
      }) : () -> ()
      %add3A_36 = arith.constant 2 : i32
      %add3A_37 = arith.addi %add3A_22, %add3A_36 : i32
      %lt3A = arith.constant 40 : i32
      %lt3A_38 = arith.cmpi slt, %add3A_37, %lt3A : i32
      %convert_element_type3A = arith.extui %lt3A_38 : i1 to i32
      %cond3A = arith.constant 0 : i32
      %cond3A_39 = arith.cmpi ne, %convert_element_type3A, %cond3A : i32
      scf.if %cond3A_39 {
        %add3A_50 = arith.constant 2 : i32
        %add3A_51 = arith.addi %add3A_22, %add3A_50 : i32
        %dma_start3A_52 = arith.constant 0 : i32
        %dma_start3A_53 = tpu.memref_slice %arg7[%add3A_51, %dma_start3A_52] : memref<40x128xi32, #tpu.memory_space<vmem>> -> memref<1x128xi32, #tpu.memory_space<vmem>>
        %dma_start3A_54 = tpu.memref_squeeze %dma_start3A_53 : memref<1x128xi32, #tpu.memory_space<vmem>> -> memref<128xi32, #tpu.memory_space<vmem>>
        %dma_start3A_55 = arith.constant 0 : i32
        %dma_start3A_56 = arith.constant 0 : i32
        %dma_start3A_57 = tpu.memref_slice %arg2[%dma_start3A_55, %dma_start3A_56] : memref<10000x128xf32, #tpu.memory_space<hbm>> -> memref<10000x128xf32, #tpu.memory_space<hbm>>
        tpu.enqueue_indirect_dma source(%dma_start3A_57 : memref<10000x128xf32, #tpu.memory_space<hbm>>) target(%arg9 : memref<128x128xf32, #tpu.memory_space<vmem>>) offsets(%dma_start3A_54 : memref<128xi32, #tpu.memory_space<vmem>>) semaphore(%arg12 : memref<!tpu.dma_semaphore, #tpu.memory_space<semaphore_mem>>)
      } else {
      }
      %add3A_40 = arith.constant 1 : i32
      %add3A_41 = arith.addi %add3A_22, %add3A_40 : i32
      %dma_wait3A_42 = arith.constant 0 : i32
      %dma_wait3A_43 = tpu.memref_slice %arg7[%add3A_41, %dma_wait3A_42] : memref<40x128xi32, #tpu.memory_space<vmem>> -> memref<1x128xi32, #tpu.memory_space<vmem>>
      %dma_wait3A_44 = tpu.memref_squeeze %dma_wait3A_43 : memref<1x128xi32, #tpu.memory_space<vmem>> -> memref<128xi32, #tpu.memory_space<vmem>>
      %dma_wait3A_45 = arith.constant 0 : i32
      %dma_wait3A_46 = arith.constant 0 : i32
      %dma_wait3A_47 = tpu.memref_slice %arg2[%dma_wait3A_45, %dma_wait3A_46] : memref<10000x128xf32, #tpu.memory_space<hbm>> -> memref<10000x128xf32, #tpu.memory_space<hbm>>
      tpu.wait_indirect_dma semaphore(%arg13 : memref<!tpu.dma_semaphore, #tpu.memory_space<semaphore_mem>>) src(%dma_wait3A_47 : memref<10000x128xf32, #tpu.memory_space<hbm>>) dst(%arg10 : memref<128x128xf32, #tpu.memory_space<vmem>>)
      %add3A_48 = arith.constant 1 : i32
      %add3A_49 = arith.addi %add3A_22, %add3A_48 : i32
      "tpu.region"() ({
        %run_scoped3A = tpu.sem_alloc : memref<!tpu.dma_semaphore, #tpu.memory_space<semaphore_mem>>
        %dma_start3A_50 = arith.constant 0 : i32
        %dma_start3A_51 = tpu.memref_slice %arg8[%add3A_49, %dma_start3A_50] : memref<40x128xi32, #tpu.memory_space<vmem>> -> memref<1x128xi32, #tpu.memory_space<vmem>>
        %dma_start3A_52 = tpu.memref_squeeze %dma_start3A_51 : memref<1x128xi32, #tpu.memory_space<vmem>> -> memref<128xi32, #tpu.memory_space<vmem>>
        %dma_start3A_53 = arith.constant 0 : i32
        %dma_start3A_54 = arith.constant 0 : i32
        %dma_start3A_55 = tpu.memref_slice %arg11[%dma_start3A_53, %dma_start3A_54] : memref<10240x128xf32, #tpu.memory_space<vmem_shared>> -> memref<10240x128xf32, #tpu.memory_space<vmem_shared>>
        tpu.enqueue_indirect_dma source(%arg10 : memref<128x128xf32, #tpu.memory_space<vmem>>) target(%dma_start3A_55 : memref<10240x128xf32, #tpu.memory_space<vmem_shared>>) offsets(%dma_start3A_52 : memref<128xi32, #tpu.memory_space<vmem>>) semaphore(%run_scoped3A : memref<!tpu.dma_semaphore, #tpu.memory_space<semaphore_mem>>) {add = true}
        %dma_wait3A_56 = arith.constant 0 : i32
        %dma_wait3A_57 = tpu.memref_slice %arg8[%add3A_49, %dma_wait3A_56] : memref<40x128xi32, #tpu.memory_space<vmem>> -> memref<1x128xi32, #tpu.memory_space<vmem>>
        %dma_wait3A_58 = tpu.memref_squeeze %dma_wait3A_57 : memref<1x128xi32, #tpu.memory_space<vmem>> -> memref<128xi32, #tpu.memory_space<vmem>>
        %dma_wait3A_59 = arith.constant 0 : i32
        %dma_wait3A_60 = arith.constant 0 : i32
        %dma_wait3A_61 = tpu.memref_slice %arg11[%dma_wait3A_59, %dma_wait3A_60] : memref<10240x128xf32, #tpu.memory_space<vmem_shared>> -> memref<10240x128xf32, #tpu.memory_space<vmem_shared>>
        tpu.wait_indirect_dma semaphore(%run_scoped3A : memref<!tpu.dma_semaphore, #tpu.memory_space<semaphore_mem>>) src(%arg10 : memref<128x128xf32, #tpu.memory_space<vmem>>) dst(%dma_wait3A_61 : memref<10240x128xf32, #tpu.memory_space<vmem_shared>>)
        tpu.yield
      }) : () -> ()
    }
    %scan3A_12 = arith.constant 20 : i32
    %barrier3A_13 = arith.constant 0 : index
    tpu.barrier barrier_id(%barrier3A_13)
    %mul3A_14 = arith.constant 640 : i32
    %mul3A_15 = arith.muli %arg1, %mul3A_14 : i32
    %mul3A_16 = arith.constant 640 : i32
    %mul3A_17 = arith.muli %arg1, %mul3A_16 : i32
    "tpu.region"() ({
      %run_scoped3A = tpu.sem_alloc : memref<!tpu.dma_semaphore, #tpu.memory_space<semaphore_mem>>
      %dma_start3A_18 = arith.constant 0 : i32
      %dma_start3A_19 = tpu.memref_slice %arg6[%arg0, %mul3A_17, %dma_start3A_18] : memref<2x10240x128xf32, #tpu.memory_space<hbm>> -> memref<1x640x128xf32, #tpu.memory_space<hbm>>
      %dma_start3A_20 = tpu.memref_squeeze %dma_start3A_19 : memref<1x640x128xf32, #tpu.memory_space<hbm>> -> memref<640x128xf32, #tpu.memory_space<hbm>>
      %dma_start3A_21 = arith.constant 0 : i32
      %dma_start3A_22 = tpu.memref_slice %arg11[%mul3A_15, %dma_start3A_21] : memref<10240x128xf32, #tpu.memory_space<vmem_shared>> -> memref<640x128xf32, #tpu.memory_space<vmem_shared>>
      tpu.enqueue_dma source(%dma_start3A_22 : memref<640x128xf32, #tpu.memory_space<vmem_shared>>) target(%dma_start3A_20 : memref<640x128xf32, #tpu.memory_space<hbm>>) target_semaphore(%run_scoped3A : memref<!tpu.dma_semaphore, #tpu.memory_space<semaphore_mem>>)
      %dma_wait3A = arith.constant 0 : i32
      %dma_wait3A_23 = tpu.memref_slice %arg6[%arg0, %mul3A_17, %dma_wait3A] : memref<2x10240x128xf32, #tpu.memory_space<hbm>> -> memref<1x640x128xf32, #tpu.memory_space<hbm>>
      %dma_wait3A_24 = tpu.memref_squeeze %dma_wait3A_23 : memref<1x640x128xf32, #tpu.memory_space<hbm>> -> memref<640x128xf32, #tpu.memory_space<hbm>>
      %dma_wait3A_25 = arith.constant 0 : i32
      %dma_wait3A_26 = tpu.memref_slice %arg11[%mul3A_15, %dma_wait3A_25] : memref<10240x128xf32, #tpu.memory_space<vmem_shared>> -> memref<640x128xf32, #tpu.memory_space<vmem_shared>>
      tpu.wait_dma2 semaphore(%run_scoped3A : memref<!tpu.dma_semaphore, #tpu.memory_space<semaphore_mem>>) src(%dma_wait3A_26 : memref<640x128xf32, #tpu.memory_space<vmem_shared>>) dst(%dma_wait3A_24 : memref<640x128xf32, #tpu.memory_space<hbm>>)
      tpu.yield
    }) : () -> ()
    return
  }
}

#map = affine_map<(d0, d1) -> (0, 0)>
#map1 = affine_map<(d0, d1) -> (0, 0, 0)>
module attributes {stable_mosaic.version = 14 : i64} {
  func.func @k(%arg0: i32, %arg1: i32, %arg2: memref<10000x128xf32, #tpu.memory_space<hbm>>, %arg3: memref<32x40x128xi32, #tpu.memory_space<hbm>>, %arg4: memref<32x40x128xi32, #tpu.memory_space<hbm>>, %arg5: memref<640x128xf32, #tpu.memory_space<hbm>>, %arg6: memref<2x10240x128xf32, #tpu.memory_space<hbm>>, %arg7: memref<40x128xi32, #tpu.memory_space<vmem>>, %arg8: memref<40x128xi32, #tpu.memory_space<vmem>>, %arg9: memref<128x128xf32, #tpu.memory_space<vmem>>, %arg10: memref<128x128xf32, #tpu.memory_space<vmem>>, %arg11: memref<10240x128xf32, #tpu.memory_space<vmem_shared>>, %arg12: memref<!tpu.dma_semaphore, #tpu.memory_space<semaphore_mem>>, %arg13: memref<!tpu.dma_semaphore, #tpu.memory_space<semaphore_mem>>) attributes {dimension_semantics = [#tpu.dimension_semantics<core_parallel>, #tpu.dimension_semantics<subcore_parallel>], iteration_bounds = array<i64: 2, 16>, scalar_prefetch = 0 : i64, scratch_operands = 7 : i64, tpu.core_type = #tpu.core_type<sc_vector_subcore>, window_params = [{transform_indices = #map}, {transform_indices = #map1}, {transform_indices = #map1}, {transform_indices = #map}, {transform_indices = #map1}]} {
    %mul3A = arith.constant 2 : i32
    %mul3A_0 = arith.muli %arg1, %mul3A : i32
    %add3A = arith.addi %mul3A_0, %arg0 : i32
    %mul3A_1 = arith.constant 640 : i32
    %mul3A_2 = arith.muli %arg1, %mul3A_1 : i32
    "tpu.region"() ({
      %run_scoped3A = tpu.sem_alloc : memref<!tpu.dma_semaphore, #tpu.memory_space<semaphore_mem>>
      %dma_start3A_18 = arith.constant 0 : i32
      %dma_start3A_19 = tpu.memref_slice %arg11[%mul3A_2, %dma_start3A_18] : memref<10240x128xf32, #tpu.memory_space<vmem_shared>> -> memref<640x128xf32, #tpu.memory_space<vmem_shared>>
      %dma_start3A_20 = arith.constant 0 : i32
      %dma_start3A_21 = arith.constant 0 : i32
      %dma_start3A_22 = tpu.memref_slice %arg5[%dma_start3A_20, %dma_start3A_21] : memref<640x128xf32, #tpu.memory_space<hbm>> -> memref<640x128xf32, #tpu.memory_space<hbm>>
      tpu.enqueue_dma source(%dma_start3A_22 : memref<640x128xf32, #tpu.memory_space<hbm>>) target(%dma_start3A_19 : memref<640x128xf32, #tpu.memory_space<vmem_shared>>) target_semaphore(%run_scoped3A : memref<!tpu.dma_semaphore, #tpu.memory_space<semaphore_mem>>)
      %dma_wait3A = arith.constant 0 : i32
      %dma_wait3A_23 = tpu.memref_slice %arg11[%mul3A_2, %dma_wait3A] : memref<10240x128xf32, #tpu.memory_space<vmem_shared>> -> memref<640x128xf32, #tpu.memory_space<vmem_shared>>
      %dma_wait3A_24 = arith.constant 0 : i32
      %dma_wait3A_25 = arith.constant 0 : i32
      %dma_wait3A_26 = tpu.memref_slice %arg5[%dma_wait3A_24, %dma_wait3A_25] : memref<640x128xf32, #tpu.memory_space<hbm>> -> memref<640x128xf32, #tpu.memory_space<hbm>>
      tpu.wait_dma2 semaphore(%run_scoped3A : memref<!tpu.dma_semaphore, #tpu.memory_space<semaphore_mem>>) src(%dma_wait3A_26 : memref<640x128xf32, #tpu.memory_space<hbm>>) dst(%dma_wait3A_23 : memref<640x128xf32, #tpu.memory_space<vmem_shared>>)
      tpu.yield
    }) : () -> ()
    "tpu.region"() ({
      %run_scoped3A = tpu.sem_alloc : memref<!tpu.dma_semaphore, #tpu.memory_space<semaphore_mem>>
      %dma_start3A_18 = arith.constant 0 : i32
      %dma_start3A_19 = arith.constant 0 : i32
      %dma_start3A_20 = tpu.memref_slice %arg3[%add3A, %dma_start3A_18, %dma_start3A_19] : memref<32x40x128xi32, #tpu.memory_space<hbm>> -> memref<1x40x128xi32, #tpu.memory_space<hbm>>
      %dma_start3A_21 = tpu.memref_squeeze %dma_start3A_20 : memref<1x40x128xi32, #tpu.memory_space<hbm>> -> memref<40x128xi32, #tpu.memory_space<hbm>>
      %dma_start3A_22 = arith.constant 0 : i32
      %dma_start3A_23 = arith.constant 0 : i32
      %dma_start3A_24 = tpu.memref_slice %arg3[%add3A, %dma_start3A_22, %dma_start3A_23] : memref<32x40x128xi32, #tpu.memory_space<hbm>> -> memref<1x40x128xi32, #tpu.memory_space<hbm>>
      %dma_start3A_25 = tpu.memref_squeeze %dma_start3A_24 : memref<1x40x128xi32, #tpu.memory_space<hbm>> -> memref<40x128xi32, #tpu.memory_space<hbm>>
      tpu.enqueue_dma source(%dma_start3A_25 : memref<40x128xi32, #tpu.memory_space<hbm>>) target(%arg7 : memref<40x128xi32, #tpu.memory_space<vmem>>) target_semaphore(%run_scoped3A : memref<!tpu.dma_semaphore, #tpu.memory_space<semaphore_mem>>)
      %dma_wait3A = arith.constant 0 : i32
      %dma_wait3A_26 = arith.constant 0 : i32
      %dma_wait3A_27 = tpu.memref_slice %arg3[%add3A, %dma_wait3A, %dma_wait3A_26] : memref<32x40x128xi32, #tpu.memory_space<hbm>> -> memref<1x40x128xi32, #tpu.memory_space<hbm>>
      %dma_wait3A_28 = tpu.memref_squeeze %dma_wait3A_27 : memref<1x40x128xi32, #tpu.memory_space<hbm>> -> memref<40x128xi32, #tpu.memory_space<hbm>>
      %dma_wait3A_29 = arith.constant 0 : i32
      %dma_wait3A_30 = arith.constant 0 : i32
      %dma_wait3A_31 = tpu.memref_slice %arg3[%add3A, %dma_wait3A_29, %dma_wait3A_30] : memref<32x40x128xi32, #tpu.memory_space<hbm>> -> memref<1x40x128xi32, #tpu.memory_space<hbm>>
      %dma_wait3A_32 = tpu.memref_squeeze %dma_wait3A_31 : memref<1x40x128xi32, #tpu.memory_space<hbm>> -> memref<40x128xi32, #tpu.memory_space<hbm>>
      tpu.wait_dma2 semaphore(%run_scoped3A : memref<!tpu.dma_semaphore, #tpu.memory_space<semaphore_mem>>) src(%dma_wait3A_32 : memref<40x128xi32, #tpu.memory_space<hbm>>) dst(%arg7 : memref<40x128xi32, #tpu.memory_space<vmem>>)
      tpu.yield
    }) : () -> ()
    "tpu.region"() ({
      %run_scoped3A = tpu.sem_alloc : memref<!tpu.dma_semaphore, #tpu.memory_space<semaphore_mem>>
      %dma_start3A_18 = arith.constant 0 : i32
      %dma_start3A_19 = arith.constant 0 : i32
      %dma_start3A_20 = tpu.memref_slice %arg4[%add3A, %dma_start3A_18, %dma_start3A_19] : memref<32x40x128xi32, #tpu.memory_space<hbm>> -> memref<1x40x128xi32, #tpu.memory_space<hbm>>
      %dma_start3A_21 = tpu.memref_squeeze %dma_start3A_20 : memref<1x40x128xi32, #tpu.memory_space<hbm>> -> memref<40x128xi32, #tpu.memory_space<hbm>>
      %dma_start3A_22 = arith.constant 0 : i32
      %dma_start3A_23 = arith.constant 0 : i32
      %dma_start3A_24 = tpu.memref_slice %arg4[%add3A, %dma_start3A_22, %dma_start3A_23] : memref<32x40x128xi32, #tpu.memory_space<hbm>> -> memref<1x40x128xi32, #tpu.memory_space<hbm>>
      %dma_start3A_25 = tpu.memref_squeeze %dma_start3A_24 : memref<1x40x128xi32, #tpu.memory_space<hbm>> -> memref<40x128xi32, #tpu.memory_space<hbm>>
      tpu.enqueue_dma source(%dma_start3A_25 : memref<40x128xi32, #tpu.memory_space<hbm>>) target(%arg8 : memref<40x128xi32, #tpu.memory_space<vmem>>) target_semaphore(%run_scoped3A : memref<!tpu.dma_semaphore, #tpu.memory_space<semaphore_mem>>)
      %dma_wait3A = arith.constant 0 : i32
      %dma_wait3A_26 = arith.constant 0 : i32
      %dma_wait3A_27 = tpu.memref_slice %arg4[%add3A, %dma_wait3A, %dma_wait3A_26] : memref<32x40x128xi32, #tpu.memory_space<hbm>> -> memref<1x40x128xi32, #tpu.memory_space<hbm>>
      %dma_wait3A_28 = tpu.memref_squeeze %dma_wait3A_27 : memref<1x40x128xi32, #tpu.memory_space<hbm>> -> memref<40x128xi32, #tpu.memory_space<hbm>>
      %dma_wait3A_29 = arith.constant 0 : i32
      %dma_wait3A_30 = arith.constant 0 : i32
      %dma_wait3A_31 = tpu.memref_slice %arg4[%add3A, %dma_wait3A_29, %dma_wait3A_30] : memref<32x40x128xi32, #tpu.memory_space<hbm>> -> memref<1x40x128xi32, #tpu.memory_space<hbm>>
      %dma_wait3A_32 = tpu.memref_squeeze %dma_wait3A_31 : memref<1x40x128xi32, #tpu.memory_space<hbm>> -> memref<40x128xi32, #tpu.memory_space<hbm>>
      tpu.wait_dma2 semaphore(%run_scoped3A : memref<!tpu.dma_semaphore, #tpu.memory_space<semaphore_mem>>) src(%dma_wait3A_32 : memref<40x128xi32, #tpu.memory_space<hbm>>) dst(%arg8 : memref<40x128xi32, #tpu.memory_space<vmem>>)
      tpu.yield
    }) : () -> ()
    %barrier3A = arith.constant 0 : index
    tpu.barrier barrier_id(%barrier3A)
    %dma_start3A = arith.constant 0 : i32
    %dma_start3A_3 = arith.constant 0 : i32
    %dma_start3A_4 = tpu.memref_slice %arg7[%dma_start3A, %dma_start3A_3] : memref<40x128xi32, #tpu.memory_space<vmem>> -> memref<1x128xi32, #tpu.memory_space<vmem>>
    %dma_start3A_5 = tpu.memref_squeeze %dma_start3A_4 : memref<1x128xi32, #tpu.memory_space<vmem>> -> memref<128xi32, #tpu.memory_space<vmem>>
    %dma_start3A_6 = arith.constant 0 : i32
    %dma_start3A_7 = arith.constant 0 : i32
    %dma_start3A_8 = tpu.memref_slice %arg2[%dma_start3A_6, %dma_start3A_7] : memref<10000x128xf32, #tpu.memory_space<hbm>> -> memref<10000x128xf32, #tpu.memory_space<hbm>>
    tpu.enqueue_indirect_dma source(%dma_start3A_8 : memref<10000x128xf32, #tpu.memory_space<hbm>>) target(%arg9 : memref<128x128xf32, #tpu.memory_space<vmem>>) offsets(%dma_start3A_5 : memref<128xi32, #tpu.memory_space<vmem>>) semaphore(%arg12 : memref<!tpu.dma_semaphore, #tpu.memory_space<semaphore_mem>>)
    %scan3A = arith.constant 0 : i32
    %scan3A_9 = arith.constant 20 : i32
    %scan3A_10 = arith.addi %scan3A, %scan3A_9 : i32
    %scan3A_11 = arith.constant 1 : i32
    scf.for %scan3A_18 = %scan3A to %scan3A_10 step %scan3A_11  : i32 {
      %mul3A_19 = arith.constant 2 : i32
      %mul3A_20 = arith.muli %scan3A_18, %mul3A_19 : i32
      %add3A_21 = arith.constant 0 : i32
      %add3A_22 = arith.addi %add3A_21, %mul3A_20 : i32
      %add3A_23 = arith.constant 1 : i32
      %add3A_24 = arith.addi %add3A_22, %add3A_23 : i32
      %dma_start3A_25 = arith.constant 0 : i32
      %dma_start3A_26 = tpu.memref_slice %arg7[%add3A_24, %dma_start3A_25] : memref<40x128xi32, #tpu.memory_space<vmem>> -> memref<1x128xi32, #tpu.memory_space<vmem>>
      %dma_start3A_27 = tpu.memref_squeeze %dma_start3A_26 : memref<1x128xi32, #tpu.memory_space<vmem>> -> memref<128xi32, #tpu.memory_space<vmem>>
      %dma_start3A_28 = arith.constant 0 : i32
      %dma_start3A_29 = arith.constant 0 : i32
      %dma_start3A_30 = tpu.memref_slice %arg2[%dma_start3A_28, %dma_start3A_29] : memref<10000x128xf32, #tpu.memory_space<hbm>> -> memref<10000x128xf32, #tpu.memory_space<hbm>>
      tpu.enqueue_indirect_dma source(%dma_start3A_30 : memref<10000x128xf32, #tpu.memory_space<hbm>>) target(%arg10 : memref<128x128xf32, #tpu.memory_space<vmem>>) offsets(%dma_start3A_27 : memref<128xi32, #tpu.memory_space<vmem>>) semaphore(%arg13 : memref<!tpu.dma_semaphore, #tpu.memory_space<semaphore_mem>>)
      %dma_wait3A = arith.constant 0 : i32
      %dma_wait3A_31 = tpu.memref_slice %arg7[%add3A_22, %dma_wait3A] : memref<40x128xi32, #tpu.memory_space<vmem>> -> memref<1x128xi32, #tpu.memory_space<vmem>>
      %dma_wait3A_32 = tpu.memref_squeeze %dma_wait3A_31 : memref<1x128xi32, #tpu.memory_space<vmem>> -> memref<128xi32, #tpu.memory_space<vmem>>
      %dma_wait3A_33 = arith.constant 0 : i32
      %dma_wait3A_34 = arith.constant 0 : i32
      %dma_wait3A_35 = tpu.memref_slice %arg2[%dma_wait3A_33, %dma_wait3A_34] : memref<10000x128xf32, #tpu.memory_space<hbm>> -> memref<10000x128xf32, #tpu.memory_space<hbm>>
      tpu.wait_indirect_dma semaphore(%arg12 : memref<!tpu.dma_semaphore, #tpu.memory_space<semaphore_mem>>) src(%dma_wait3A_35 : memref<10000x128xf32, #tpu.memory_space<hbm>>) dst(%arg9 : memref<128x128xf32, #tpu.memory_space<vmem>>)
      "tpu.region"() ({
        %run_scoped3A = tpu.sem_alloc : memref<!tpu.dma_semaphore, #tpu.memory_space<semaphore_mem>>
        %dma_start3A_50 = arith.constant 0 : i32
        %dma_start3A_51 = tpu.memref_slice %arg8[%add3A_22, %dma_start3A_50] : memref<40x128xi32, #tpu.memory_space<vmem>> -> memref<1x128xi32, #tpu.memory_space<vmem>>
        %dma_start3A_52 = tpu.memref_squeeze %dma_start3A_51 : memref<1x128xi32, #tpu.memory_space<vmem>> -> memref<128xi32, #tpu.memory_space<vmem>>
        %dma_start3A_53 = arith.constant 0 : i32
        %dma_start3A_54 = arith.constant 0 : i32
        %dma_start3A_55 = tpu.memref_slice %arg11[%dma_start3A_53, %dma_start3A_54] : memref<10240x128xf32, #tpu.memory_space<vmem_shared>> -> memref<10240x128xf32, #tpu.memory_space<vmem_shared>>
        tpu.enqueue_indirect_dma source(%arg9 : memref<128x128xf32, #tpu.memory_space<vmem>>) target(%dma_start3A_55 : memref<10240x128xf32, #tpu.memory_space<vmem_shared>>) offsets(%dma_start3A_52 : memref<128xi32, #tpu.memory_space<vmem>>) semaphore(%run_scoped3A : memref<!tpu.dma_semaphore, #tpu.memory_space<semaphore_mem>>) {add = true}
        %dma_wait3A_56 = arith.constant 0 : i32
        %dma_wait3A_57 = tpu.memref_slice %arg8[%add3A_22, %dma_wait3A_56] : memref<40x128xi32, #tpu.memory_space<vmem>> -> memref<1x128xi32, #tpu.memory_space<vmem>>
        %dma_wait3A_58 = tpu.memref_squeeze %dma_wait3A_57 : memref<1x128xi32, #tpu.memory_space<vmem>> -> memref<128xi32, #tpu.memory_space<vmem>>
        %dma_wait3A_59 = arith.constant 0 : i32
        %dma_wait3A_60 = arith.constant 0 : i32
        %dma_wait3A_61 = tpu.memref_slice %arg11[%dma_wait3A_59, %dma_wait3A_60] : memref<10240x128xf32, #tpu.memory_space<vmem_shared>> -> memref<10240x128xf32, #tpu.memory_space<vmem_shared>>
        tpu.wait_indirect_dma semaphore(%run_scoped3A : memref<!tpu.dma_semaphore, #tpu.memory_space<semaphore_mem>>) src(%arg9 : memref<128x128xf32, #tpu.memory_space<vmem>>) dst(%dma_wait3A_61 : memref<10240x128xf32, #tpu.memory_space<vmem_shared>>)
        tpu.yield
      }) : () -> ()
      %add3A_36 = arith.constant 2 : i32
      %add3A_37 = arith.addi %add3A_22, %add3A_36 : i32
      %lt3A = arith.constant 40 : i32
      %lt3A_38 = arith.cmpi slt, %add3A_37, %lt3A : i32
      %convert_element_type3A = arith.extui %lt3A_38 : i1 to i32
      %cond3A = arith.constant 0 : i32
      %cond3A_39 = arith.cmpi ne, %convert_element_type3A, %cond3A : i32
      scf.if %cond3A_39 {
        %add3A_50 = arith.constant 2 : i32
        %add3A_51 = arith.addi %add3A_22, %add3A_50 : i32
        %dma_start3A_52 = arith.constant 0 : i32
        %dma_start3A_53 = tpu.memref_slice %arg7[%add3A_51, %dma_start3A_52] : memref<40x128xi32, #tpu.memory_space<vmem>> -> memref<1x128xi32, #tpu.memory_space<vmem>>
        %dma_start3A_54 = tpu.memref_squeeze %dma_start3A_53 : memref<1x128xi32, #tpu.memory_space<vmem>> -> memref<128xi32, #tpu.memory_space<vmem>>
        %dma_start3A_55 = arith.constant 0 : i32
        %dma_start3A_56 = arith.constant 0 : i32
        %dma_start3A_57 = tpu.memref_slice %arg2[%dma_start3A_55, %dma_start3A_56] : memref<10000x128xf32, #tpu.memory_space<hbm>> -> memref<10000x128xf32, #tpu.memory_space<hbm>>
        tpu.enqueue_indirect_dma source(%dma_start3A_57 : memref<10000x128xf32, #tpu.memory_space<hbm>>) target(%arg9 : memref<128x128xf32, #tpu.memory_space<vmem>>) offsets(%dma_start3A_54 : memref<128xi32, #tpu.memory_space<vmem>>) semaphore(%arg12 : memref<!tpu.dma_semaphore, #tpu.memory_space<semaphore_mem>>)
      } else {
      }
      %add3A_40 = arith.constant 1 : i32
      %add3A_41 = arith.addi %add3A_22, %add3A_40 : i32
      %dma_wait3A_42 = arith.constant 0 : i32
      %dma_wait3A_43 = tpu.memref_slice %arg7[%add3A_41, %dma_wait3A_42] : memref<40x128xi32, #tpu.memory_space<vmem>> -> memref<1x128xi32, #tpu.memory_space<vmem>>
      %dma_wait3A_44 = tpu.memref_squeeze %dma_wait3A_43 : memref<1x128xi32, #tpu.memory_space<vmem>> -> memref<128xi32, #tpu.memory_space<vmem>>
      %dma_wait3A_45 = arith.constant 0 : i32
      %dma_wait3A_46 = arith.constant 0 : i32
      %dma_wait3A_47 = tpu.memref_slice %arg2[%dma_wait3A_45, %dma_wait3A_46] : memref<10000x128xf32, #tpu.memory_space<hbm>> -> memref<10000x128xf32, #tpu.memory_space<hbm>>
      tpu.wait_indirect_dma semaphore(%arg13 : memref<!tpu.dma_semaphore, #tpu.memory_space<semaphore_mem>>) src(%dma_wait3A_47 : memref<10000x128xf32, #tpu.memory_space<hbm>>) dst(%arg10 : memref<128x128xf32, #tpu.memory_space<vmem>>)
      %add3A_48 = arith.constant 1 : i32
      %add3A_49 = arith.addi %add3A_22, %add3A_48 : i32
      "tpu.region"() ({
        %run_scoped3A = tpu.sem_alloc : memref<!tpu.dma_semaphore, #tpu.memory_space<semaphore_mem>>
        %dma_start3A_50 = arith.constant 0 : i32
        %dma_start3A_51 = tpu.memref_slice %arg8[%add3A_49, %dma_start3A_50] : memref<40x128xi32, #tpu.memory_space<vmem>> -> memref<1x128xi32, #tpu.memory_space<vmem>>
        %dma_start3A_52 = tpu.memref_squeeze %dma_start3A_51 : memref<1x128xi32, #tpu.memory_space<vmem>> -> memref<128xi32, #tpu.memory_space<vmem>>
        %dma_start3A_53 = arith.constant 0 : i32
        %dma_start3A_54 = arith.constant 0 : i32
        %dma_start3A_55 = tpu.memref_slice %arg11[%dma_start3A_53, %dma_start3A_54] : memref<10240x128xf32, #tpu.memory_space<vmem_shared>> -> memref<10240x128xf32, #tpu.memory_space<vmem_shared>>
        tpu.enqueue_indirect_dma source(%arg10 : memref<128x128xf32, #tpu.memory_space<vmem>>) target(%dma_start3A_55 : memref<10240x128xf32, #tpu.memory_space<vmem_shared>>) offsets(%dma_start3A_52 : memref<128xi32, #tpu.memory_space<vmem>>) semaphore(%run_scoped3A : memref<!tpu.dma_semaphore, #tpu.memory_space<semaphore_mem>>) {add = true}
        %dma_wait3A_56 = arith.constant 0 : i32
        %dma_wait3A_57 = tpu.memref_slice %arg8[%add3A_49, %dma_wait3A_56] : memref<40x128xi32, #tpu.memory_space<vmem>> -> memref<1x128xi32, #tpu.memory_space<vmem>>
        %dma_wait3A_58 = tpu.memref_squeeze %dma_wait3A_57 : memref<1x128xi32, #tpu.memory_space<vmem>> -> memref<128xi32, #tpu.memory_space<vmem>>
        %dma_wait3A_59 = arith.constant 0 : i32
        %dma_wait3A_60 = arith.constant 0 : i32
        %dma_wait3A_61 = tpu.memref_slice %arg11[%dma_wait3A_59, %dma_wait3A_60] : memref<10240x128xf32, #tpu.memory_space<vmem_shared>> -> memref<10240x128xf32, #tpu.memory_space<vmem_shared>>
        tpu.wait_indirect_dma semaphore(%run_scoped3A : memref<!tpu.dma_semaphore, #tpu.memory_space<semaphore_mem>>) src(%arg10 : memref<128x128xf32, #tpu.memory_space<vmem>>) dst(%dma_wait3A_61 : memref<10240x128xf32, #tpu.memory_space<vmem_shared>>)
        tpu.yield
      }) : () -> ()
    }
    %scan3A_12 = arith.constant 20 : i32
    %barrier3A_13 = arith.constant 0 : index
    tpu.barrier barrier_id(%barrier3A_13)
    %mul3A_14 = arith.constant 640 : i32
    %mul3A_15 = arith.muli %arg1, %mul3A_14 : i32
    %mul3A_16 = arith.constant 640 : i32
    %mul3A_17 = arith.muli %arg1, %mul3A_16 : i32
    "tpu.region"() ({
      %run_scoped3A = tpu.sem_alloc : memref<!tpu.dma_semaphore, #tpu.memory_space<semaphore_mem>>
      %dma_start3A_18 = arith.constant 0 : i32
      %dma_start3A_19 = tpu.memref_slice %arg6[%arg0, %mul3A_17, %dma_start3A_18] : memref<2x10240x128xf32, #tpu.memory_space<hbm>> -> memref<1x640x128xf32, #tpu.memory_space<hbm>>
      %dma_start3A_20 = tpu.memref_squeeze %dma_start3A_19 : memref<1x640x128xf32, #tpu.memory_space<hbm>> -> memref<640x128xf32, #tpu.memory_space<hbm>>
      %dma_start3A_21 = arith.constant 0 : i32
      %dma_start3A_22 = tpu.memref_slice %arg11[%mul3A_15, %dma_start3A_21] : memref<10240x128xf32, #tpu.memory_space<vmem_shared>> -> memref<640x128xf32, #tpu.memory_space<vmem_shared>>
      tpu.enqueue_dma source(%dma_start3A_22 : memref<640x128xf32, #tpu.memory_space<vmem_shared>>) target(%dma_start3A_20 : memref<640x128xf32, #tpu.memory_space<hbm>>) target_semaphore(%run_scoped3A : memref<!tpu.dma_semaphore, #tpu.memory_space<semaphore_mem>>)
      %dma_wait3A = arith.constant 0 : i32
      %dma_wait3A_23 = tpu.memref_slice %arg6[%arg0, %mul3A_17, %dma_wait3A] : memref<2x10240x128xf32, #tpu.memory_space<hbm>> -> memref<1x640x128xf32, #tpu.memory_space<hbm>>
      %dma_wait3A_24 = tpu.memref_squeeze %dma_wait3A_23 : memref<1x640x128xf32, #tpu.memory_space<hbm>> -> memref<640x128xf32, #tpu.memory_space<hbm>>
      %dma_wait3A_25 = arith.constant 0 : i32
      %dma_wait3A_26 = tpu.memref_slice %arg11[%mul3A_15, %dma_wait3A_25] : memref<10240x128xf32, #tpu.memory_space<vmem_shared>> -> memref<640x128xf32, #tpu.memory_space<vmem_shared>>
      tpu.wait_dma2 semaphore(%run_scoped3A : memref<!tpu.dma_semaphore, #tpu.memory_space<semaphore_mem>>) src(%dma_wait3A_26 : memref<640x128xf32, #tpu.memory_space<vmem_shared>>) dst(%dma_wait3A_24 : memref<640x128xf32, #tpu.memory_space<hbm>>)
      tpu.yield
    }) : () -> ()
    return
  }
}

#map = affine_map<(d0, d1) -> (0, 0)>
#map1 = affine_map<(d0, d1) -> (0, 0, 0)>
module attributes {stable_mosaic.version = 14 : i64} {
  func.func @k(%arg0: i32, %arg1: i32, %arg2: memref<10000x128xf32, #tpu.memory_space<hbm>>, %arg3: memref<32x40x128xi32, #tpu.memory_space<hbm>>, %arg4: memref<32x40x128xi32, #tpu.memory_space<hbm>>, %arg5: memref<640x128xf32, #tpu.memory_space<hbm>>, %arg6: memref<2x10240x128xf32, #tpu.memory_space<hbm>>, %arg7: memref<40x128xi32, #tpu.memory_space<vmem>>, %arg8: memref<40x128xi32, #tpu.memory_space<vmem>>, %arg9: memref<128x128xf32, #tpu.memory_space<vmem>>, %arg10: memref<128x128xf32, #tpu.memory_space<vmem>>, %arg11: memref<10240x128xf32, #tpu.memory_space<vmem_shared>>, %arg12: memref<!tpu.dma_semaphore, #tpu.memory_space<semaphore_mem>>, %arg13: memref<!tpu.dma_semaphore, #tpu.memory_space<semaphore_mem>>) attributes {dimension_semantics = [#tpu.dimension_semantics<core_parallel>, #tpu.dimension_semantics<subcore_parallel>], iteration_bounds = array<i64: 2, 16>, scalar_prefetch = 0 : i64, scratch_operands = 7 : i64, tpu.core_type = #tpu.core_type<sc_vector_subcore>, window_params = [{transform_indices = #map}, {transform_indices = #map1}, {transform_indices = #map1}, {transform_indices = #map}, {transform_indices = #map1}]} {
    %mul3A = arith.constant 2 : i32
    %mul3A_0 = arith.muli %arg1, %mul3A : i32
    %add3A = arith.addi %mul3A_0, %arg0 : i32
    %mul3A_1 = arith.constant 640 : i32
    %mul3A_2 = arith.muli %arg1, %mul3A_1 : i32
    "tpu.region"() ({
      %run_scoped3A = tpu.sem_alloc : memref<!tpu.dma_semaphore, #tpu.memory_space<semaphore_mem>>
      %dma_start3A_18 = arith.constant 0 : i32
      %dma_start3A_19 = tpu.memref_slice %arg11[%mul3A_2, %dma_start3A_18] : memref<10240x128xf32, #tpu.memory_space<vmem_shared>> -> memref<640x128xf32, #tpu.memory_space<vmem_shared>>
      %dma_start3A_20 = arith.constant 0 : i32
      %dma_start3A_21 = arith.constant 0 : i32
      %dma_start3A_22 = tpu.memref_slice %arg5[%dma_start3A_20, %dma_start3A_21] : memref<640x128xf32, #tpu.memory_space<hbm>> -> memref<640x128xf32, #tpu.memory_space<hbm>>
      tpu.enqueue_dma source(%dma_start3A_22 : memref<640x128xf32, #tpu.memory_space<hbm>>) target(%dma_start3A_19 : memref<640x128xf32, #tpu.memory_space<vmem_shared>>) target_semaphore(%run_scoped3A : memref<!tpu.dma_semaphore, #tpu.memory_space<semaphore_mem>>)
      %dma_wait3A = arith.constant 0 : i32
      %dma_wait3A_23 = tpu.memref_slice %arg11[%mul3A_2, %dma_wait3A] : memref<10240x128xf32, #tpu.memory_space<vmem_shared>> -> memref<640x128xf32, #tpu.memory_space<vmem_shared>>
      %dma_wait3A_24 = arith.constant 0 : i32
      %dma_wait3A_25 = arith.constant 0 : i32
      %dma_wait3A_26 = tpu.memref_slice %arg5[%dma_wait3A_24, %dma_wait3A_25] : memref<640x128xf32, #tpu.memory_space<hbm>> -> memref<640x128xf32, #tpu.memory_space<hbm>>
      tpu.wait_dma2 semaphore(%run_scoped3A : memref<!tpu.dma_semaphore, #tpu.memory_space<semaphore_mem>>) src(%dma_wait3A_26 : memref<640x128xf32, #tpu.memory_space<hbm>>) dst(%dma_wait3A_23 : memref<640x128xf32, #tpu.memory_space<vmem_shared>>)
      tpu.yield
    }) : () -> ()
    "tpu.region"() ({
      %run_scoped3A = tpu.sem_alloc : memref<!tpu.dma_semaphore, #tpu.memory_space<semaphore_mem>>
      %dma_start3A_18 = arith.constant 0 : i32
      %dma_start3A_19 = arith.constant 0 : i32
      %dma_start3A_20 = tpu.memref_slice %arg3[%add3A, %dma_start3A_18, %dma_start3A_19] : memref<32x40x128xi32, #tpu.memory_space<hbm>> -> memref<1x40x128xi32, #tpu.memory_space<hbm>>
      %dma_start3A_21 = tpu.memref_squeeze %dma_start3A_20 : memref<1x40x128xi32, #tpu.memory_space<hbm>> -> memref<40x128xi32, #tpu.memory_space<hbm>>
      %dma_start3A_22 = arith.constant 0 : i32
      %dma_start3A_23 = arith.constant 0 : i32
      %dma_start3A_24 = tpu.memref_slice %arg3[%add3A, %dma_start3A_22, %dma_start3A_23] : memref<32x40x128xi32, #tpu.memory_space<hbm>> -> memref<1x40x128xi32, #tpu.memory_space<hbm>>
      %dma_start3A_25 = tpu.memref_squeeze %dma_start3A_24 : memref<1x40x128xi32, #tpu.memory_space<hbm>> -> memref<40x128xi32, #tpu.memory_space<hbm>>
      tpu.enqueue_dma source(%dma_start3A_25 : memref<40x128xi32, #tpu.memory_space<hbm>>) target(%arg7 : memref<40x128xi32, #tpu.memory_space<vmem>>) target_semaphore(%run_scoped3A : memref<!tpu.dma_semaphore, #tpu.memory_space<semaphore_mem>>)
      %dma_wait3A = arith.constant 0 : i32
      %dma_wait3A_26 = arith.constant 0 : i32
      %dma_wait3A_27 = tpu.memref_slice %arg3[%add3A, %dma_wait3A, %dma_wait3A_26] : memref<32x40x128xi32, #tpu.memory_space<hbm>> -> memref<1x40x128xi32, #tpu.memory_space<hbm>>
      %dma_wait3A_28 = tpu.memref_squeeze %dma_wait3A_27 : memref<1x40x128xi32, #tpu.memory_space<hbm>> -> memref<40x128xi32, #tpu.memory_space<hbm>>
      %dma_wait3A_29 = arith.constant 0 : i32
      %dma_wait3A_30 = arith.constant 0 : i32
      %dma_wait3A_31 = tpu.memref_slice %arg3[%add3A, %dma_wait3A_29, %dma_wait3A_30] : memref<32x40x128xi32, #tpu.memory_space<hbm>> -> memref<1x40x128xi32, #tpu.memory_space<hbm>>
      %dma_wait3A_32 = tpu.memref_squeeze %dma_wait3A_31 : memref<1x40x128xi32, #tpu.memory_space<hbm>> -> memref<40x128xi32, #tpu.memory_space<hbm>>
      tpu.wait_dma2 semaphore(%run_scoped3A : memref<!tpu.dma_semaphore, #tpu.memory_space<semaphore_mem>>) src(%dma_wait3A_32 : memref<40x128xi32, #tpu.memory_space<hbm>>) dst(%arg7 : memref<40x128xi32, #tpu.memory_space<vmem>>)
      tpu.yield
    }) : () -> ()
    "tpu.region"() ({
      %run_scoped3A = tpu.sem_alloc : memref<!tpu.dma_semaphore, #tpu.memory_space<semaphore_mem>>
      %dma_start3A_18 = arith.constant 0 : i32
      %dma_start3A_19 = arith.constant 0 : i32
      %dma_start3A_20 = tpu.memref_slice %arg4[%add3A, %dma_start3A_18, %dma_start3A_19] : memref<32x40x128xi32, #tpu.memory_space<hbm>> -> memref<1x40x128xi32, #tpu.memory_space<hbm>>
      %dma_start3A_21 = tpu.memref_squeeze %dma_start3A_20 : memref<1x40x128xi32, #tpu.memory_space<hbm>> -> memref<40x128xi32, #tpu.memory_space<hbm>>
      %dma_start3A_22 = arith.constant 0 : i32
      %dma_start3A_23 = arith.constant 0 : i32
      %dma_start3A_24 = tpu.memref_slice %arg4[%add3A, %dma_start3A_22, %dma_start3A_23] : memref<32x40x128xi32, #tpu.memory_space<hbm>> -> memref<1x40x128xi32, #tpu.memory_space<hbm>>
      %dma_start3A_25 = tpu.memref_squeeze %dma_start3A_24 : memref<1x40x128xi32, #tpu.memory_space<hbm>> -> memref<40x128xi32, #tpu.memory_space<hbm>>
      tpu.enqueue_dma source(%dma_start3A_25 : memref<40x128xi32, #tpu.memory_space<hbm>>) target(%arg8 : memref<40x128xi32, #tpu.memory_space<vmem>>) target_semaphore(%run_scoped3A : memref<!tpu.dma_semaphore, #tpu.memory_space<semaphore_mem>>)
      %dma_wait3A = arith.constant 0 : i32
      %dma_wait3A_26 = arith.constant 0 : i32
      %dma_wait3A_27 = tpu.memref_slice %arg4[%add3A, %dma_wait3A, %dma_wait3A_26] : memref<32x40x128xi32, #tpu.memory_space<hbm>> -> memref<1x40x128xi32, #tpu.memory_space<hbm>>
      %dma_wait3A_28 = tpu.memref_squeeze %dma_wait3A_27 : memref<1x40x128xi32, #tpu.memory_space<hbm>> -> memref<40x128xi32, #tpu.memory_space<hbm>>
      %dma_wait3A_29 = arith.constant 0 : i32
      %dma_wait3A_30 = arith.constant 0 : i32
      %dma_wait3A_31 = tpu.memref_slice %arg4[%add3A, %dma_wait3A_29, %dma_wait3A_30] : memref<32x40x128xi32, #tpu.memory_space<hbm>> -> memref<1x40x128xi32, #tpu.memory_space<hbm>>
      %dma_wait3A_32 = tpu.memref_squeeze %dma_wait3A_31 : memref<1x40x128xi32, #tpu.memory_space<hbm>> -> memref<40x128xi32, #tpu.memory_space<hbm>>
      tpu.wait_dma2 semaphore(%run_scoped3A : memref<!tpu.dma_semaphore, #tpu.memory_space<semaphore_mem>>) src(%dma_wait3A_32 : memref<40x128xi32, #tpu.memory_space<hbm>>) dst(%arg8 : memref<40x128xi32, #tpu.memory_space<vmem>>)
      tpu.yield
    }) : () -> ()
    %barrier3A = arith.constant 0 : index
    tpu.barrier barrier_id(%barrier3A)
    %dma_start3A = arith.constant 0 : i32
    %dma_start3A_3 = arith.constant 0 : i32
    %dma_start3A_4 = tpu.memref_slice %arg7[%dma_start3A, %dma_start3A_3] : memref<40x128xi32, #tpu.memory_space<vmem>> -> memref<1x128xi32, #tpu.memory_space<vmem>>
    %dma_start3A_5 = tpu.memref_squeeze %dma_start3A_4 : memref<1x128xi32, #tpu.memory_space<vmem>> -> memref<128xi32, #tpu.memory_space<vmem>>
    %dma_start3A_6 = arith.constant 0 : i32
    %dma_start3A_7 = arith.constant 0 : i32
    %dma_start3A_8 = tpu.memref_slice %arg2[%dma_start3A_6, %dma_start3A_7] : memref<10000x128xf32, #tpu.memory_space<hbm>> -> memref<10000x128xf32, #tpu.memory_space<hbm>>
    tpu.enqueue_indirect_dma source(%dma_start3A_8 : memref<10000x128xf32, #tpu.memory_space<hbm>>) target(%arg9 : memref<128x128xf32, #tpu.memory_space<vmem>>) offsets(%dma_start3A_5 : memref<128xi32, #tpu.memory_space<vmem>>) semaphore(%arg12 : memref<!tpu.dma_semaphore, #tpu.memory_space<semaphore_mem>>)
    %scan3A = arith.constant 0 : i32
    %scan3A_9 = arith.constant 20 : i32
    %scan3A_10 = arith.addi %scan3A, %scan3A_9 : i32
    %scan3A_11 = arith.constant 1 : i32
    scf.for %scan3A_18 = %scan3A to %scan3A_10 step %scan3A_11  : i32 {
      %mul3A_19 = arith.constant 2 : i32
      %mul3A_20 = arith.muli %scan3A_18, %mul3A_19 : i32
      %add3A_21 = arith.constant 0 : i32
      %add3A_22 = arith.addi %add3A_21, %mul3A_20 : i32
      %add3A_23 = arith.constant 1 : i32
      %add3A_24 = arith.addi %add3A_22, %add3A_23 : i32
      %dma_start3A_25 = arith.constant 0 : i32
      %dma_start3A_26 = tpu.memref_slice %arg7[%add3A_24, %dma_start3A_25] : memref<40x128xi32, #tpu.memory_space<vmem>> -> memref<1x128xi32, #tpu.memory_space<vmem>>
      %dma_start3A_27 = tpu.memref_squeeze %dma_start3A_26 : memref<1x128xi32, #tpu.memory_space<vmem>> -> memref<128xi32, #tpu.memory_space<vmem>>
      %dma_start3A_28 = arith.constant 0 : i32
      %dma_start3A_29 = arith.constant 0 : i32
      %dma_start3A_30 = tpu.memref_slice %arg2[%dma_start3A_28, %dma_start3A_29] : memref<10000x128xf32, #tpu.memory_space<hbm>> -> memref<10000x128xf32, #tpu.memory_space<hbm>>
      tpu.enqueue_indirect_dma source(%dma_start3A_30 : memref<10000x128xf32, #tpu.memory_space<hbm>>) target(%arg10 : memref<128x128xf32, #tpu.memory_space<vmem>>) offsets(%dma_start3A_27 : memref<128xi32, #tpu.memory_space<vmem>>) semaphore(%arg13 : memref<!tpu.dma_semaphore, #tpu.memory_space<semaphore_mem>>)
      %dma_wait3A = arith.constant 0 : i32
      %dma_wait3A_31 = tpu.memref_slice %arg7[%add3A_22, %dma_wait3A] : memref<40x128xi32, #tpu.memory_space<vmem>> -> memref<1x128xi32, #tpu.memory_space<vmem>>
      %dma_wait3A_32 = tpu.memref_squeeze %dma_wait3A_31 : memref<1x128xi32, #tpu.memory_space<vmem>> -> memref<128xi32, #tpu.memory_space<vmem>>
      %dma_wait3A_33 = arith.constant 0 : i32
      %dma_wait3A_34 = arith.constant 0 : i32
      %dma_wait3A_35 = tpu.memref_slice %arg2[%dma_wait3A_33, %dma_wait3A_34] : memref<10000x128xf32, #tpu.memory_space<hbm>> -> memref<10000x128xf32, #tpu.memory_space<hbm>>
      tpu.wait_indirect_dma semaphore(%arg12 : memref<!tpu.dma_semaphore, #tpu.memory_space<semaphore_mem>>) src(%dma_wait3A_35 : memref<10000x128xf32, #tpu.memory_space<hbm>>) dst(%arg9 : memref<128x128xf32, #tpu.memory_space<vmem>>)
      "tpu.region"() ({
        %run_scoped3A = tpu.sem_alloc : memref<!tpu.dma_semaphore, #tpu.memory_space<semaphore_mem>>
        %dma_start3A_50 = arith.constant 0 : i32
        %dma_start3A_51 = tpu.memref_slice %arg8[%add3A_22, %dma_start3A_50] : memref<40x128xi32, #tpu.memory_space<vmem>> -> memref<1x128xi32, #tpu.memory_space<vmem>>
        %dma_start3A_52 = tpu.memref_squeeze %dma_start3A_51 : memref<1x128xi32, #tpu.memory_space<vmem>> -> memref<128xi32, #tpu.memory_space<vmem>>
        %dma_start3A_53 = arith.constant 0 : i32
        %dma_start3A_54 = arith.constant 0 : i32
        %dma_start3A_55 = tpu.memref_slice %arg11[%dma_start3A_53, %dma_start3A_54] : memref<10240x128xf32, #tpu.memory_space<vmem_shared>> -> memref<10240x128xf32, #tpu.memory_space<vmem_shared>>
        tpu.enqueue_indirect_dma source(%arg9 : memref<128x128xf32, #tpu.memory_space<vmem>>) target(%dma_start3A_55 : memref<10240x128xf32, #tpu.memory_space<vmem_shared>>) offsets(%dma_start3A_52 : memref<128xi32, #tpu.memory_space<vmem>>) semaphore(%run_scoped3A : memref<!tpu.dma_semaphore, #tpu.memory_space<semaphore_mem>>) {add = true}
        %dma_wait3A_56 = arith.constant 0 : i32
        %dma_wait3A_57 = tpu.memref_slice %arg8[%add3A_22, %dma_wait3A_56] : memref<40x128xi32, #tpu.memory_space<vmem>> -> memref<1x128xi32, #tpu.memory_space<vmem>>
        %dma_wait3A_58 = tpu.memref_squeeze %dma_wait3A_57 : memref<1x128xi32, #tpu.memory_space<vmem>> -> memref<128xi32, #tpu.memory_space<vmem>>
        %dma_wait3A_59 = arith.constant 0 : i32
        %dma_wait3A_60 = arith.constant 0 : i32
        %dma_wait3A_61 = tpu.memref_slice %arg11[%dma_wait3A_59, %dma_wait3A_60] : memref<10240x128xf32, #tpu.memory_space<vmem_shared>> -> memref<10240x128xf32, #tpu.memory_space<vmem_shared>>
        tpu.wait_indirect_dma semaphore(%run_scoped3A : memref<!tpu.dma_semaphore, #tpu.memory_space<semaphore_mem>>) src(%arg9 : memref<128x128xf32, #tpu.memory_space<vmem>>) dst(%dma_wait3A_61 : memref<10240x128xf32, #tpu.memory_space<vmem_shared>>)
        tpu.yield
      }) : () -> ()
      %add3A_36 = arith.constant 2 : i32
      %add3A_37 = arith.addi %add3A_22, %add3A_36 : i32
      %lt3A = arith.constant 40 : i32
      %lt3A_38 = arith.cmpi slt, %add3A_37, %lt3A : i32
      %convert_element_type3A = arith.extui %lt3A_38 : i1 to i32
      %cond3A = arith.constant 0 : i32
      %cond3A_39 = arith.cmpi ne, %convert_element_type3A, %cond3A : i32
      scf.if %cond3A_39 {
        %add3A_50 = arith.constant 2 : i32
        %add3A_51 = arith.addi %add3A_22, %add3A_50 : i32
        %dma_start3A_52 = arith.constant 0 : i32
        %dma_start3A_53 = tpu.memref_slice %arg7[%add3A_51, %dma_start3A_52] : memref<40x128xi32, #tpu.memory_space<vmem>> -> memref<1x128xi32, #tpu.memory_space<vmem>>
        %dma_start3A_54 = tpu.memref_squeeze %dma_start3A_53 : memref<1x128xi32, #tpu.memory_space<vmem>> -> memref<128xi32, #tpu.memory_space<vmem>>
        %dma_start3A_55 = arith.constant 0 : i32
        %dma_start3A_56 = arith.constant 0 : i32
        %dma_start3A_57 = tpu.memref_slice %arg2[%dma_start3A_55, %dma_start3A_56] : memref<10000x128xf32, #tpu.memory_space<hbm>> -> memref<10000x128xf32, #tpu.memory_space<hbm>>
        tpu.enqueue_indirect_dma source(%dma_start3A_57 : memref<10000x128xf32, #tpu.memory_space<hbm>>) target(%arg9 : memref<128x128xf32, #tpu.memory_space<vmem>>) offsets(%dma_start3A_54 : memref<128xi32, #tpu.memory_space<vmem>>) semaphore(%arg12 : memref<!tpu.dma_semaphore, #tpu.memory_space<semaphore_mem>>)
      } else {
      }
      %add3A_40 = arith.constant 1 : i32
      %add3A_41 = arith.addi %add3A_22, %add3A_40 : i32
      %dma_wait3A_42 = arith.constant 0 : i32
      %dma_wait3A_43 = tpu.memref_slice %arg7[%add3A_41, %dma_wait3A_42] : memref<40x128xi32, #tpu.memory_space<vmem>> -> memref<1x128xi32, #tpu.memory_space<vmem>>
      %dma_wait3A_44 = tpu.memref_squeeze %dma_wait3A_43 : memref<1x128xi32, #tpu.memory_space<vmem>> -> memref<128xi32, #tpu.memory_space<vmem>>
      %dma_wait3A_45 = arith.constant 0 : i32
      %dma_wait3A_46 = arith.constant 0 : i32
      %dma_wait3A_47 = tpu.memref_slice %arg2[%dma_wait3A_45, %dma_wait3A_46] : memref<10000x128xf32, #tpu.memory_space<hbm>> -> memref<10000x128xf32, #tpu.memory_space<hbm>>
      tpu.wait_indirect_dma semaphore(%arg13 : memref<!tpu.dma_semaphore, #tpu.memory_space<semaphore_mem>>) src(%dma_wait3A_47 : memref<10000x128xf32, #tpu.memory_space<hbm>>) dst(%arg10 : memref<128x128xf32, #tpu.memory_space<vmem>>)
      %add3A_48 = arith.constant 1 : i32
      %add3A_49 = arith.addi %add3A_22, %add3A_48 : i32
      "tpu.region"() ({
        %run_scoped3A = tpu.sem_alloc : memref<!tpu.dma_semaphore, #tpu.memory_space<semaphore_mem>>
        %dma_start3A_50 = arith.constant 0 : i32
        %dma_start3A_51 = tpu.memref_slice %arg8[%add3A_49, %dma_start3A_50] : memref<40x128xi32, #tpu.memory_space<vmem>> -> memref<1x128xi32, #tpu.memory_space<vmem>>
        %dma_start3A_52 = tpu.memref_squeeze %dma_start3A_51 : memref<1x128xi32, #tpu.memory_space<vmem>> -> memref<128xi32, #tpu.memory_space<vmem>>
        %dma_start3A_53 = arith.constant 0 : i32
        %dma_start3A_54 = arith.constant 0 : i32
        %dma_start3A_55 = tpu.memref_slice %arg11[%dma_start3A_53, %dma_start3A_54] : memref<10240x128xf32, #tpu.memory_space<vmem_shared>> -> memref<10240x128xf32, #tpu.memory_space<vmem_shared>>
        tpu.enqueue_indirect_dma source(%arg10 : memref<128x128xf32, #tpu.memory_space<vmem>>) target(%dma_start3A_55 : memref<10240x128xf32, #tpu.memory_space<vmem_shared>>) offsets(%dma_start3A_52 : memref<128xi32, #tpu.memory_space<vmem>>) semaphore(%run_scoped3A : memref<!tpu.dma_semaphore, #tpu.memory_space<semaphore_mem>>) {add = true}
        %dma_wait3A_56 = arith.constant 0 : i32
        %dma_wait3A_57 = tpu.memref_slice %arg8[%add3A_49, %dma_wait3A_56] : memref<40x128xi32, #tpu.memory_space<vmem>> -> memref<1x128xi32, #tpu.memory_space<vmem>>
        %dma_wait3A_58 = tpu.memref_squeeze %dma_wait3A_57 : memref<1x128xi32, #tpu.memory_space<vmem>> -> memref<128xi32, #tpu.memory_space<vmem>>
        %dma_wait3A_59 = arith.constant 0 : i32
        %dma_wait3A_60 = arith.constant 0 : i32
        %dma_wait3A_61 = tpu.memref_slice %arg11[%dma_wait3A_59, %dma_wait3A_60] : memref<10240x128xf32, #tpu.memory_space<vmem_shared>> -> memref<10240x128xf32, #tpu.memory_space<vmem_shared>>
        tpu.wait_indirect_dma semaphore(%run_scoped3A : memref<!tpu.dma_semaphore, #tpu.memory_space<semaphore_mem>>) src(%arg10 : memref<128x128xf32, #tpu.memory_space<vmem>>) dst(%dma_wait3A_61 : memref<10240x128xf32, #tpu.memory_space<vmem_shared>>)
        tpu.yield
      }) : () -> ()
    }
    %scan3A_12 = arith.constant 20 : i32
    %barrier3A_13 = arith.constant 0 : index
    tpu.barrier barrier_id(%barrier3A_13)
    %mul3A_14 = arith.constant 640 : i32
    %mul3A_15 = arith.muli %arg1, %mul3A_14 : i32
    %mul3A_16 = arith.constant 640 : i32
    %mul3A_17 = arith.muli %arg1, %mul3A_16 : i32
    "tpu.region"() ({
      %run_scoped3A = tpu.sem_alloc : memref<!tpu.dma_semaphore, #tpu.memory_space<semaphore_mem>>
      %dma_start3A_18 = arith.constant 0 : i32
      %dma_start3A_19 = tpu.memref_slice %arg6[%arg0, %mul3A_17, %dma_start3A_18] : memref<2x10240x128xf32, #tpu.memory_space<hbm>> -> memref<1x640x128xf32, #tpu.memory_space<hbm>>
      %dma_start3A_20 = tpu.memref_squeeze %dma_start3A_19 : memref<1x640x128xf32, #tpu.memory_space<hbm>> -> memref<640x128xf32, #tpu.memory_space<hbm>>
      %dma_start3A_21 = arith.constant 0 : i32
      %dma_start3A_22 = tpu.memref_slice %arg11[%mul3A_15, %dma_start3A_21] : memref<10240x128xf32, #tpu.memory_space<vmem_shared>> -> memref<640x128xf32, #tpu.memory_space<vmem_shared>>
      tpu.enqueue_dma source(%dma_start3A_22 : memref<640x128xf32, #tpu.memory_space<vmem_shared>>) target(%dma_start3A_20 : memref<640x128xf32, #tpu.memory_space<hbm>>) target_semaphore(%run_scoped3A : memref<!tpu.dma_semaphore, #tpu.memory_space<semaphore_mem>>)
      %dma_wait3A = arith.constant 0 : i32
      %dma_wait3A_23 = tpu.memref_slice %arg6[%arg0, %mul3A_17, %dma_wait3A] : memref<2x10240x128xf32, #tpu.memory_space<hbm>> -> memref<1x640x128xf32, #tpu.memory_space<hbm>>
      %dma_wait3A_24 = tpu.memref_squeeze %dma_wait3A_23 : memref<1x640x128xf32, #tpu.memory_space<hbm>> -> memref<640x128xf32, #tpu.memory_space<hbm>>
      %dma_wait3A_25 = arith.constant 0 : i32
      %dma_wait3A_26 = tpu.memref_slice %arg11[%mul3A_15, %dma_wait3A_25] : memref<10240x128xf32, #tpu.memory_space<vmem_shared>> -> memref<640x128xf32, #tpu.memory_space<vmem_shared>>
      tpu.wait_dma2 semaphore(%run_scoped3A : memref<!tpu.dma_semaphore, #tpu.memory_space<semaphore_mem>>) src(%dma_wait3A_26 : memref<640x128xf32, #tpu.memory_space<vmem_shared>>) dst(%dma_wait3A_24 : memref<640x128xf32, #tpu.memory_space<hbm>>)
      tpu.yield
    }) : () -> ()
    return
  }
}

#map = affine_map<(d0, d1) -> (0, 0)>
#map1 = affine_map<(d0, d1) -> (0, 0, 0)>
module attributes {stable_mosaic.version = 14 : i64} {
  func.func @k(%arg0: i32, %arg1: i32, %arg2: memref<10000x32xf32, #tpu.memory_space<hbm>>, %arg3: memref<32x40x128xi32, #tpu.memory_space<hbm>>, %arg4: memref<32x40x128xi32, #tpu.memory_space<hbm>>, %arg5: memref<163840x32xf32, #tpu.memory_space<hbm>>, %arg6: memref<163840x32xf32, #tpu.memory_space<hbm>>, %arg7: memref<40x128xi32, #tpu.memory_space<vmem>>, %arg8: memref<40x128xi32, #tpu.memory_space<vmem>>, %arg9: memref<128x32xf32, #tpu.memory_space<vmem>>, %arg10: memref<128x32xf32, #tpu.memory_space<vmem>>, %arg11: memref<128x32xf32, #tpu.memory_space<vmem>>, %arg12: memref<128x32xf32, #tpu.memory_space<vmem>>, %arg13: memref<!tpu.dma_semaphore, #tpu.memory_space<semaphore_mem>>, %arg14: memref<!tpu.dma_semaphore, #tpu.memory_space<semaphore_mem>>) attributes {dimension_semantics = [#tpu.dimension_semantics<core_parallel>, #tpu.dimension_semantics<subcore_parallel>], iteration_bounds = array<i64: 2, 16>, scalar_prefetch = 0 : i64, scratch_operands = 8 : i64, tpu.core_type = #tpu.core_type<sc_vector_subcore>, window_params = [{transform_indices = #map}, {transform_indices = #map1}, {transform_indices = #map1}, {transform_indices = #map}, {transform_indices = #map}]} {
    %mul3A = arith.constant 2 : i32
    %mul3A_0 = arith.muli %arg1, %mul3A : i32
    %add3A = arith.addi %mul3A_0, %arg0 : i32
    "tpu.region"() ({
      %run_scoped3A = tpu.sem_alloc : memref<!tpu.dma_semaphore, #tpu.memory_space<semaphore_mem>>
      %dma_start3A_18 = arith.constant 0 : i32
      %dma_start3A_19 = arith.constant 0 : i32
      %dma_start3A_20 = tpu.memref_slice %arg3[%add3A, %dma_start3A_18, %dma_start3A_19] : memref<32x40x128xi32, #tpu.memory_space<hbm>> -> memref<1x40x128xi32, #tpu.memory_space<hbm>>
      %dma_start3A_21 = tpu.memref_squeeze %dma_start3A_20 : memref<1x40x128xi32, #tpu.memory_space<hbm>> -> memref<40x128xi32, #tpu.memory_space<hbm>>
      %dma_start3A_22 = arith.constant 0 : i32
      %dma_start3A_23 = arith.constant 0 : i32
      %dma_start3A_24 = tpu.memref_slice %arg3[%add3A, %dma_start3A_22, %dma_start3A_23] : memref<32x40x128xi32, #tpu.memory_space<hbm>> -> memref<1x40x128xi32, #tpu.memory_space<hbm>>
      %dma_start3A_25 = tpu.memref_squeeze %dma_start3A_24 : memref<1x40x128xi32, #tpu.memory_space<hbm>> -> memref<40x128xi32, #tpu.memory_space<hbm>>
      tpu.enqueue_dma source(%dma_start3A_25 : memref<40x128xi32, #tpu.memory_space<hbm>>) target(%arg7 : memref<40x128xi32, #tpu.memory_space<vmem>>) target_semaphore(%run_scoped3A : memref<!tpu.dma_semaphore, #tpu.memory_space<semaphore_mem>>)
      %dma_wait3A = arith.constant 0 : i32
      %dma_wait3A_26 = arith.constant 0 : i32
      %dma_wait3A_27 = tpu.memref_slice %arg3[%add3A, %dma_wait3A, %dma_wait3A_26] : memref<32x40x128xi32, #tpu.memory_space<hbm>> -> memref<1x40x128xi32, #tpu.memory_space<hbm>>
      %dma_wait3A_28 = tpu.memref_squeeze %dma_wait3A_27 : memref<1x40x128xi32, #tpu.memory_space<hbm>> -> memref<40x128xi32, #tpu.memory_space<hbm>>
      %dma_wait3A_29 = arith.constant 0 : i32
      %dma_wait3A_30 = arith.constant 0 : i32
      %dma_wait3A_31 = tpu.memref_slice %arg3[%add3A, %dma_wait3A_29, %dma_wait3A_30] : memref<32x40x128xi32, #tpu.memory_space<hbm>> -> memref<1x40x128xi32, #tpu.memory_space<hbm>>
      %dma_wait3A_32 = tpu.memref_squeeze %dma_wait3A_31 : memref<1x40x128xi32, #tpu.memory_space<hbm>> -> memref<40x128xi32, #tpu.memory_space<hbm>>
      tpu.wait_dma2 semaphore(%run_scoped3A : memref<!tpu.dma_semaphore, #tpu.memory_space<semaphore_mem>>) src(%dma_wait3A_32 : memref<40x128xi32, #tpu.memory_space<hbm>>) dst(%arg7 : memref<40x128xi32, #tpu.memory_space<vmem>>)
      tpu.yield
    }) : () -> ()
    "tpu.region"() ({
      %run_scoped3A = tpu.sem_alloc : memref<!tpu.dma_semaphore, #tpu.memory_space<semaphore_mem>>
      %dma_start3A_18 = arith.constant 0 : i32
      %dma_start3A_19 = arith.constant 0 : i32
      %dma_start3A_20 = tpu.memref_slice %arg4[%add3A, %dma_start3A_18, %dma_start3A_19] : memref<32x40x128xi32, #tpu.memory_space<hbm>> -> memref<1x40x128xi32, #tpu.memory_space<hbm>>
      %dma_start3A_21 = tpu.memref_squeeze %dma_start3A_20 : memref<1x40x128xi32, #tpu.memory_space<hbm>> -> memref<40x128xi32, #tpu.memory_space<hbm>>
      %dma_start3A_22 = arith.constant 0 : i32
      %dma_start3A_23 = arith.constant 0 : i32
      %dma_start3A_24 = tpu.memref_slice %arg4[%add3A, %dma_start3A_22, %dma_start3A_23] : memref<32x40x128xi32, #tpu.memory_space<hbm>> -> memref<1x40x128xi32, #tpu.memory_space<hbm>>
      %dma_start3A_25 = tpu.memref_squeeze %dma_start3A_24 : memref<1x40x128xi32, #tpu.memory_space<hbm>> -> memref<40x128xi32, #tpu.memory_space<hbm>>
      tpu.enqueue_dma source(%dma_start3A_25 : memref<40x128xi32, #tpu.memory_space<hbm>>) target(%arg8 : memref<40x128xi32, #tpu.memory_space<vmem>>) target_semaphore(%run_scoped3A : memref<!tpu.dma_semaphore, #tpu.memory_space<semaphore_mem>>)
      %dma_wait3A = arith.constant 0 : i32
      %dma_wait3A_26 = arith.constant 0 : i32
      %dma_wait3A_27 = tpu.memref_slice %arg4[%add3A, %dma_wait3A, %dma_wait3A_26] : memref<32x40x128xi32, #tpu.memory_space<hbm>> -> memref<1x40x128xi32, #tpu.memory_space<hbm>>
      %dma_wait3A_28 = tpu.memref_squeeze %dma_wait3A_27 : memref<1x40x128xi32, #tpu.memory_space<hbm>> -> memref<40x128xi32, #tpu.memory_space<hbm>>
      %dma_wait3A_29 = arith.constant 0 : i32
      %dma_wait3A_30 = arith.constant 0 : i32
      %dma_wait3A_31 = tpu.memref_slice %arg4[%add3A, %dma_wait3A_29, %dma_wait3A_30] : memref<32x40x128xi32, #tpu.memory_space<hbm>> -> memref<1x40x128xi32, #tpu.memory_space<hbm>>
      %dma_wait3A_32 = tpu.memref_squeeze %dma_wait3A_31 : memref<1x40x128xi32, #tpu.memory_space<hbm>> -> memref<40x128xi32, #tpu.memory_space<hbm>>
      tpu.wait_dma2 semaphore(%run_scoped3A : memref<!tpu.dma_semaphore, #tpu.memory_space<semaphore_mem>>) src(%dma_wait3A_32 : memref<40x128xi32, #tpu.memory_space<hbm>>) dst(%arg8 : memref<40x128xi32, #tpu.memory_space<vmem>>)
      tpu.yield
    }) : () -> ()
    %dma_start3A = arith.constant 0 : i32
    %dma_start3A_1 = arith.constant 0 : i32
    %dma_start3A_2 = tpu.memref_slice %arg7[%dma_start3A, %dma_start3A_1] : memref<40x128xi32, #tpu.memory_space<vmem>> -> memref<1x128xi32, #tpu.memory_space<vmem>>
    %dma_start3A_3 = tpu.memref_squeeze %dma_start3A_2 : memref<1x128xi32, #tpu.memory_space<vmem>> -> memref<128xi32, #tpu.memory_space<vmem>>
    %dma_start3A_4 = arith.constant 0 : i32
    %dma_start3A_5 = arith.constant 0 : i32
    %dma_start3A_6 = tpu.memref_slice %arg2[%dma_start3A_4, %dma_start3A_5] : memref<10000x32xf32, #tpu.memory_space<hbm>> -> memref<10000x32xf32, #tpu.memory_space<hbm>>
    tpu.enqueue_indirect_dma source(%dma_start3A_6 : memref<10000x32xf32, #tpu.memory_space<hbm>>) target(%arg9 : memref<128x32xf32, #tpu.memory_space<vmem>>) offsets(%dma_start3A_3 : memref<128xi32, #tpu.memory_space<vmem>>) semaphore(%arg13 : memref<!tpu.dma_semaphore, #tpu.memory_space<semaphore_mem>>)
    %dma_start3A_7 = arith.constant 0 : i32
    %dma_start3A_8 = arith.constant 0 : i32
    %dma_start3A_9 = tpu.memref_slice %arg8[%dma_start3A_7, %dma_start3A_8] : memref<40x128xi32, #tpu.memory_space<vmem>> -> memref<1x128xi32, #tpu.memory_space<vmem>>
    %dma_start3A_10 = tpu.memref_squeeze %dma_start3A_9 : memref<1x128xi32, #tpu.memory_space<vmem>> -> memref<128xi32, #tpu.memory_space<vmem>>
    %dma_start3A_11 = arith.constant 0 : i32
    %dma_start3A_12 = arith.constant 0 : i32
    %dma_start3A_13 = tpu.memref_slice %arg2[%dma_start3A_11, %dma_start3A_12] : memref<10000x32xf32, #tpu.memory_space<hbm>> -> memref<10000x32xf32, #tpu.memory_space<hbm>>
    tpu.enqueue_indirect_dma source(%dma_start3A_13 : memref<10000x32xf32, #tpu.memory_space<hbm>>) target(%arg10 : memref<128x32xf32, #tpu.memory_space<vmem>>) offsets(%dma_start3A_10 : memref<128xi32, #tpu.memory_space<vmem>>) semaphore(%arg13 : memref<!tpu.dma_semaphore, #tpu.memory_space<semaphore_mem>>)
    %scan3A = arith.constant 0 : i32
    %scan3A_14 = arith.constant 20 : i32
    %scan3A_15 = arith.addi %scan3A, %scan3A_14 : i32
    %scan3A_16 = arith.constant 1 : i32
    scf.for %scan3A_18 = %scan3A to %scan3A_15 step %scan3A_16  : i32 {
      %mul3A_19 = arith.constant 2 : i32
      %mul3A_20 = arith.muli %scan3A_18, %mul3A_19 : i32
      %add3A_21 = arith.constant 0 : i32
      %add3A_22 = arith.addi %add3A_21, %mul3A_20 : i32
      %add3A_23 = arith.constant 1 : i32
      %add3A_24 = arith.addi %add3A_22, %add3A_23 : i32
      %dma_start3A_25 = arith.constant 0 : i32
      %dma_start3A_26 = tpu.memref_slice %arg7[%add3A_24, %dma_start3A_25] : memref<40x128xi32, #tpu.memory_space<vmem>> -> memref<1x128xi32, #tpu.memory_space<vmem>>
      %dma_start3A_27 = tpu.memref_squeeze %dma_start3A_26 : memref<1x128xi32, #tpu.memory_space<vmem>> -> memref<128xi32, #tpu.memory_space<vmem>>
      %dma_start3A_28 = arith.constant 0 : i32
      %dma_start3A_29 = arith.constant 0 : i32
      %dma_start3A_30 = tpu.memref_slice %arg2[%dma_start3A_28, %dma_start3A_29] : memref<10000x32xf32, #tpu.memory_space<hbm>> -> memref<10000x32xf32, #tpu.memory_space<hbm>>
      tpu.enqueue_indirect_dma source(%dma_start3A_30 : memref<10000x32xf32, #tpu.memory_space<hbm>>) target(%arg11 : memref<128x32xf32, #tpu.memory_space<vmem>>) offsets(%dma_start3A_27 : memref<128xi32, #tpu.memory_space<vmem>>) semaphore(%arg14 : memref<!tpu.dma_semaphore, #tpu.memory_space<semaphore_mem>>)
      %add3A_31 = arith.constant 1 : i32
      %add3A_32 = arith.addi %add3A_22, %add3A_31 : i32
      %dma_start3A_33 = arith.constant 0 : i32
      %dma_start3A_34 = tpu.memref_slice %arg8[%add3A_32, %dma_start3A_33] : memref<40x128xi32, #tpu.memory_space<vmem>> -> memref<1x128xi32, #tpu.memory_space<vmem>>
      %dma_start3A_35 = tpu.memref_squeeze %dma_start3A_34 : memref<1x128xi32, #tpu.memory_space<vmem>> -> memref<128xi32, #tpu.memory_space<vmem>>
      %dma_start3A_36 = arith.constant 0 : i32
      %dma_start3A_37 = arith.constant 0 : i32
      %dma_start3A_38 = tpu.memref_slice %arg2[%dma_start3A_36, %dma_start3A_37] : memref<10000x32xf32, #tpu.memory_space<hbm>> -> memref<10000x32xf32, #tpu.memory_space<hbm>>
      tpu.enqueue_indirect_dma source(%dma_start3A_38 : memref<10000x32xf32, #tpu.memory_space<hbm>>) target(%arg12 : memref<128x32xf32, #tpu.memory_space<vmem>>) offsets(%dma_start3A_35 : memref<128xi32, #tpu.memory_space<vmem>>) semaphore(%arg14 : memref<!tpu.dma_semaphore, #tpu.memory_space<semaphore_mem>>)
      %mul3A_39 = arith.constant 5120 : i32
      %mul3A_40 = arith.muli %add3A, %mul3A_39 : i32
      %mul3A_41 = arith.constant 128 : i32
      %mul3A_42 = arith.muli %add3A_22, %mul3A_41 : i32
      %add3A_43 = arith.addi %mul3A_40, %mul3A_42 : i32
      %dma_wait3A = arith.constant 0 : i32
      %dma_wait3A_44 = tpu.memref_slice %arg7[%add3A_22, %dma_wait3A] : memref<40x128xi32, #tpu.memory_space<vmem>> -> memref<1x128xi32, #tpu.memory_space<vmem>>
      %dma_wait3A_45 = tpu.memref_squeeze %dma_wait3A_44 : memref<1x128xi32, #tpu.memory_space<vmem>> -> memref<128xi32, #tpu.memory_space<vmem>>
      %dma_wait3A_46 = arith.constant 0 : i32
      %dma_wait3A_47 = arith.constant 0 : i32
      %dma_wait3A_48 = tpu.memref_slice %arg2[%dma_wait3A_46, %dma_wait3A_47] : memref<10000x32xf32, #tpu.memory_space<hbm>> -> memref<10000x32xf32, #tpu.memory_space<hbm>>
      tpu.wait_indirect_dma semaphore(%arg13 : memref<!tpu.dma_semaphore, #tpu.memory_space<semaphore_mem>>) src(%dma_wait3A_48 : memref<10000x32xf32, #tpu.memory_space<hbm>>) dst(%arg9 : memref<128x32xf32, #tpu.memory_space<vmem>>)
      %dma_wait3A_49 = arith.constant 0 : i32
      %dma_wait3A_50 = tpu.memref_slice %arg8[%add3A_22, %dma_wait3A_49] : memref<40x128xi32, #tpu.memory_space<vmem>> -> memref<1x128xi32, #tpu.memory_space<vmem>>
      %dma_wait3A_51 = tpu.memref_squeeze %dma_wait3A_50 : memref<1x128xi32, #tpu.memory_space<vmem>> -> memref<128xi32, #tpu.memory_space<vmem>>
      %dma_wait3A_52 = arith.constant 0 : i32
      %dma_wait3A_53 = arith.constant 0 : i32
      %dma_wait3A_54 = tpu.memref_slice %arg2[%dma_wait3A_52, %dma_wait3A_53] : memref<10000x32xf32, #tpu.memory_space<hbm>> -> memref<10000x32xf32, #tpu.memory_space<hbm>>
      tpu.wait_indirect_dma semaphore(%arg13 : memref<!tpu.dma_semaphore, #tpu.memory_space<semaphore_mem>>) src(%dma_wait3A_54 : memref<10000x32xf32, #tpu.memory_space<hbm>>) dst(%arg10 : memref<128x32xf32, #tpu.memory_space<vmem>>)
      "tpu.region"() ({
        %run_scoped3A = tpu.sem_alloc : memref<!tpu.dma_semaphore, #tpu.memory_space<semaphore_mem>>
        %dma_start3A_79 = arith.constant 0 : i32
        %dma_start3A_80 = tpu.memref_slice %arg5[%add3A_43, %dma_start3A_79] : memref<163840x32xf32, #tpu.memory_space<hbm>> -> memref<128x32xf32, #tpu.memory_space<hbm>>
        %dma_start3A_81 = arith.constant 0 : i32
        %dma_start3A_82 = tpu.memref_slice %arg5[%add3A_43, %dma_start3A_81] : memref<163840x32xf32, #tpu.memory_space<hbm>> -> memref<128x32xf32, #tpu.memory_space<hbm>>
        tpu.enqueue_dma source(%arg9 : memref<128x32xf32, #tpu.memory_space<vmem>>) target(%dma_start3A_82 : memref<128x32xf32, #tpu.memory_space<hbm>>) target_semaphore(%run_scoped3A : memref<!tpu.dma_semaphore, #tpu.memory_space<semaphore_mem>>)
        %dma_wait3A_83 = arith.constant 0 : i32
        %dma_wait3A_84 = tpu.memref_slice %arg5[%add3A_43, %dma_wait3A_83] : memref<163840x32xf32, #tpu.memory_space<hbm>> -> memref<128x32xf32, #tpu.memory_space<hbm>>
        %dma_wait3A_85 = arith.constant 0 : i32
        %dma_wait3A_86 = tpu.memref_slice %arg5[%add3A_43, %dma_wait3A_85] : memref<163840x32xf32, #tpu.memory_space<hbm>> -> memref<128x32xf32, #tpu.memory_space<hbm>>
        tpu.wait_dma2 semaphore(%run_scoped3A : memref<!tpu.dma_semaphore, #tpu.memory_space<semaphore_mem>>) src(%arg9 : memref<128x32xf32, #tpu.memory_space<vmem>>) dst(%dma_wait3A_86 : memref<128x32xf32, #tpu.memory_space<hbm>>)
        tpu.yield
      }) : () -> ()
      "tpu.region"() ({
        %run_scoped3A = tpu.sem_alloc : memref<!tpu.dma_semaphore, #tpu.memory_space<semaphore_mem>>
        %dma_start3A_79 = arith.constant 0 : i32
        %dma_start3A_80 = tpu.memref_slice %arg6[%add3A_43, %dma_start3A_79] : memref<163840x32xf32, #tpu.memory_space<hbm>> -> memref<128x32xf32, #tpu.memory_space<hbm>>
        %dma_start3A_81 = arith.constant 0 : i32
        %dma_start3A_82 = tpu.memref_slice %arg6[%add3A_43, %dma_start3A_81] : memref<163840x32xf32, #tpu.memory_space<hbm>> -> memref<128x32xf32, #tpu.memory_space<hbm>>
        tpu.enqueue_dma source(%arg10 : memref<128x32xf32, #tpu.memory_space<vmem>>) target(%dma_start3A_82 : memref<128x32xf32, #tpu.memory_space<hbm>>) target_semaphore(%run_scoped3A : memref<!tpu.dma_semaphore, #tpu.memory_space<semaphore_mem>>)
        %dma_wait3A_83 = arith.constant 0 : i32
        %dma_wait3A_84 = tpu.memref_slice %arg6[%add3A_43, %dma_wait3A_83] : memref<163840x32xf32, #tpu.memory_space<hbm>> -> memref<128x32xf32, #tpu.memory_space<hbm>>
        %dma_wait3A_85 = arith.constant 0 : i32
        %dma_wait3A_86 = tpu.memref_slice %arg6[%add3A_43, %dma_wait3A_85] : memref<163840x32xf32, #tpu.memory_space<hbm>> -> memref<128x32xf32, #tpu.memory_space<hbm>>
        tpu.wait_dma2 semaphore(%run_scoped3A : memref<!tpu.dma_semaphore, #tpu.memory_space<semaphore_mem>>) src(%arg10 : memref<128x32xf32, #tpu.memory_space<vmem>>) dst(%dma_wait3A_86 : memref<128x32xf32, #tpu.memory_space<hbm>>)
        tpu.yield
      }) : () -> ()
      %add3A_55 = arith.constant 2 : i32
      %add3A_56 = arith.addi %add3A_22, %add3A_55 : i32
      %lt3A = arith.constant 40 : i32
      %lt3A_57 = arith.cmpi slt, %add3A_56, %lt3A : i32
      %convert_element_type3A = arith.extui %lt3A_57 : i1 to i32
      %cond3A = arith.constant 0 : i32
      %cond3A_58 = arith.cmpi ne, %convert_element_type3A, %cond3A : i32
      scf.if %cond3A_58 {
        %add3A_79 = arith.constant 2 : i32
        %add3A_80 = arith.addi %add3A_22, %add3A_79 : i32
        %dma_start3A_81 = arith.constant 0 : i32
        %dma_start3A_82 = tpu.memref_slice %arg7[%add3A_80, %dma_start3A_81] : memref<40x128xi32, #tpu.memory_space<vmem>> -> memref<1x128xi32, #tpu.memory_space<vmem>>
        %dma_start3A_83 = tpu.memref_squeeze %dma_start3A_82 : memref<1x128xi32, #tpu.memory_space<vmem>> -> memref<128xi32, #tpu.memory_space<vmem>>
        %dma_start3A_84 = arith.constant 0 : i32
        %dma_start3A_85 = arith.constant 0 : i32
        %dma_start3A_86 = tpu.memref_slice %arg2[%dma_start3A_84, %dma_start3A_85] : memref<10000x32xf32, #tpu.memory_space<hbm>> -> memref<10000x32xf32, #tpu.memory_space<hbm>>
        tpu.enqueue_indirect_dma source(%dma_start3A_86 : memref<10000x32xf32, #tpu.memory_space<hbm>>) target(%arg9 : memref<128x32xf32, #tpu.memory_space<vmem>>) offsets(%dma_start3A_83 : memref<128xi32, #tpu.memory_space<vmem>>) semaphore(%arg13 : memref<!tpu.dma_semaphore, #tpu.memory_space<semaphore_mem>>)
        %add3A_87 = arith.constant 2 : i32
        %add3A_88 = arith.addi %add3A_22, %add3A_87 : i32
        %dma_start3A_89 = arith.constant 0 : i32
        %dma_start3A_90 = tpu.memref_slice %arg8[%add3A_88, %dma_start3A_89] : memref<40x128xi32, #tpu.memory_space<vmem>> -> memref<1x128xi32, #tpu.memory_space<vmem>>
        %dma_start3A_91 = tpu.memref_squeeze %dma_start3A_90 : memref<1x128xi32, #tpu.memory_space<vmem>> -> memref<128xi32, #tpu.memory_space<vmem>>
        %dma_start3A_92 = arith.constant 0 : i32
        %dma_start3A_93 = arith.constant 0 : i32
        %dma_start3A_94 = tpu.memref_slice %arg2[%dma_start3A_92, %dma_start3A_93] : memref<10000x32xf32, #tpu.memory_space<hbm>> -> memref<10000x32xf32, #tpu.memory_space<hbm>>
        tpu.enqueue_indirect_dma source(%dma_start3A_94 : memref<10000x32xf32, #tpu.memory_space<hbm>>) target(%arg10 : memref<128x32xf32, #tpu.memory_space<vmem>>) offsets(%dma_start3A_91 : memref<128xi32, #tpu.memory_space<vmem>>) semaphore(%arg13 : memref<!tpu.dma_semaphore, #tpu.memory_space<semaphore_mem>>)
      } else {
      }
      %add3A_59 = arith.constant 1 : i32
      %add3A_60 = arith.addi %add3A_22, %add3A_59 : i32
      %dma_wait3A_61 = arith.constant 0 : i32
      %dma_wait3A_62 = tpu.memref_slice %arg7[%add3A_60, %dma_wait3A_61] : memref<40x128xi32, #tpu.memory_space<vmem>> -> memref<1x128xi32, #tpu.memory_space<vmem>>
      %dma_wait3A_63 = tpu.memref_squeeze %dma_wait3A_62 : memref<1x128xi32, #tpu.memory_space<vmem>> -> memref<128xi32, #tpu.memory_space<vmem>>
      %dma_wait3A_64 = arith.constant 0 : i32
      %dma_wait3A_65 = arith.constant 0 : i32
      %dma_wait3A_66 = tpu.memref_slice %arg2[%dma_wait3A_64, %dma_wait3A_65] : memref<10000x32xf32, #tpu.memory_space<hbm>> -> memref<10000x32xf32, #tpu.memory_space<hbm>>
      tpu.wait_indirect_dma semaphore(%arg14 : memref<!tpu.dma_semaphore, #tpu.memory_space<semaphore_mem>>) src(%dma_wait3A_66 : memref<10000x32xf32, #tpu.memory_space<hbm>>) dst(%arg11 : memref<128x32xf32, #tpu.memory_space<vmem>>)
      %add3A_67 = arith.constant 1 : i32
      %add3A_68 = arith.addi %add3A_22, %add3A_67 : i32
      %dma_wait3A_69 = arith.constant 0 : i32
      %dma_wait3A_70 = tpu.memref_slice %arg8[%add3A_68, %dma_wait3A_69] : memref<40x128xi32, #tpu.memory_space<vmem>> -> memref<1x128xi32, #tpu.memory_space<vmem>>
      %dma_wait3A_71 = tpu.memref_squeeze %dma_wait3A_70 : memref<1x128xi32, #tpu.memory_space<vmem>> -> memref<128xi32, #tpu.memory_space<vmem>>
      %dma_wait3A_72 = arith.constant 0 : i32
      %dma_wait3A_73 = arith.constant 0 : i32
      %dma_wait3A_74 = tpu.memref_slice %arg2[%dma_wait3A_72, %dma_wait3A_73] : memref<10000x32xf32, #tpu.memory_space<hbm>> -> memref<10000x32xf32, #tpu.memory_space<hbm>>
      tpu.wait_indirect_dma semaphore(%arg14 : memref<!tpu.dma_semaphore, #tpu.memory_space<semaphore_mem>>) src(%dma_wait3A_74 : memref<10000x32xf32, #tpu.memory_space<hbm>>) dst(%arg12 : memref<128x32xf32, #tpu.memory_space<vmem>>)
      %add3A_75 = arith.constant 128 : i32
      %add3A_76 = arith.addi %add3A_43, %add3A_75 : i32
      "tpu.region"() ({
        %run_scoped3A = tpu.sem_alloc : memref<!tpu.dma_semaphore, #tpu.memory_space<semaphore_mem>>
        %dma_start3A_79 = arith.constant 0 : i32
        %dma_start3A_80 = tpu.memref_slice %arg5[%add3A_76, %dma_start3A_79] : memref<163840x32xf32, #tpu.memory_space<hbm>> -> memref<128x32xf32, #tpu.memory_space<hbm>>
        %dma_start3A_81 = arith.constant 0 : i32
        %dma_start3A_82 = tpu.memref_slice %arg5[%add3A_76, %dma_start3A_81] : memref<163840x32xf32, #tpu.memory_space<hbm>> -> memref<128x32xf32, #tpu.memory_space<hbm>>
        tpu.enqueue_dma source(%arg11 : memref<128x32xf32, #tpu.memory_space<vmem>>) target(%dma_start3A_82 : memref<128x32xf32, #tpu.memory_space<hbm>>) target_semaphore(%run_scoped3A : memref<!tpu.dma_semaphore, #tpu.memory_space<semaphore_mem>>)
        %dma_wait3A_83 = arith.constant 0 : i32
        %dma_wait3A_84 = tpu.memref_slice %arg5[%add3A_76, %dma_wait3A_83] : memref<163840x32xf32, #tpu.memory_space<hbm>> -> memref<128x32xf32, #tpu.memory_space<hbm>>
        %dma_wait3A_85 = arith.constant 0 : i32
        %dma_wait3A_86 = tpu.memref_slice %arg5[%add3A_76, %dma_wait3A_85] : memref<163840x32xf32, #tpu.memory_space<hbm>> -> memref<128x32xf32, #tpu.memory_space<hbm>>
        tpu.wait_dma2 semaphore(%run_scoped3A : memref<!tpu.dma_semaphore, #tpu.memory_space<semaphore_mem>>) src(%arg11 : memref<128x32xf32, #tpu.memory_space<vmem>>) dst(%dma_wait3A_86 : memref<128x32xf32, #tpu.memory_space<hbm>>)
        tpu.yield
      }) : () -> ()
      %add3A_77 = arith.constant 128 : i32
      %add3A_78 = arith.addi %add3A_43, %add3A_77 : i32
      "tpu.region"() ({
        %run_scoped3A = tpu.sem_alloc : memref<!tpu.dma_semaphore, #tpu.memory_space<semaphore_mem>>
        %dma_start3A_79 = arith.constant 0 : i32
        %dma_start3A_80 = tpu.memref_slice %arg6[%add3A_78, %dma_start3A_79] : memref<163840x32xf32, #tpu.memory_space<hbm>> -> memref<128x32xf32, #tpu.memory_space<hbm>>
        %dma_start3A_81 = arith.constant 0 : i32
        %dma_start3A_82 = tpu.memref_slice %arg6[%add3A_78, %dma_start3A_81] : memref<163840x32xf32, #tpu.memory_space<hbm>> -> memref<128x32xf32, #tpu.memory_space<hbm>>
        tpu.enqueue_dma source(%arg12 : memref<128x32xf32, #tpu.memory_space<vmem>>) target(%dma_start3A_82 : memref<128x32xf32, #tpu.memory_space<hbm>>) target_semaphore(%run_scoped3A : memref<!tpu.dma_semaphore, #tpu.memory_space<semaphore_mem>>)
        %dma_wait3A_83 = arith.constant 0 : i32
        %dma_wait3A_84 = tpu.memref_slice %arg6[%add3A_78, %dma_wait3A_83] : memref<163840x32xf32, #tpu.memory_space<hbm>> -> memref<128x32xf32, #tpu.memory_space<hbm>>
        %dma_wait3A_85 = arith.constant 0 : i32
        %dma_wait3A_86 = tpu.memref_slice %arg6[%add3A_78, %dma_wait3A_85] : memref<163840x32xf32, #tpu.memory_space<hbm>> -> memref<128x32xf32, #tpu.memory_space<hbm>>
        tpu.wait_dma2 semaphore(%run_scoped3A : memref<!tpu.dma_semaphore, #tpu.memory_space<semaphore_mem>>) src(%arg12 : memref<128x32xf32, #tpu.memory_space<vmem>>) dst(%dma_wait3A_86 : memref<128x32xf32, #tpu.memory_space<hbm>>)
        tpu.yield
      }) : () -> ()
    }
    %scan3A_17 = arith.constant 20 : i32
    return
  }
}

module attributes {stable_mosaic.version = 14 : i64} {
  func.func @body(%arg0: i32, %arg1: memref<1000x512xf32, #tpu.memory_space<vmem>>, %arg2: memref<1000x512xf32, #tpu.memory_space<vmem>>, %arg3: memref<512x128xf32, #tpu.memory_space<vmem>>, %arg4: memref<512x128xf32, #tpu.memory_space<vmem>>, %arg5: memref<1000x128xf32, #tpu.memory_space<vmem>>, %arg6: memref<1000x128xf32, #tpu.memory_space<vmem>>) attributes {dimension_semantics = [#tpu.dimension_semantics<arbitrary>], iteration_bounds = array<i64: 10>, scalar_prefetch = 0 : i64, scratch_operands = 0 : i64, tpu.core_type = #tpu.core_type<tc>, window_params = [{transform_indices = @transform_0, window_bounds = array<i64: 1000, 512>}, {transform_indices = @transform_1, window_bounds = array<i64: 1000, 512>}, {pipeline_mode = #tpu.pipeline_mode<synchronous>, transform_indices = @transform_2, window_bounds = array<i64: 512, 128>}, {pipeline_mode = #tpu.pipeline_mode<synchronous>, transform_indices = @transform_3, window_bounds = array<i64: 512, 128>}, {transform_indices = @transform_4, window_bounds = array<i64: 1000, 128>}, {transform_indices = @transform_5, window_bounds = array<i64: 1000, 128>}]} {
    %get3A = arith.constant 0 : index
    %get3A_0 = arith.constant 0 : index
    %get3A_1 = vector.load %arg1[%get3A, %get3A_0] : memref<1000x512xf32, #tpu.memory_space<vmem>>, vector<1000x512xf32>
    %get3A_2 = arith.constant 0 : index
    %get3A_3 = arith.constant 0 : index
    %get3A_4 = vector.load %arg3[%get3A_2, %get3A_3] : memref<512x128xf32, #tpu.memory_space<vmem>>, vector<512x128xf32>
    %dot_general3A = arith.constant dense<0.000000e+00> : vector<1000x128xf32>
    %dot_general3A_5 = tpu.matmul %get3A_1, %get3A_4, %dot_general3A {dimension_numbers = #tpu.dot_dimension_numbers<[1], [0], [0], [1], [0, 0, 1, 1], [], []>, transpose_lhs_hint = false} : vector<1000x512xf32>, vector<512x128xf32>, vector<1000x128xf32> -> vector<1000x128xf32>
    %swap3A = arith.constant 0 : index
    %swap3A_6 = arith.constant 0 : index
    %swap3A_7 = vector.load %arg5[%swap3A, %swap3A_6] : memref<1000x128xf32, #tpu.memory_space<vmem>>, vector<1000x128xf32>
    tpu.vector_store %arg5[%swap3A, %swap3A_6], %dot_general3A_5 {strides = array<i32>} : memref<1000x128xf32, #tpu.memory_space<vmem>>, vector<1000x128xf32>,
    %get3A_8 = arith.constant 0 : index
    %get3A_9 = arith.constant 0 : index
    %get3A_10 = vector.load %arg2[%get3A_8, %get3A_9] : memref<1000x512xf32, #tpu.memory_space<vmem>>, vector<1000x512xf32>
    %get3A_11 = arith.constant 0 : index
    %get3A_12 = arith.constant 0 : index
    %get3A_13 = vector.load %arg4[%get3A_11, %get3A_12] : memref<512x128xf32, #tpu.memory_space<vmem>>, vector<512x128xf32>
    %dot_general3A_14 = arith.constant dense<0.000000e+00> : vector<1000x128xf32>
    %dot_general3A_15 = tpu.matmul %get3A_10, %get3A_13, %dot_general3A_14 {dimension_numbers = #tpu.dot_dimension_numbers<[1], [0], [0], [1], [0, 0, 1, 1], [], []>, transpose_lhs_hint = false} : vector<1000x512xf32>, vector<512x128xf32>, vector<1000x128xf32> -> vector<1000x128xf32>
    %swap3A_16 = arith.constant 0 : index
    %swap3A_17 = arith.constant 0 : index
    %swap3A_18 = vector.load %arg6[%swap3A_16, %swap3A_17] : memref<1000x128xf32, #tpu.memory_space<vmem>>, vector<1000x128xf32>
    tpu.vector_store %arg6[%swap3A_16, %swap3A_17], %dot_general3A_15 {strides = array<i32>} : memref<1000x128xf32, #tpu.memory_space<vmem>>, vector<1000x128xf32>,
    return
  }
  func.func @transform_0(%arg0: i32) -> (i32, i32) {
    %c0_i32 = arith.constant 0 : i32
    %c0_i32_0 = arith.constant 0 : i32
    return %arg0, %c0_i32 : i32, i32
  }
  func.func @transform_1(%arg0: i32) -> (i32, i32) {
    %c0_i32 = arith.constant 0 : i32
    %c0_i32_0 = arith.constant 0 : i32
    return %arg0, %c0_i32 : i32, i32
  }
  func.func @transform_2(%arg0: i32) -> (i32, i32) {
    %c0_i32 = arith.constant 0 : i32
    %c0_i32_0 = arith.constant 0 : i32
    %c0_i32_1 = arith.constant 0 : i32
    return %c0_i32, %c0_i32_0 : i32, i32
  }
  func.func @transform_3(%arg0: i32) -> (i32, i32) {
    %c0_i32 = arith.constant 0 : i32
    %c0_i32_0 = arith.constant 0 : i32
    %c0_i32_1 = arith.constant 0 : i32
    return %c0_i32, %c0_i32_0 : i32, i32
  }
  func.func @transform_4(%arg0: i32) -> (i32, i32) {
    %c0_i32 = arith.constant 0 : i32
    %c0_i32_0 = arith.constant 0 : i32
    return %arg0, %c0_i32 : i32, i32
  }
  func.func @transform_5(%arg0: i32) -> (i32, i32) {
    %c0_i32 = arith.constant 0 : i32
    %c0_i32_0 = arith.constant 0 : i32
    return %arg0, %c0_i32 : i32, i32
  }
}

module attributes {stable_mosaic.version = 14 : i64} {
  func.func @body(%arg0: i32, %arg1: memref<2x1000x16xf32, #tpu.memory_space<vmem>>, %arg2: memref<1000x128xf32, #tpu.memory_space<vmem>>, %arg3: memref<1000x128xf32, #tpu.memory_space<vmem>>, %arg4: memref<1000x128xf32, #tpu.memory_space<vmem>>, %arg5: memref<1000x128xf32, #tpu.memory_space<vmem>>, %arg6: memref<1000x16xf32, #tpu.memory_space<vmem>>) attributes {dimension_semantics = [#tpu.dimension_semantics<arbitrary>], iteration_bounds = array<i64: 10>, scalar_prefetch = 0 : i64, scratch_operands = 0 : i64, tpu.core_type = #tpu.core_type<tc>, window_params = [{transform_indices = @transform_0, window_bounds = array<i64: 2, 1000, 16>}, {transform_indices = @transform_1, window_bounds = array<i64: 1000, 128>}, {transform_indices = @transform_2, window_bounds = array<i64: 1000, 128>}, {transform_indices = @transform_3, window_bounds = array<i64: 1000, 128>}, {transform_indices = @transform_4, window_bounds = array<i64: 1000, 128>}, {transform_indices = @transform_5, window_bounds = array<i64: 1000, 16>}]} {
    %get3A = arith.constant 0 : index
    %get3A_0 = arith.constant 0 : index
    %get3A_1 = arith.constant 0 : index
    %get3A_2 = vector.load %arg1[%get3A, %get3A_0, %get3A_1] : memref<2x1000x16xf32, #tpu.memory_space<vmem>>, vector<2x1000x16xf32>
    %slice3A = vector.extract_strided_slice %get3A_2 {offsets = [0, 0, 0], sizes = [1, 1000, 16], strides = [1, 1, 1]} : vector<2x1000x16xf32> to vector<1x1000x16xf32>
    %squeeze3A = vector.shape_cast %slice3A : vector<1x1000x16xf32> to vector<1000x16xf32>
    %slice3A_3 = vector.extract_strided_slice %get3A_2 {offsets = [1, 0, 0], sizes = [1, 1000, 16], strides = [1, 1, 1]} : vector<2x1000x16xf32> to vector<1x1000x16xf32>
    %squeeze3A_4 = vector.shape_cast %slice3A_3 : vector<1x1000x16xf32> to vector<1000x16xf32>
    %add3A = arith.addf %squeeze3A, %squeeze3A_4 : vector<1000x16xf32>
    %add3A_5 = arith.constant 1.000000e+00 : f32
    %add3A_6 = vector.broadcast %add3A_5 : f32 to vector<1000x16xf32>
    %add3A_7 = arith.addf %add3A, %add3A_6 : vector<1000x16xf32>
    %sqrt3A = math.sqrt %add3A_7 : vector<1000x16xf32>
    %div3A = arith.constant 1.000000e+00 : f32
    %div3A_8 = vector.broadcast %div3A : f32 to vector<1000x16xf32>
    %div3A_9 = arith.divf %div3A_8, %sqrt3A : vector<1000x16xf32>
    %swap3A = arith.constant 0 : index
    %swap3A_10 = arith.constant 0 : index
    %swap3A_11 = vector.load %arg6[%swap3A, %swap3A_10] : memref<1000x16xf32, #tpu.memory_space<vmem>>, vector<1000x16xf32>
    tpu.vector_store %arg6[%swap3A, %swap3A_10], %div3A_9 {strides = array<i32>} : memref<1000x16xf32, #tpu.memory_space<vmem>>, vector<1000x16xf32>,
    %slice3A_12 = vector.extract_strided_slice %div3A_9 {offsets = [0, 0], sizes = [1000, 1], strides = [1, 1]} : vector<1000x16xf32> to vector<1000x1xf32>
    %get3A_13 = arith.constant 0 : index
    %get3A_14 = arith.constant 0 : index
    %get3A_15 = vector.load %arg2[%get3A_13, %get3A_14] : memref<1000x128xf32, #tpu.memory_space<vmem>>, vector<1000x128xf32>
    %mul3A = vector.broadcast %slice3A_12 : vector<1000x1xf32> to vector<1000x128xf32>
    %mul3A_16 = arith.mulf %get3A_15, %mul3A : vector<1000x128xf32>
    %swap3A_17 = arith.constant 0 : index
    %swap3A_18 = arith.constant 0 : index
    %swap3A_19 = vector.load %arg4[%swap3A_17, %swap3A_18] : memref<1000x128xf32, #tpu.memory_space<vmem>>, vector<1000x128xf32>
    tpu.vector_store %arg4[%swap3A_17, %swap3A_18], %mul3A_16 {strides = array<i32>} : memref<1000x128xf32, #tpu.memory_space<vmem>>, vector<1000x128xf32>,
    %get3A_20 = arith.constant 0 : index
    %get3A_21 = arith.constant 0 : index
    %get3A_22 = vector.load %arg3[%get3A_20, %get3A_21] : memref<1000x128xf32, #tpu.memory_space<vmem>>, vector<1000x128xf32>
    %mul3A_23 = vector.broadcast %slice3A_12 : vector<1000x1xf32> to vector<1000x128xf32>
    %mul3A_24 = arith.mulf %get3A_22, %mul3A_23 : vector<1000x128xf32>
    %swap3A_25 = arith.constant 0 : index
    %swap3A_26 = arith.constant 0 : index
    %swap3A_27 = vector.load %arg5[%swap3A_25, %swap3A_26] : memref<1000x128xf32, #tpu.memory_space<vmem>>, vector<1000x128xf32>
    tpu.vector_store %arg5[%swap3A_25, %swap3A_26], %mul3A_24 {strides = array<i32>} : memref<1000x128xf32, #tpu.memory_space<vmem>>, vector<1000x128xf32>,
    return
  }
  func.func @transform_0(%arg0: i32) -> (i32, i32, i32) {
    %c0_i32 = arith.constant 0 : i32
    %c0_i32_0 = arith.constant 0 : i32
    %c0_i32_1 = arith.constant 0 : i32
    return %c0_i32, %arg0, %c0_i32_0 : i32, i32, i32
  }
  func.func @transform_1(%arg0: i32) -> (i32, i32) {
    %c0_i32 = arith.constant 0 : i32
    %c0_i32_0 = arith.constant 0 : i32
    return %arg0, %c0_i32 : i32, i32
  }
  func.func @transform_2(%arg0: i32) -> (i32, i32) {
    %c0_i32 = arith.constant 0 : i32
    %c0_i32_0 = arith.constant 0 : i32
    return %arg0, %c0_i32 : i32, i32
  }
  func.func @transform_3(%arg0: i32) -> (i32, i32) {
    %c0_i32 = arith.constant 0 : i32
    %c0_i32_0 = arith.constant 0 : i32
    return %arg0, %c0_i32 : i32, i32
  }
  func.func @transform_4(%arg0: i32) -> (i32, i32) {
    %c0_i32 = arith.constant 0 : i32
    %c0_i32_0 = arith.constant 0 : i32
    return %arg0, %c0_i32 : i32, i32
  }
  func.func @transform_5(%arg0: i32) -> (i32, i32) {
    %c0_i32 = arith.constant 0 : i32
    %c0_i32_0 = arith.constant 0 : i32
    return %arg0, %c0_i32 : i32, i32
  }
}

module attributes {stable_mosaic.version = 14 : i64} {
  func.func @body(%arg0: i32, %arg1: memref<2x1000x128xf32, #tpu.memory_space<vmem>>, %arg2: memref<2x1000x128xf32, #tpu.memory_space<vmem>>, %arg3: memref<1000x128xf32, #tpu.memory_space<vmem>>, %arg4: memref<1000x128xf32, #tpu.memory_space<vmem>>, %arg5: memref<1000x16xf32, #tpu.memory_space<vmem>>, %arg6: memref<128x64xf32, #tpu.memory_space<vmem>>, %arg7: memref<128x64xf32, #tpu.memory_space<vmem>>, %arg8: memref<1x128xf32, #tpu.memory_space<vmem>>, %arg9: memref<1x128xf32, #tpu.memory_space<vmem>>, %arg10: memref<1000x128xf32, #tpu.memory_space<vmem>>) attributes {dimension_semantics = [#tpu.dimension_semantics<arbitrary>], iteration_bounds = array<i64: 10>, scalar_prefetch = 0 : i64, scratch_operands = 0 : i64, tpu.core_type = #tpu.core_type<tc>, window_params = [{transform_indices = @transform_0, window_bounds = array<i64: 2, 1000, 128>}, {transform_indices = @transform_1, window_bounds = array<i64: 2, 1000, 128>}, {transform_indices = @transform_2, window_bounds = array<i64: 1000, 128>}, {transform_indices = @transform_3, window_bounds = array<i64: 1000, 128>}, {transform_indices = @transform_4, window_bounds = array<i64: 1000, 16>}, {pipeline_mode = #tpu.pipeline_mode<synchronous>, transform_indices = @transform_5, window_bounds = array<i64: 128, 64>}, {pipeline_mode = #tpu.pipeline_mode<synchronous>, transform_indices = @transform_6, window_bounds = array<i64: 128, 64>}, {pipeline_mode = #tpu.pipeline_mode<synchronous>, transform_indices = @transform_7, window_bounds = array<i64: 1, 128>}, {pipeline_mode = #tpu.pipeline_mode<synchronous>, transform_indices = @transform_8, window_bounds = array<i64: 1, 128>}, {transform_indices = @transform_9, window_bounds = array<i64: 1000, 128>}]} {
    %get3A = arith.constant 0 : index
    %get3A_0 = arith.constant 0 : index
    %get3A_1 = vector.load %arg5[%get3A, %get3A_0] : memref<1000x16xf32, #tpu.memory_space<vmem>>, vector<1000x1xf32>
    %get3A_2 = arith.constant 0 : index
    %get3A_3 = arith.constant 0 : index
    %get3A_4 = arith.constant 0 : index
    %get3A_5 = vector.load %arg1[%get3A_2, %get3A_3, %get3A_4] : memref<2x1000x128xf32, #tpu.memory_space<vmem>>, vector<2x1000x128xf32>
    %get3A_6 = arith.constant 0 : index
    %get3A_7 = arith.constant 0 : index
    %get3A_8 = arith.constant 0 : index
    %get3A_9 = vector.load %arg2[%get3A_6, %get3A_7, %get3A_8] : memref<2x1000x128xf32, #tpu.memory_space<vmem>>, vector<2x1000x128xf32>
    %slice3A = vector.extract_strided_slice %get3A_5 {offsets = [0, 0, 0], sizes = [1, 1000, 128], strides = [1, 1, 1]} : vector<2x1000x128xf32> to vector<1x1000x128xf32>
    %squeeze3A = vector.shape_cast %slice3A : vector<1x1000x128xf32> to vector<1000x128xf32>
    %slice3A_10 = vector.extract_strided_slice %get3A_5 {offsets = [1, 0, 0], sizes = [1, 1000, 128], strides = [1, 1, 1]} : vector<2x1000x128xf32> to vector<1x1000x128xf32>
    %squeeze3A_11 = vector.shape_cast %slice3A_10 : vector<1x1000x128xf32> to vector<1000x128xf32>
    %add3A = arith.addf %squeeze3A, %squeeze3A_11 : vector<1000x128xf32>
    %get3A_12 = arith.constant 0 : index
    %get3A_13 = arith.constant 0 : index
    %get3A_14 = vector.load %arg3[%get3A_12, %get3A_13] : memref<1000x128xf32, #tpu.memory_space<vmem>>, vector<1000x128xf32>
    %add3A_15 = arith.addf %add3A, %get3A_14 : vector<1000x128xf32>
    %mul3A = vector.broadcast %get3A_1 : vector<1000x1xf32> to vector<1000x128xf32>
    %mul3A_16 = arith.mulf %mul3A, %add3A_15 : vector<1000x128xf32>
    %get3A_17 = arith.constant 0 : index
    %get3A_18 = arith.constant 0 : index
    %get3A_19 = vector.load %arg8[%get3A_17, %get3A_18] : memref<1x128xf32, #tpu.memory_space<vmem>>, vector<1x128xf32>
    %add3A_20 = vector.broadcast %get3A_19 : vector<1x128xf32> to vector<1000x128xf32>
    %add3A_21 = arith.addf %mul3A_16, %add3A_20 : vector<1000x128xf32>
    %max3A = arith.constant 0.000000e+00 : f32
    %max3A_22 = vector.broadcast %max3A : f32 to vector<1000x128xf32>
    %max3A_23 = arith.maximumf %add3A_21, %max3A_22 : vector<1000x128xf32>
    %slice3A_24 = vector.extract_strided_slice %get3A_9 {offsets = [0, 0, 0], sizes = [1, 1000, 128], strides = [1, 1, 1]} : vector<2x1000x128xf32> to vector<1x1000x128xf32>
    %squeeze3A_25 = vector.shape_cast %slice3A_24 : vector<1x1000x128xf32> to vector<1000x128xf32>
    %slice3A_26 = vector.extract_strided_slice %get3A_9 {offsets = [1, 0, 0], sizes = [1, 1000, 128], strides = [1, 1, 1]} : vector<2x1000x128xf32> to vector<1x1000x128xf32>
    %squeeze3A_27 = vector.shape_cast %slice3A_26 : vector<1x1000x128xf32> to vector<1000x128xf32>
    %add3A_28 = arith.addf %squeeze3A_25, %squeeze3A_27 : vector<1000x128xf32>
    %get3A_29 = arith.constant 0 : index
    %get3A_30 = arith.constant 0 : index
    %get3A_31 = vector.load %arg4[%get3A_29, %get3A_30] : memref<1000x128xf32, #tpu.memory_space<vmem>>, vector<1000x128xf32>
    %add3A_32 = arith.addf %add3A_28, %get3A_31 : vector<1000x128xf32>
    %mul3A_33 = vector.broadcast %get3A_1 : vector<1000x1xf32> to vector<1000x128xf32>
    %mul3A_34 = arith.mulf %mul3A_33, %add3A_32 : vector<1000x128xf32>
    %get3A_35 = arith.constant 0 : index
    %get3A_36 = arith.constant 0 : index
    %get3A_37 = vector.load %arg9[%get3A_35, %get3A_36] : memref<1x128xf32, #tpu.memory_space<vmem>>, vector<1x128xf32>
    %add3A_38 = vector.broadcast %get3A_37 : vector<1x128xf32> to vector<1000x128xf32>
    %add3A_39 = arith.addf %mul3A_34, %add3A_38 : vector<1000x128xf32>
    %max3A_40 = arith.constant 0.000000e+00 : f32
    %max3A_41 = vector.broadcast %max3A_40 : f32 to vector<1000x128xf32>
    %max3A_42 = arith.maximumf %add3A_39, %max3A_41 : vector<1000x128xf32>
    %get3A_43 = arith.constant 0 : index
    %get3A_44 = arith.constant 0 : index
    %get3A_45 = vector.load %arg6[%get3A_43, %get3A_44] : memref<128x64xf32, #tpu.memory_space<vmem>>, vector<128x64xf32>
    %dot_general3A = arith.constant dense<0.000000e+00> : vector<1000x64xf32>
    %dot_general3A_46 = tpu.matmul %max3A_23, %get3A_45, %dot_general3A {dimension_numbers = #tpu.dot_dimension_numbers<[1], [0], [0], [1], [0, 0, 1, 1], [], []>, transpose_lhs_hint = false} : vector<1000x128xf32>, vector<128x64xf32>, vector<1000x64xf32> -> vector<1000x64xf32>
    %get3A_47 = arith.constant 0 : index
    %get3A_48 = arith.constant 0 : index
    %get3A_49 = vector.load %arg7[%get3A_47, %get3A_48] : memref<128x64xf32, #tpu.memory_space<vmem>>, vector<128x64xf32>
    %dot_general3A_50 = arith.constant dense<0.000000e+00> : vector<1000x64xf32>
    %dot_general3A_51 = tpu.matmul %max3A_42, %get3A_49, %dot_general3A_50 {dimension_numbers = #tpu.dot_dimension_numbers<[1], [0], [0], [1], [0, 0, 1, 1], [], []>, transpose_lhs_hint = false} : vector<1000x128xf32>, vector<128x64xf32>, vector<1000x64xf32> -> vector<1000x64xf32>
    %mul3A_52 = vector.broadcast %get3A_1 : vector<1000x1xf32> to vector<1000x64xf32>
    %mul3A_53 = arith.mulf %dot_general3A_46, %mul3A_52 : vector<1000x64xf32>
    %mul3A_54 = vector.broadcast %get3A_1 : vector<1000x1xf32> to vector<1000x64xf32>
    %mul3A_55 = arith.mulf %dot_general3A_51, %mul3A_54 : vector<1000x64xf32>
    %concatenate3A = tpu.concatenate %mul3A_53, %mul3A_55 in 1 : vector<1000x64xf32>, vector<1000x64xf32> -> vector<1000x128xf32>
    %swap3A = arith.constant 0 : index
    %swap3A_56 = arith.constant 0 : index
    %swap3A_57 = vector.load %arg10[%swap3A, %swap3A_56] : memref<1000x128xf32, #tpu.memory_space<vmem>>, vector<1000x128xf32>
    tpu.vector_store %arg10[%swap3A, %swap3A_56], %concatenate3A {strides = array<i32>} : memref<1000x128xf32, #tpu.memory_space<vmem>>, vector<1000x128xf32>,
    return
  }
  func.func @transform_0(%arg0: i32) -> (i32, i32, i32) {
    %c0_i32 = arith.constant 0 : i32
    %c0_i32_0 = arith.constant 0 : i32
    %c0_i32_1 = arith.constant 0 : i32
    return %c0_i32, %arg0, %c0_i32_0 : i32, i32, i32
  }
  func.func @transform_1(%arg0: i32) -> (i32, i32, i32) {
    %c0_i32 = arith.constant 0 : i32
    %c0_i32_0 = arith.constant 0 : i32
    %c0_i32_1 = arith.constant 0 : i32
    return %c0_i32, %arg0, %c0_i32_0 : i32, i32, i32
  }
  func.func @transform_2(%arg0: i32) -> (i32, i32) {
    %c0_i32 = arith.constant 0 : i32
    %c0_i32_0 = arith.constant 0 : i32
    return %arg0, %c0_i32 : i32, i32
  }
  func.func @transform_3(%arg0: i32) -> (i32, i32) {
    %c0_i32 = arith.constant 0 : i32
    %c0_i32_0 = arith.constant 0 : i32
    return %arg0, %c0_i32 : i32, i32
  }
  func.func @transform_4(%arg0: i32) -> (i32, i32) {
    %c0_i32 = arith.constant 0 : i32
    %c0_i32_0 = arith.constant 0 : i32
    return %arg0, %c0_i32 : i32, i32
  }
  func.func @transform_5(%arg0: i32) -> (i32, i32) {
    %c0_i32 = arith.constant 0 : i32
    %c0_i32_0 = arith.constant 0 : i32
    %c0_i32_1 = arith.constant 0 : i32
    return %c0_i32, %c0_i32_0 : i32, i32
  }
  func.func @transform_6(%arg0: i32) -> (i32, i32) {
    %c0_i32 = arith.constant 0 : i32
    %c0_i32_0 = arith.constant 0 : i32
    %c0_i32_1 = arith.constant 0 : i32
    return %c0_i32, %c0_i32_0 : i32, i32
  }
  func.func @transform_7(%arg0: i32) -> (i32, i32) {
    %c0_i32 = arith.constant 0 : i32
    %c0_i32_0 = arith.constant 0 : i32
    %c0_i32_1 = arith.constant 0 : i32
    return %c0_i32, %c0_i32_0 : i32, i32
  }
  func.func @transform_8(%arg0: i32) -> (i32, i32) {
    %c0_i32 = arith.constant 0 : i32
    %c0_i32_0 = arith.constant 0 : i32
    %c0_i32_1 = arith.constant 0 : i32
    return %c0_i32, %c0_i32_0 : i32, i32
  }
  func.func @transform_9(%arg0: i32) -> (i32, i32) {
    %c0_i32 = arith.constant 0 : i32
    %c0_i32_0 = arith.constant 0 : i32
    return %arg0, %c0_i32 : i32, i32
  }
}

module attributes {stable_mosaic.version = 14 : i64} {
  func.func @body(%arg0: i32, %arg1: memref<2x1000x128xf32, #tpu.memory_space<vmem>>, %arg2: memref<1000x128xf32, #tpu.memory_space<vmem>>, %arg3: memref<1000x16xf32, #tpu.memory_space<vmem>>, %arg4: memref<1x128xf32, #tpu.memory_space<vmem>>, %arg5: memref<128x128xf32, #tpu.memory_space<vmem>>, %arg6: memref<1x128xf32, #tpu.memory_space<vmem>>, %arg7: memref<128x32xf32, #tpu.memory_space<vmem>>, %arg8: memref<1x32xf32, #tpu.memory_space<vmem>>, %arg9: memref<128x32xf32, #tpu.memory_space<vmem>>, %arg10: memref<1x32xf32, #tpu.memory_space<vmem>>, %arg11: memref<1000x32xf32, #tpu.memory_space<vmem>>, %arg12: memref<1000x32xf32, #tpu.memory_space<vmem>>, %arg13: memref<1000x32xf32, #tpu.memory_space<vmem>>, %arg14: memref<1000x32xf32, #tpu.memory_space<vmem>>) attributes {dimension_semantics = [#tpu.dimension_semantics<arbitrary>], iteration_bounds = array<i64: 10>, scalar_prefetch = 0 : i64, scratch_operands = 0 : i64, tpu.core_type = #tpu.core_type<tc>, window_params = [{transform_indices = @transform_0, window_bounds = array<i64: 2, 1000, 128>}, {transform_indices = @transform_1, window_bounds = array<i64: 1000, 128>}, {transform_indices = @transform_2, window_bounds = array<i64: 1000, 16>}, {pipeline_mode = #tpu.pipeline_mode<synchronous>, transform_indices = @transform_3, window_bounds = array<i64: 1, 128>}, {pipeline_mode = #tpu.pipeline_mode<synchronous>, transform_indices = @transform_4, window_bounds = array<i64: 128, 128>}, {pipeline_mode = #tpu.pipeline_mode<synchronous>, transform_indices = @transform_5, window_bounds = array<i64: 1, 128>}, {pipeline_mode = #tpu.pipeline_mode<synchronous>, transform_indices = @transform_6, window_bounds = array<i64: 128, 32>}, {pipeline_mode = #tpu.pipeline_mode<synchronous>, transform_indices = @transform_7, window_bounds = array<i64: 1, 32>}, {pipeline_mode = #tpu.pipeline_mode<synchronous>, transform_indices = @transform_8, window_bounds = array<i64: 128, 32>}, {pipeline_mode = #tpu.pipeline_mode<synchronous>, transform_indices = @transform_9, window_bounds = array<i64: 1, 32>}, {transform_indices = @transform_10, window_bounds = array<i64: 1000, 32>}, {transform_indices = @transform_11, window_bounds = array<i64: 1000, 32>}, {transform_indices = @transform_12, window_bounds = array<i64: 1000, 32>}, {transform_indices = @transform_13, window_bounds = array<i64: 1000, 32>}]} {
    %get3A = arith.constant 0 : index
    %get3A_0 = arith.constant 0 : index
    %get3A_1 = vector.load %arg3[%get3A, %get3A_0] : memref<1000x16xf32, #tpu.memory_space<vmem>>, vector<1000x1xf32>
    %get3A_2 = arith.constant 0 : index
    %get3A_3 = arith.constant 0 : index
    %get3A_4 = arith.constant 0 : index
    %get3A_5 = vector.load %arg1[%get3A_2, %get3A_3, %get3A_4] : memref<2x1000x128xf32, #tpu.memory_space<vmem>>, vector<2x1000x128xf32>
    %slice3A = vector.extract_strided_slice %get3A_5 {offsets = [0, 0, 0], sizes = [1, 1000, 128], strides = [1, 1, 1]} : vector<2x1000x128xf32> to vector<1x1000x128xf32>
    %squeeze3A = vector.shape_cast %slice3A : vector<1x1000x128xf32> to vector<1000x128xf32>
    %slice3A_6 = vector.extract_strided_slice %get3A_5 {offsets = [1, 0, 0], sizes = [1, 1000, 128], strides = [1, 1, 1]} : vector<2x1000x128xf32> to vector<1x1000x128xf32>
    %squeeze3A_7 = vector.shape_cast %slice3A_6 : vector<1x1000x128xf32> to vector<1000x128xf32>
    %add3A = arith.addf %squeeze3A, %squeeze3A_7 : vector<1000x128xf32>
    %get3A_8 = arith.constant 0 : index
    %get3A_9 = arith.constant 0 : index
    %get3A_10 = vector.load %arg2[%get3A_8, %get3A_9] : memref<1000x128xf32, #tpu.memory_space<vmem>>, vector<1000x128xf32>
    %add3A_11 = arith.addf %add3A, %get3A_10 : vector<1000x128xf32>
    %mul3A = vector.broadcast %get3A_1 : vector<1000x1xf32> to vector<1000x128xf32>
    %mul3A_12 = arith.mulf %mul3A, %add3A_11 : vector<1000x128xf32>
    %get3A_13 = arith.constant 0 : index
    %get3A_14 = arith.constant 0 : index
    %get3A_15 = vector.load %arg4[%get3A_13, %get3A_14] : memref<1x128xf32, #tpu.memory_space<vmem>>, vector<1x128xf32>
    %add3A_16 = vector.broadcast %get3A_15 : vector<1x128xf32> to vector<1000x128xf32>
    %add3A_17 = arith.addf %mul3A_12, %add3A_16 : vector<1000x128xf32>
    %max3A = arith.constant 0.000000e+00 : f32
    %max3A_18 = vector.broadcast %max3A : f32 to vector<1000x128xf32>
    %max3A_19 = arith.maximumf %add3A_17, %max3A_18 : vector<1000x128xf32>
    %get3A_20 = arith.constant 0 : index
    %get3A_21 = arith.constant 0 : index
    %get3A_22 = vector.load %arg5[%get3A_20, %get3A_21] : memref<128x128xf32, #tpu.memory_space<vmem>>, vector<128x128xf32>
    %dot_general3A = arith.constant dense<0.000000e+00> : vector<1000x128xf32>
    %dot_general3A_23 = tpu.matmul %max3A_19, %get3A_22, %dot_general3A {dimension_numbers = #tpu.dot_dimension_numbers<[1], [0], [0], [1], [0, 0, 1, 1], [], []>, transpose_lhs_hint = false} : vector<1000x128xf32>, vector<128x128xf32>, vector<1000x128xf32> -> vector<1000x128xf32>
    %get3A_24 = arith.constant 0 : index
    %get3A_25 = arith.constant 0 : index
    %get3A_26 = vector.load %arg6[%get3A_24, %get3A_25] : memref<1x128xf32, #tpu.memory_space<vmem>>, vector<1x128xf32>
    %add3A_27 = vector.broadcast %get3A_26 : vector<1x128xf32> to vector<1000x128xf32>
    %add3A_28 = arith.addf %dot_general3A_23, %add3A_27 : vector<1000x128xf32>
    %max3A_29 = arith.constant 0.000000e+00 : f32
    %max3A_30 = vector.broadcast %max3A_29 : f32 to vector<1000x128xf32>
    %max3A_31 = arith.maximumf %add3A_28, %max3A_30 : vector<1000x128xf32>
    %get3A_32 = arith.constant 0 : index
    %get3A_33 = arith.constant 0 : index
    %get3A_34 = vector.load %arg7[%get3A_32, %get3A_33] : memref<128x32xf32, #tpu.memory_space<vmem>>, vector<128x32xf32>
    %dot_general3A_35 = arith.constant dense<0.000000e+00> : vector<1000x32xf32>
    %dot_general3A_36 = tpu.matmul %max3A_31, %get3A_34, %dot_general3A_35 {dimension_numbers = #tpu.dot_dimension_numbers<[1], [0], [0], [1], [0, 0, 1, 1], [], []>, transpose_lhs_hint = false} : vector<1000x128xf32>, vector<128x32xf32>, vector<1000x32xf32> -> vector<1000x32xf32>
    %get3A_37 = arith.constant 0 : index
    %get3A_38 = arith.constant 0 : index
    %get3A_39 = vector.load %arg8[%get3A_37, %get3A_38] : memref<1x32xf32, #tpu.memory_space<vmem>>, vector<1x32xf32>
    %add3A_40 = vector.broadcast %get3A_39 : vector<1x32xf32> to vector<1000x32xf32>
    %add3A_41 = arith.addf %dot_general3A_36, %add3A_40 : vector<1000x32xf32>
    %get3A_42 = arith.constant 0 : index
    %get3A_43 = arith.constant 0 : index
    %get3A_44 = vector.load %arg9[%get3A_42, %get3A_43] : memref<128x32xf32, #tpu.memory_space<vmem>>, vector<128x32xf32>
    %dot_general3A_45 = arith.constant dense<0.000000e+00> : vector<1000x32xf32>
    %dot_general3A_46 = tpu.matmul %max3A_31, %get3A_44, %dot_general3A_45 {dimension_numbers = #tpu.dot_dimension_numbers<[1], [0], [0], [1], [0, 0, 1, 1], [], []>, transpose_lhs_hint = false} : vector<1000x128xf32>, vector<128x32xf32>, vector<1000x32xf32> -> vector<1000x32xf32>
    %get3A_47 = arith.constant 0 : index
    %get3A_48 = arith.constant 0 : index
    %get3A_49 = vector.load %arg10[%get3A_47, %get3A_48] : memref<1x32xf32, #tpu.memory_space<vmem>>, vector<1x32xf32>
    %add3A_50 = vector.broadcast %get3A_49 : vector<1x32xf32> to vector<1000x32xf32>
    %add3A_51 = arith.addf %dot_general3A_46, %add3A_50 : vector<1000x32xf32>
    %swap3A = arith.constant 0 : index
    %swap3A_52 = arith.constant 0 : index
    %swap3A_53 = vector.load %arg13[%swap3A, %swap3A_52] : memref<1000x32xf32, #tpu.memory_space<vmem>>, vector<1000x32xf32>
    tpu.vector_store %arg13[%swap3A, %swap3A_52], %add3A_41 {strides = array<i32>} : memref<1000x32xf32, #tpu.memory_space<vmem>>, vector<1000x32xf32>,
    %swap3A_54 = arith.constant 0 : index
    %swap3A_55 = arith.constant 0 : index
    %swap3A_56 = vector.load %arg14[%swap3A_54, %swap3A_55] : memref<1000x32xf32, #tpu.memory_space<vmem>>, vector<1000x32xf32>
    tpu.vector_store %arg14[%swap3A_54, %swap3A_55], %add3A_51 {strides = array<i32>} : memref<1000x32xf32, #tpu.memory_space<vmem>>, vector<1000x32xf32>,
    %get3A_57 = arith.constant 0 : index
    %get3A_58 = arith.constant 0 : index
    %get3A_59 = vector.load %arg11[%get3A_57, %get3A_58] : memref<1000x32xf32, #tpu.memory_space<vmem>>, vector<1000x32xf32>
    %mul3A_60 = arith.constant 5.000000e-01 : f32
    %mul3A_61 = vector.broadcast %mul3A_60 : f32 to vector<1000x32xf32>
    %mul3A_62 = arith.mulf %mul3A_61, %add3A_51 : vector<1000x32xf32>
    %exp3A = math.exp %mul3A_62 : vector<1000x32xf32>
    %mul3A_63 = arith.mulf %get3A_59, %exp3A : vector<1000x32xf32>
    %add3A_64 = arith.addf %add3A_41, %mul3A_63 : vector<1000x32xf32>
    %swap3A_65 = arith.constant 0 : index
    %swap3A_66 = arith.constant 0 : index
    %swap3A_67 = vector.load %arg12[%swap3A_65, %swap3A_66] : memref<1000x32xf32, #tpu.memory_space<vmem>>, vector<1000x32xf32>
    tpu.vector_store %arg12[%swap3A_65, %swap3A_66], %add3A_64 {strides = array<i32>} : memref<1000x32xf32, #tpu.memory_space<vmem>>, vector<1000x32xf32>,
    return
  }
  func.func @transform_0(%arg0: i32) -> (i32, i32, i32) {
    %c0_i32 = arith.constant 0 : i32
    %c0_i32_0 = arith.constant 0 : i32
    %c0_i32_1 = arith.constant 0 : i32
    return %c0_i32, %arg0, %c0_i32_0 : i32, i32, i32
  }
  func.func @transform_1(%arg0: i32) -> (i32, i32) {
    %c0_i32 = arith.constant 0 : i32
    %c0_i32_0 = arith.constant 0 : i32
    return %arg0, %c0_i32 : i32, i32
  }
  func.func @transform_2(%arg0: i32) -> (i32, i32) {
    %c0_i32 = arith.constant 0 : i32
    %c0_i32_0 = arith.constant 0 : i32
    return %arg0, %c0_i32 : i32, i32
  }
  func.func @transform_3(%arg0: i32) -> (i32, i32) {
    %c0_i32 = arith.constant 0 : i32
    %c0_i32_0 = arith.constant 0 : i32
    %c0_i32_1 = arith.constant 0 : i32
    return %c0_i32, %c0_i32_0 : i32, i32
  }
  func.func @transform_4(%arg0: i32) -> (i32, i32) {
    %c0_i32 = arith.constant 0 : i32
    %c0_i32_0 = arith.constant 0 : i32
    %c0_i32_1 = arith.constant 0 : i32
    return %c0_i32, %c0_i32_0 : i32, i32
  }
  func.func @transform_5(%arg0: i32) -> (i32, i32) {
    %c0_i32 = arith.constant 0 : i32
    %c0_i32_0 = arith.constant 0 : i32
    %c0_i32_1 = arith.constant 0 : i32
    return %c0_i32, %c0_i32_0 : i32, i32
  }
  func.func @transform_6(%arg0: i32) -> (i32, i32) {
    %c0_i32 = arith.constant 0 : i32
    %c0_i32_0 = arith.constant 0 : i32
    %c0_i32_1 = arith.constant 0 : i32
    return %c0_i32, %c0_i32_0 : i32, i32
  }
  func.func @transform_7(%arg0: i32) -> (i32, i32) {
    %c0_i32 = arith.constant 0 : i32
    %c0_i32_0 = arith.constant 0 : i32
    %c0_i32_1 = arith.constant 0 : i32
    return %c0_i32, %c0_i32_0 : i32, i32
  }
  func.func @transform_8(%arg0: i32) -> (i32, i32) {
    %c0_i32 = arith.constant 0 : i32
    %c0_i32_0 = arith.constant 0 : i32
    %c0_i32_1 = arith.constant 0 : i32
    return %c0_i32, %c0_i32_0 : i32, i32
  }
  func.func @transform_9(%arg0: i32) -> (i32, i32) {
    %c0_i32 = arith.constant 0 : i32
    %c0_i32_0 = arith.constant 0 : i32
    %c0_i32_1 = arith.constant 0 : i32
    return %c0_i32, %c0_i32_0 : i32, i32
  }
  func.func @transform_10(%arg0: i32) -> (i32, i32) {
    %c0_i32 = arith.constant 0 : i32
    %c0_i32_0 = arith.constant 0 : i32
    return %arg0, %c0_i32 : i32, i32
  }
  func.func @transform_11(%arg0: i32) -> (i32, i32) {
    %c0_i32 = arith.constant 0 : i32
    %c0_i32_0 = arith.constant 0 : i32
    return %arg0, %c0_i32 : i32, i32
  }
  func.func @transform_12(%arg0: i32) -> (i32, i32) {
    %c0_i32 = arith.constant 0 : i32
    %c0_i32_0 = arith.constant 0 : i32
    return %arg0, %c0_i32 : i32, i32
  }
  func.func @transform_13(%arg0: i32) -> (i32, i32) {
    %c0_i32 = arith.constant 0 : i32
    %c0_i32_0 = arith.constant 0 : i32
    return %arg0, %c0_i32 : i32, i32
  }
}

module attributes {stable_mosaic.version = 14 : i64} {
  func.func @body(%arg0: i32, %arg1: memref<1000x32xf32, #tpu.memory_space<vmem>>, %arg2: memref<32x128xf32, #tpu.memory_space<vmem>>, %arg3: memref<1x128xf32, #tpu.memory_space<vmem>>, %arg4: memref<128x512xf32, #tpu.memory_space<vmem>>, %arg5: memref<1x512xf32, #tpu.memory_space<vmem>>, %arg6: memref<32x128xf32, #tpu.memory_space<vmem>>, %arg7: memref<1x128xf32, #tpu.memory_space<vmem>>, %arg8: memref<128x512xf32, #tpu.memory_space<vmem>>, %arg9: memref<1x512xf32, #tpu.memory_space<vmem>>, %arg10: memref<32x128xf32, #tpu.memory_space<vmem>>, %arg11: memref<1x128xf32, #tpu.memory_space<vmem>>, %arg12: memref<128x2xf32, #tpu.memory_space<vmem>>, %arg13: memref<1x2xf32, #tpu.memory_space<vmem>>, %arg14: memref<1000x512xf32, #tpu.memory_space<vmem>>, %arg15: memref<1000x512xf32, #tpu.memory_space<vmem>>, %arg16: memref<1000x2xf32, #tpu.memory_space<vmem>>) attributes {dimension_semantics = [#tpu.dimension_semantics<arbitrary>], iteration_bounds = array<i64: 10>, scalar_prefetch = 0 : i64, scratch_operands = 0 : i64, tpu.core_type = #tpu.core_type<tc>, window_params = [{transform_indices = @transform_0, window_bounds = array<i64: 1000, 32>}, {pipeline_mode = #tpu.pipeline_mode<synchronous>, transform_indices = @transform_1, window_bounds = array<i64: 32, 128>}, {pipeline_mode = #tpu.pipeline_mode<synchronous>, transform_indices = @transform_2, window_bounds = array<i64: 1, 128>}, {pipeline_mode = #tpu.pipeline_mode<synchronous>, transform_indices = @transform_3, window_bounds = array<i64: 128, 512>}, {pipeline_mode = #tpu.pipeline_mode<synchronous>, transform_indices = @transform_4, window_bounds = array<i64: 1, 512>}, {pipeline_mode = #tpu.pipeline_mode<synchronous>, transform_indices = @transform_5, window_bounds = array<i64: 32, 128>}, {pipeline_mode = #tpu.pipeline_mode<synchronous>, transform_indices = @transform_6, window_bounds = array<i64: 1, 128>}, {pipeline_mode = #tpu.pipeline_mode<synchronous>, transform_indices = @transform_7, window_bounds = array<i64: 128, 512>}, {pipeline_mode = #tpu.pipeline_mode<synchronous>, transform_indices = @transform_8, window_bounds = array<i64: 1, 512>}, {pipeline_mode = #tpu.pipeline_mode<synchronous>, transform_indices = @transform_9, window_bounds = array<i64: 32, 128>}, {pipeline_mode = #tpu.pipeline_mode<synchronous>, transform_indices = @transform_10, window_bounds = array<i64: 1, 128>}, {pipeline_mode = #tpu.pipeline_mode<synchronous>, transform_indices = @transform_11, window_bounds = array<i64: 128, 2>}, {pipeline_mode = #tpu.pipeline_mode<synchronous>, transform_indices = @transform_12, window_bounds = array<i64: 1, 2>}, {transform_indices = @transform_13, window_bounds = array<i64: 1000, 512>}, {transform_indices = @transform_14, window_bounds = array<i64: 1000, 512>}, {transform_indices = @transform_15, window_bounds = array<i64: 1000, 2>}]} {
    %get3A = arith.constant 0 : index
    %get3A_0 = arith.constant 0 : index
    %get3A_1 = vector.load %arg1[%get3A, %get3A_0] : memref<1000x32xf32, #tpu.memory_space<vmem>>, vector<1000x32xf32>
    %get3A_2 = arith.constant 0 : index
    %get3A_3 = arith.constant 0 : index
    %get3A_4 = vector.load %arg2[%get3A_2, %get3A_3] : memref<32x128xf32, #tpu.memory_space<vmem>>, vector<32x128xf32>
    %dot_general3A = arith.constant dense<0.000000e+00> : vector<1000x128xf32>
    %dot_general3A_5 = tpu.matmul %get3A_1, %get3A_4, %dot_general3A {dimension_numbers = #tpu.dot_dimension_numbers<[1], [0], [0], [1], [0, 0, 1, 1], [], []>, transpose_lhs_hint = false} : vector<1000x32xf32>, vector<32x128xf32>, vector<1000x128xf32> -> vector<1000x128xf32>
    %get3A_6 = arith.constant 0 : index
    %get3A_7 = arith.constant 0 : index
    %get3A_8 = vector.load %arg3[%get3A_6, %get3A_7] : memref<1x128xf32, #tpu.memory_space<vmem>>, vector<1x128xf32>
    %add3A = vector.broadcast %get3A_8 : vector<1x128xf32> to vector<1000x128xf32>
    %add3A_9 = arith.addf %dot_general3A_5, %add3A : vector<1000x128xf32>
    %max3A = arith.constant 0.000000e+00 : f32
    %max3A_10 = vector.broadcast %max3A : f32 to vector<1000x128xf32>
    %max3A_11 = arith.maximumf %add3A_9, %max3A_10 : vector<1000x128xf32>
    %get3A_12 = arith.constant 0 : index
    %get3A_13 = arith.constant 0 : index
    %get3A_14 = vector.load %arg4[%get3A_12, %get3A_13] : memref<128x512xf32, #tpu.memory_space<vmem>>, vector<128x512xf32>
    %dot_general3A_15 = arith.constant dense<0.000000e+00> : vector<1000x512xf32>
    %dot_general3A_16 = tpu.matmul %max3A_11, %get3A_14, %dot_general3A_15 {dimension_numbers = #tpu.dot_dimension_numbers<[1], [0], [0], [1], [0, 0, 1, 1], [], []>, transpose_lhs_hint = false} : vector<1000x128xf32>, vector<128x512xf32>, vector<1000x512xf32> -> vector<1000x512xf32>
    %get3A_17 = arith.constant 0 : index
    %get3A_18 = arith.constant 0 : index
    %get3A_19 = vector.load %arg5[%get3A_17, %get3A_18] : memref<1x512xf32, #tpu.memory_space<vmem>>, vector<1x512xf32>
    %add3A_20 = vector.broadcast %get3A_19 : vector<1x512xf32> to vector<1000x512xf32>
    %add3A_21 = arith.addf %dot_general3A_16, %add3A_20 : vector<1000x512xf32>
    %swap3A = arith.constant 0 : index
    %swap3A_22 = arith.constant 0 : index
    %swap3A_23 = vector.load %arg14[%swap3A, %swap3A_22] : memref<1000x512xf32, #tpu.memory_space<vmem>>, vector<1000x512xf32>
    tpu.vector_store %arg14[%swap3A, %swap3A_22], %add3A_21 {strides = array<i32>} : memref<1000x512xf32, #tpu.memory_space<vmem>>, vector<1000x512xf32>,
    %get3A_24 = arith.constant 0 : index
    %get3A_25 = arith.constant 0 : index
    %get3A_26 = vector.load %arg6[%get3A_24, %get3A_25] : memref<32x128xf32, #tpu.memory_space<vmem>>, vector<32x128xf32>
    %dot_general3A_27 = arith.constant dense<0.000000e+00> : vector<1000x128xf32>
    %dot_general3A_28 = tpu.matmul %get3A_1, %get3A_26, %dot_general3A_27 {dimension_numbers = #tpu.dot_dimension_numbers<[1], [0], [0], [1], [0, 0, 1, 1], [], []>, transpose_lhs_hint = false} : vector<1000x32xf32>, vector<32x128xf32>, vector<1000x128xf32> -> vector<1000x128xf32>
    %get3A_29 = arith.constant 0 : index
    %get3A_30 = arith.constant 0 : index
    %get3A_31 = vector.load %arg7[%get3A_29, %get3A_30] : memref<1x128xf32, #tpu.memory_space<vmem>>, vector<1x128xf32>
    %add3A_32 = vector.broadcast %get3A_31 : vector<1x128xf32> to vector<1000x128xf32>
    %add3A_33 = arith.addf %dot_general3A_28, %add3A_32 : vector<1000x128xf32>
    %max3A_34 = arith.constant 0.000000e+00 : f32
    %max3A_35 = vector.broadcast %max3A_34 : f32 to vector<1000x128xf32>
    %max3A_36 = arith.maximumf %add3A_33, %max3A_35 : vector<1000x128xf32>
    %get3A_37 = arith.constant 0 : index
    %get3A_38 = arith.constant 0 : index
    %get3A_39 = vector.load %arg8[%get3A_37, %get3A_38] : memref<128x512xf32, #tpu.memory_space<vmem>>, vector<128x512xf32>
    %dot_general3A_40 = arith.constant dense<0.000000e+00> : vector<1000x512xf32>
    %dot_general3A_41 = tpu.matmul %max3A_36, %get3A_39, %dot_general3A_40 {dimension_numbers = #tpu.dot_dimension_numbers<[1], [0], [0], [1], [0, 0, 1, 1], [], []>, transpose_lhs_hint = false} : vector<1000x128xf32>, vector<128x512xf32>, vector<1000x512xf32> -> vector<1000x512xf32>
    %get3A_42 = arith.constant 0 : index
    %get3A_43 = arith.constant 0 : index
    %get3A_44 = vector.load %arg9[%get3A_42, %get3A_43] : memref<1x512xf32, #tpu.memory_space<vmem>>, vector<1x512xf32>
    %add3A_45 = vector.broadcast %get3A_44 : vector<1x512xf32> to vector<1000x512xf32>
    %add3A_46 = arith.addf %dot_general3A_41, %add3A_45 : vector<1000x512xf32>
    %swap3A_47 = arith.constant 0 : index
    %swap3A_48 = arith.constant 0 : index
    %swap3A_49 = vector.load %arg15[%swap3A_47, %swap3A_48] : memref<1000x512xf32, #tpu.memory_space<vmem>>, vector<1000x512xf32>
    tpu.vector_store %arg15[%swap3A_47, %swap3A_48], %add3A_46 {strides = array<i32>} : memref<1000x512xf32, #tpu.memory_space<vmem>>, vector<1000x512xf32>,
    %get3A_50 = arith.constant 0 : index
    %get3A_51 = arith.constant 0 : index
    %get3A_52 = vector.load %arg10[%get3A_50, %get3A_51] : memref<32x128xf32, #tpu.memory_space<vmem>>, vector<32x128xf32>
    %dot_general3A_53 = arith.constant dense<0.000000e+00> : vector<1000x128xf32>
    %dot_general3A_54 = tpu.matmul %get3A_1, %get3A_52, %dot_general3A_53 {dimension_numbers = #tpu.dot_dimension_numbers<[1], [0], [0], [1], [0, 0, 1, 1], [], []>, transpose_lhs_hint = false} : vector<1000x32xf32>, vector<32x128xf32>, vector<1000x128xf32> -> vector<1000x128xf32>
    %get3A_55 = arith.constant 0 : index
    %get3A_56 = arith.constant 0 : index
    %get3A_57 = vector.load %arg11[%get3A_55, %get3A_56] : memref<1x128xf32, #tpu.memory_space<vmem>>, vector<1x128xf32>
    %add3A_58 = vector.broadcast %get3A_57 : vector<1x128xf32> to vector<1000x128xf32>
    %add3A_59 = arith.addf %dot_general3A_54, %add3A_58 : vector<1000x128xf32>
    %max3A_60 = arith.constant 0.000000e+00 : f32
    %max3A_61 = vector.broadcast %max3A_60 : f32 to vector<1000x128xf32>
    %max3A_62 = arith.maximumf %add3A_59, %max3A_61 : vector<1000x128xf32>
    %get3A_63 = arith.constant 0 : index
    %get3A_64 = arith.constant 0 : index
    %get3A_65 = vector.load %arg12[%get3A_63, %get3A_64] : memref<128x2xf32, #tpu.memory_space<vmem>>, vector<128x2xf32>
    %dot_general3A_66 = arith.constant dense<0.000000e+00> : vector<1000x2xf32>
    %dot_general3A_67 = tpu.matmul %max3A_62, %get3A_65, %dot_general3A_66 {dimension_numbers = #tpu.dot_dimension_numbers<[1], [0], [0], [1], [0, 0, 1, 1], [], []>, transpose_lhs_hint = false} : vector<1000x128xf32>, vector<128x2xf32>, vector<1000x2xf32> -> vector<1000x2xf32>
    %get3A_68 = arith.constant 0 : index
    %get3A_69 = arith.constant 0 : index
    %get3A_70 = vector.load %arg13[%get3A_68, %get3A_69] : memref<1x2xf32, #tpu.memory_space<vmem>>, vector<1x2xf32>
    %add3A_71 = vector.broadcast %get3A_70 : vector<1x2xf32> to vector<1000x2xf32>
    %add3A_72 = arith.addf %dot_general3A_67, %add3A_71 : vector<1000x2xf32>
    %swap3A_73 = arith.constant 0 : index
    %swap3A_74 = arith.constant 0 : index
    %swap3A_75 = vector.load %arg16[%swap3A_73, %swap3A_74] : memref<1000x2xf32, #tpu.memory_space<vmem>>, vector<1000x2xf32>
    tpu.vector_store %arg16[%swap3A_73, %swap3A_74], %add3A_72 {strides = array<i32>} : memref<1000x2xf32, #tpu.memory_space<vmem>>, vector<1000x2xf32>,
    return
  }
  func.func @transform_0(%arg0: i32) -> (i32, i32) {
    %c0_i32 = arith.constant 0 : i32
    %c0_i32_0 = arith.constant 0 : i32
    return %arg0, %c0_i32 : i32, i32
  }
  func.func @transform_1(%arg0: i32) -> (i32, i32) {
    %c0_i32 = arith.constant 0 : i32
    %c0_i32_0 = arith.constant 0 : i32
    %c0_i32_1 = arith.constant 0 : i32
    return %c0_i32, %c0_i32_0 : i32, i32
  }
  func.func @transform_2(%arg0: i32) -> (i32, i32) {
    %c0_i32 = arith.constant 0 : i32
    %c0_i32_0 = arith.constant 0 : i32
    %c0_i32_1 = arith.constant 0 : i32
    return %c0_i32, %c0_i32_0 : i32, i32
  }
  func.func @transform_3(%arg0: i32) -> (i32, i32) {
    %c0_i32 = arith.constant 0 : i32
    %c0_i32_0 = arith.constant 0 : i32
    %c0_i32_1 = arith.constant 0 : i32
    return %c0_i32, %c0_i32_0 : i32, i32
  }
  func.func @transform_4(%arg0: i32) -> (i32, i32) {
    %c0_i32 = arith.constant 0 : i32
    %c0_i32_0 = arith.constant 0 : i32
    %c0_i32_1 = arith.constant 0 : i32
    return %c0_i32, %c0_i32_0 : i32, i32
  }
  func.func @transform_5(%arg0: i32) -> (i32, i32) {
    %c0_i32 = arith.constant 0 : i32
    %c0_i32_0 = arith.constant 0 : i32
    %c0_i32_1 = arith.constant 0 : i32
    return %c0_i32, %c0_i32_0 : i32, i32
  }
  func.func @transform_6(%arg0: i32) -> (i32, i32) {
    %c0_i32 = arith.constant 0 : i32
    %c0_i32_0 = arith.constant 0 : i32
    %c0_i32_1 = arith.constant 0 : i32
    return %c0_i32, %c0_i32_0 : i32, i32
  }
  func.func @transform_7(%arg0: i32) -> (i32, i32) {
    %c0_i32 = arith.constant 0 : i32
    %c0_i32_0 = arith.constant 0 : i32
    %c0_i32_1 = arith.constant 0 : i32
    return %c0_i32, %c0_i32_0 : i32, i32
  }
  func.func @transform_8(%arg0: i32) -> (i32, i32) {
    %c0_i32 = arith.constant 0 : i32
    %c0_i32_0 = arith.constant 0 : i32
    %c0_i32_1 = arith.constant 0 : i32
    return %c0_i32, %c0_i32_0 : i32, i32
  }
  func.func @transform_9(%arg0: i32) -> (i32, i32) {
    %c0_i32 = arith.constant 0 : i32
    %c0_i32_0 = arith.constant 0 : i32
    %c0_i32_1 = arith.constant 0 : i32
    return %c0_i32, %c0_i32_0 : i32, i32
  }
  func.func @transform_10(%arg0: i32) -> (i32, i32) {
    %c0_i32 = arith.constant 0 : i32
    %c0_i32_0 = arith.constant 0 : i32
    %c0_i32_1 = arith.constant 0 : i32
    return %c0_i32, %c0_i32_0 : i32, i32
  }
  func.func @transform_11(%arg0: i32) -> (i32, i32) {
    %c0_i32 = arith.constant 0 : i32
    %c0_i32_0 = arith.constant 0 : i32
    %c0_i32_1 = arith.constant 0 : i32
    return %c0_i32, %c0_i32_0 : i32, i32
  }
  func.func @transform_12(%arg0: i32) -> (i32, i32) {
    %c0_i32 = arith.constant 0 : i32
    %c0_i32_0 = arith.constant 0 : i32
    %c0_i32_1 = arith.constant 0 : i32
    return %c0_i32, %c0_i32_0 : i32, i32
  }
  func.func @transform_13(%arg0: i32) -> (i32, i32) {
    %c0_i32 = arith.constant 0 : i32
    %c0_i32_0 = arith.constant 0 : i32
    return %arg0, %c0_i32 : i32, i32
  }
  func.func @transform_14(%arg0: i32) -> (i32, i32) {
    %c0_i32 = arith.constant 0 : i32
    %c0_i32_0 = arith.constant 0 : i32
    return %arg0, %c0_i32 : i32, i32
  }
  func.func @transform_15(%arg0: i32) -> (i32, i32) {
    %c0_i32 = arith.constant 0 : i32
    %c0_i32_0 = arith.constant 0 : i32
    return %arg0, %c0_i32 : i32, i32
  }
}

module attributes {stable_mosaic.version = 14 : i64} {
  func.func @body(%arg0: i32, %arg1: memref<2048x32xf32, #tpu.memory_space<vmem>>, %arg2: memref<2048x32xf32, #tpu.memory_space<vmem>>, %arg3: memref<2048x1xf32, #tpu.memory_space<vmem>>) attributes {dimension_semantics = [#tpu.dimension_semantics<arbitrary>], iteration_bounds = array<i64: 80>, scalar_prefetch = 0 : i64, scratch_operands = 0 : i64, tpu.core_type = #tpu.core_type<tc>, window_params = [{transform_indices = @transform_0, window_bounds = array<i64: 2048, 32>}, {transform_indices = @transform_1, window_bounds = array<i64: 2048, 32>}, {transform_indices = @transform_2, window_bounds = array<i64: 2048, 1>}]} {
    %get3A = arith.constant 0 : index
    %get3A_0 = arith.constant 0 : index
    %get3A_1 = vector.load %arg1[%get3A, %get3A_0] : memref<2048x32xf32, #tpu.memory_space<vmem>>, vector<2048x32xf32>
    %get3A_2 = arith.constant 0 : index
    %get3A_3 = arith.constant 0 : index
    %get3A_4 = vector.load %arg2[%get3A_2, %get3A_3] : memref<2048x32xf32, #tpu.memory_space<vmem>>, vector<2048x32xf32>
    %mul3A = arith.mulf %get3A_1, %get3A_4 : vector<2048x32xf32>
    %broadcast_in_dim3A = arith.constant 1.000000e+00 : f32
    %broadcast_in_dim3A_5 = vector.broadcast %broadcast_in_dim3A : f32 to vector<32x1xf32>
    %dot_general3A = arith.constant dense<0.000000e+00> : vector<2048x1xf32>
    %dot_general3A_6 = tpu.matmul %mul3A, %broadcast_in_dim3A_5, %dot_general3A {dimension_numbers = #tpu.dot_dimension_numbers<[1], [0], [0], [1], [0, 0, 1, 1], [], []>, transpose_lhs_hint = false} : vector<2048x32xf32>, vector<32x1xf32>, vector<2048x1xf32> -> vector<2048x1xf32>
    %logistic3A = arith.negf %dot_general3A_6 : vector<2048x1xf32>
    %logistic3A_7 = math.exp %logistic3A : vector<2048x1xf32>
    %logistic3A_8 = arith.constant 1.000000e+00 : f32
    %logistic3A_9 = vector.broadcast %logistic3A_8 : f32 to vector<2048x1xf32>
    %logistic3A_10 = arith.addf %logistic3A_9, %logistic3A_7 : vector<2048x1xf32>
    %logistic3A_11 = arith.divf %logistic3A_9, %logistic3A_10 : vector<2048x1xf32>
    %swap3A = arith.constant 0 : index
    %swap3A_12 = arith.constant 0 : index
    %swap3A_13 = vector.load %arg3[%swap3A, %swap3A_12] : memref<2048x1xf32, #tpu.memory_space<vmem>>, vector<2048x1xf32>
    tpu.vector_store %arg3[%swap3A, %swap3A_12], %logistic3A_11 {strides = array<i32>} : memref<2048x1xf32, #tpu.memory_space<vmem>>, vector<2048x1xf32>,
    return
  }
  func.func @transform_0(%arg0: i32) -> (i32, i32) {
    %c0_i32 = arith.constant 0 : i32
    %c0_i32_0 = arith.constant 0 : i32
    return %arg0, %c0_i32 : i32, i32
  }
  func.func @transform_1(%arg0: i32) -> (i32, i32) {
    %c0_i32 = arith.constant 0 : i32
    %c0_i32_0 = arith.constant 0 : i32
    return %arg0, %c0_i32 : i32, i32
  }
  func.func @transform_2(%arg0: i32) -> (i32, i32) {
    %c0_i32 = arith.constant 0 : i32
    %c0_i32_0 = arith.constant 0 : i32
    return %arg0, %c0_i32 : i32, i32
  }
}

</mosaic_0001>

<sc_bundles>
// kernel: kernel.13.cloned.1.call-start
scs
__scs_entry_jumppad:
0x0: {  	(pc) =	sbr.rel $0x88, $3  }
0x1: {  	(tag) =	ssettag $0x0;
	lr =	simm.s32 $0x1  }
0x2: {  	[smem:$0x3F84] =	sst lr;
	_ =	strace $0xD0000000  }
0x3: {  	_ = 	snop  }
0x4: {  	_ = 	snop  }
0x5: {  	_ = 	snop  }
0x6: {  	_ = 	snop  }
0x7: {  	_ = 	snop  }
__scs_overlays_trampoline_lowered:
0x8: {  	[smem:$0x3F93] =	sst s0  }
0x9: {  	[smem:$0x3F94] =	sst s1  }
0xa: {  	[smem:$0x3F95] =	sst s2  }
0xb: {  	[smem:$0x3F96] =	sst s3  }
0xc: {  	[smem:$0x3F97] =	sst s4  }
0xd: {  	[smem:$0x3F98] =	sst s5  }
0xe: {  	[smem:$0x3F99] =	sst s6  }
0xf: {  	[smem:$0x3F9A] =	sst s7  }
0x10: {  	[smem:$0x3F9B] =	sst s8  }
0x11: {  	[smem:$0x3F9C] =	sst s9;
	s0 =	simm.s32 @!p0 $0x0  }
0x12: {  	s1 =	sld [smem:$0x3F82];
	s0 =	simm.s32 @p0 $0x1  }
0x13: {  	[smem:$0x3F9D] =	sst s0;
	s0 =	simm.s32 @!p1 $0x0  }
0x14: {  	s2 =	sld [smem:$0x3F81];
	s0 =	simm.s32 @p1 $0x1  }
0x15: {  	[smem:$0x3F9E] =	sst s0;
	s0 =	simm.s32 @!p2 $0x0  }
0x16: {  	s3 =	sld [smem:$0x3FDB];
	s0 =	simm.s32 @p2 $0x1  }
0x17: {  	s4 =	simm.s32 $0x1BF5;
	[smem:$0x3FA0] =	sst s0  }
0x18: {  	s0 =	sld [smem:$0x3F83];
	_ =	swait.ge [sflag:s4], $0x0  }
0x19: {  	s7 =	sld [smem:$0x3F84]  }
0x1a: {  	s8 =	sadd.s32 $0xFFFFE003, lr  }
0x1b: {  	s9 =	sadd.s32 $0xFFFFFEF7, lr;
	s5 =	simm.s32 $0xFFFFFFFF;
	p2 =	slt.u32 s8, $0xFFFFF086  }
0x1c: {  	p1 =	slt.u32 s9, $0xF7A;
	s5 =	simm.s32 @!p2 $0x0  }
0x1d: {  	s5 =	simm.s32 @p1 $0x1;
	p0 =	seq.s32 s7, s2  }
0x1e: {  	s7 =	smul.u32 @!p0 $0xF7A, s2;
	p2 =	seq.s32 @!p0 s5, $0x0  }
0x1f: {  	s9 =	smul.u32 $0xF7A, s1;
	s8 =	simm.s32 @!p0 $0x1BF5;
	p2 =	por !p2, p0  }
0x20: {  	[sflag:s8] =	ssyncset.s32 @!p0 $0xFFFFF086;
	s6 =	sadd.s32 @!p0 s3, s7;
	s7 =	simm.s32 @!p0 $0x108  }
0x21: {  	s3 =	sadd.s32 s3, s9;
	s6 =	sadd.s32 @!p0 $0x88, s6;
	s7 =	simm.s32 @p2 $0x1082  }
0x22: {  	[simem:s7], [sflag:s8] =	dma.local @!p0 [hbm:s6], $0xF7A  }
0x23: {  	s9 =	sor.u32 $0xD0000000, s2;
	s6 =	simm.s32 $0x108;
	_ =	swait.ge @!p0 [sflag:s8], $0x0  }
0x24: {  	s3 =	sadd.s32 $0x88, s3;
	s6 =	simm.s32 @!p1 $0x1082;
	[sflag:s4] =	ssyncset.s32 $0xFFFFF086  }
0x25: {  	[simem:s6], [sflag:s4] =	dma.local [hbm:s3], $0xF7A  }
0x26: {  	[smem:$0x3F84] =	sst s1;
	(tag) =	ssettag s2;
	_ =	strace s9  }
0x27: {  	s1 =	sld [smem:$0x3F94]  }
0x28: {  	s2 =	sld [smem:$0x3F95]  }
0x29: {  	s4 =	sld [smem:$0x3F97]  }
0x2a: {  	p0 =	seq.s32 s5, $0x0;
	s5 =	sld [smem:$0x3F98]  }
0x2b: {  	s6 =	sld [smem:$0x3F99]  }
0x2c: {  	s7 =	sld [smem:$0x3F9A]  }
0x2d: {  	s3 =	simm.s32 $0x108;
	s8 =	sld [smem:$0x3F9B]  }
0x2e: {  	s3 =	simm.s32 @!p0 $0x1082;
	s9 =	sld [smem:$0x3F9C]  }
0x2f: {  	lr =	sadd.s32 s0, s3;
	s0 =	sld [smem:$0x3F93]  }
0x30: {  	s3 =	sld [smem:$0x3F96]  }
0x31: {  	[smem:$0x3F9F] =	sst s10  }
0x32: {  	s10 =	sld [smem:$0x3F9D];
	_ =	sdelay $0x3  }
0x33: {  	p0 =	seq.s32 s10, $0x1;
	s10 =	sld [smem:$0x3F9F];
	_ =	sdelay $0x3  }
0x34: {  	[smem:$0x3F9F] =	sst s10  }
0x35: {  	s10 =	sld [smem:$0x3F9E];
	_ =	sdelay $0x3  }
0x36: {  	p1 =	seq.s32 s10, $0x1;
	s10 =	sld [smem:$0x3F9F];
	_ =	sdelay $0x3  }
0x37: {  	[smem:$0x3F9F] =	sst s10  }
0x38: {  	s10 =	sld [smem:$0x3FA0]  }
0x39: {  	_ = 	snop;
	(pc) =	sbr.ind lr, $3  }
0x3a: {  	_ = 	snop  }
0x3b: {  	_ = 	snop  }
0x3c: {  	p2 =	seq.s32 s10, $0x1;
	s10 =	sld [smem:$0x3F9F]  }
0x3d: {  	_ =	shalt  }
0x3e: {  	_ =	shalt  }
0x3f: {  	_ =	shalt  }
0x40: {  	_ =	shalt  }
0x41: {  	_ =	shalt  }
0x42: {  	_ =	shalt  }
0x43: {  	_ =	shalt  }
0x44: {  	_ =	shalt  }
0x45: {  	_ =	shalt  }
0x46: {  	_ =	shalt  }
0x47: {  	_ =	shalt  }
0x48: {  	_ =	shalt  }
0x49: {  	_ =	shalt  }
0x4a: {  	_ =	shalt  }
0x4b: {  	_ =	shalt  }
0x4c: {  	_ =	shalt  }
0x4d: {  	_ =	shalt  }
0x4e: {  	_ =	shalt  }
0x4f: {  	_ =	shalt  }
0x50: {  	_ =	shalt  }
0x51: {  	_ =	shalt  }
0x52: {  	_ =	shalt  }
0x53: {  	_ =	shalt  }
0x54: {  	_ =	shalt  }
0x55: {  	_ =	shalt  }
0x56: {  	_ =	shalt  }
0x57: {  	_ =	shalt  }
0x58: {  	_ =	shalt  }
0x59: {  	_ =	shalt  }
0x5a: {  	_ =	shalt  }
0x5b: {  	_ =	shalt  }
0x5c: {  	_ =	shalt  }
0x5d: {  	_ =	shalt  }
0x5e: {  	_ =	shalt  }
0x5f: {  	_ =	shalt  }
0x60: {  	_ =	shalt  }
0x61: {  	_ =	shalt  }
0x62: {  	_ =	shalt  }
0x63: {  	_ =	shalt  }
0x64: {  	_ =	shalt  }
0x65: {  	_ =	shalt  }
0x66: {  	_ =	shalt  }
0x67: {  	_ =	shalt  }
0x68: {  	_ =	shalt  }
0x69: {  	_ =	shalt  }
0x6a: {  	_ =	shalt  }
0x6b: {  	_ =	shalt  }
0x6c: {  	_ =	shalt  }
0x6d: {  	_ =	shalt  }
0x6e: {  	_ =	shalt  }
0x6f: {  	_ =	shalt  }
0x70: {  	_ =	shalt  }
0x71: {  	_ =	shalt  }
0x72: {  	_ =	shalt  }
0x73: {  	_ =	shalt  }
0x74: {  	_ =	shalt  }
0x75: {  	_ =	shalt  }
0x76: {  	_ =	shalt  }
0x77: {  	_ =	shalt  }
0x78: {  	_ =	shalt  }
0x79: {  	_ =	shalt  }
0x7a: {  	_ =	shalt  }
0x7b: {  	_ =	shalt  }
0x7c: {  	_ =	shalt  }
0x7d: {  	_ =	shalt  }
0x7e: {  	_ =	shalt  }
0x7f: {  	_ =	shalt  }
0x80: {  	_ =	shalt  }
0x81: {  	_ =	shalt  }
0x82: {  	_ =	shalt  }
0x83: {  	_ =	shalt  }
0x84: {  	_ =	shalt  }
0x85: {  	_ =	shalt  }
0x86: {  	_ =	shalt  }
0x87: {  	_ =	shalt  }
.Lfunc_end0:
.L_simem_size_0:
called_computation_lowered:
.L_overlay_start_0:
0x88: {  	s2 =	sld [smem:$0x3FD9]  }
0x89: {  	s3 =	sld [smem:$0x3FFE];
	_ =	sdelay $0x1  }
0x8a: {  	s1 =	srdreg.scid  }
0x8b: {  	s0 =	sand.u32 $0x1, s1  }
0x8c: {  	s14 =	sshll.u32 s0, $0xA;
	s2 =	sadd.s32 s3, s2  }
0x8d: {  	s2 =	sadd.s32 s2, s14  }
0x8e: {  	[smem:$0x3FAB] =	sst s2  }
0x8f: {  	_ = 	snop  }
0x90: {  	s2 =	sld [smem:$0x3FD0];
	_ =	sdelay $0x2  }
0x91: {  	s15 =	simm.s32 $0xB;
	s4 =	simm.s32 $0x10  }
0x92: {  	[smem:s4], [sflag:s15] =	dma.local [hbm:s2], $0x1  }
0x93: {  	_ =	swait.eq [sflag:s15], $0x1  }
0x94: {  	s16 =	sld [smem:$0x12];
	[sflag:s15] =	ssyncset.done $0x0  }
0x95: {  	s17 =	sld [smem:$0x15];
	[sflag:s15] =	ssyncadd.s32 $0xFFFFFFFF  }
0x96: {  	s18 =	sld [smem:$0x16];
	(tm) =	ssettm $0x1  }
0x97: {  	s5 =	sld [smem:$0x3FFB];
	_ =	sdelay $0x3  }
0x98: {  	_ =	strace s5  }
0x99: {  	s5 =	sld [smem:$0x3FFC];
	_ =	sdelay $0x3  }
0x9a: {  	_ =	strace s5  }
0x9b: {  	s5 =	sld [smem:$0x3FFD];
	_ =	sdelay $0x3  }
0x9c: {  	_ =	strace s5  }
0x9d: {  	_ =	strace $0x8FFFFFFF  }
0x9e: {  	s19 =	sld [smem:$0x3FDB];
	_ =	sdelay $0x1  }
0x9f: {  	s6 =	simm.s32 $_scs_section_size  }
0xa0: {  	s7 =	simm.s32 $_size__tile_overlayer_lowered;
	s8 =	simm.s32 $_tile_overlayer_lowered  }
0xa1: {  	s22 =	simm.s32 $0x1BFF;
	s21 =	sshll.u32 s8, $0x1;
	s5 =	sadd.s32 s6, s19  }
0xa2: {  	s9 =	simm.s32 $0x0;
	s20 =	sshll.u32 s7, $0x1;
	s7 =	sadd.s32 s21, s5  }
0xa3: {  	[timem:s9], [sflag:s22] =	dma.local [hbm:s7], s20  }
0xa4: {  	_ =	swait.ge [sflag:s22], s20  }
0xa5: {  	s6 =	ssub.s32 $0x0, s20;
	[sflag:s22] =	ssyncset.done $0x0  }
0xa6: {  	[sflag:s22] =	ssyncadd.s32 s6;
	_ =	sdelay $0x1  }
0xa7: {  	s23 =	simm.s32 $0x1B8B  }
0xa8: {  	_ =	swait.ge [sflag:s23], $0x1  }
0xa9: {  	[sflag:s23] =	ssyncset.done $0x0  }
0xaa: {  	s25 =	simm.s32 $0x1B8E;
	s24 =	sld [smem:$0x3FFE];
	[sflag:s23] =	ssyncadd.s32 $0xFFFFFFFF  }
0xab: {  	s26 =	simm.s32 $execute0_lowered;
	[smem:$0x3FD2] =	sst s25  }
0xac: {  	s7 =	sshll.u32 s26, $0x1;
	_ =	strace $0x80000046;
	[dreg:$0x1] =	wrdreg $0xFFFFFFFF  }
0xad: {  	s28 =	simm.s32 $_size_execute0_lowered;
	s5 =	sadd.s32 s5, s7;
	[dreg:$0x0] =	wrdreg $0x0  }
0xae: {  	s7 =	sshll.u32 s28, $0x1;
	[dreg:$0x2] =	wrdreg s5  }
0xaf: {  	[dreg:$0x3] =	wrdreg s7  }
0xb0: {  	[dreg:$0x4] =	wrdreg $0xC0  }
0xb1: {  	_ =	task [dreg:s9], $0x5FFFF  }
0xb2: {  	[dreg:$0x1] =	wrdreg $0xFFFFFFFF  }
0xb3: {  	[dreg:$0x0] =	wrdreg $0x60  }
0xb4: {  	[dreg:$0x2] =	wrdreg s16  }
0xb5: {  	[dreg:$0x3] =	wrdreg s17  }
0xb6: {  	[dreg:$0x4] =	wrdreg s18  }
0xb7: {  	[dreg:$0x5] =	wrdreg s24  }
0xb8: {  	[dreg:$0x6] =	wrdreg $0x1C000  }
0xb9: {  	[dreg:$0x7] =	wrdreg $0x9  }
0xba: {  	_ =	task.clear_ibuf [dreg:s9], $0x8FFFF;
	_ =	strace $0x90000046  }
0xbb: {  	s29 =	simm.s32 $0x9;
	_ =	strace $0x80000048  }
0xbc: {  	_ =	swait.ge [sflag:s29], $0x1  }
0xbd: {  	[sflag:s29] =	ssyncadd.s32 $0xFFFFFFFF  }
0xbe: {  	_ =	strace $0x90000048  }
0xbf: {  	_ =	sfence  }
0xc0: {  	s30 =	sld [smem:$0x0];
	_ =	sdelay $0x2  }
0xc1: {  	s31 =	sshll.u32 s1, $0xD;
	s1 =	sshrl.u32 s1, $0x2  }
0xc2: {  	s3 =	sand.u32 $0x4000, s31;
	s1 =	sadd.s32 s1, s30  }
0xc3: {  	s0 =	sor.u32 s3, s0;
	s1 =	sshll.u32 s1, $0x11  }
0xc4: {  	s0 =	sor.u32 s1, s0  }
0xc5: {  	s0 =	sadd.s32 $0x8F2B, s0  }
0xc6: {  	[sflag:s0] =	ssyncadd.remote.s32 $0x1  }
0xc7: {  	_ =	sfence.sel $0xFFFF  }
0xc8: {  	[dreg:$0x0] =	wrdreg $0xFFFFFFFF;
	(pc) =	sbr.abs _section_cstart, $3  }
0xc9: {  	[dreg:$0x1] =	wrdreg $0xFFFFFFFF  }
0xca: {  	_ =	task.clear_ibuf [dreg:s9], $0x2FFFF;
	_ =	strace $0x9FFFFFFF  }
0xcb: {  	(tm) =	ssettm $0x7FFFFFFF  }
tec
execute0_lowered:
.L_overlay_start_1:
0x0: {  	(tag) =	ssettag $0x1  }
0x1: {  	s7 =	rddreg [dreg:$0x0]  }
0x2: {  	s1 =	rddreg [dreg:$0x1]  }
0x3: {  	s2 =	rddreg [dreg:$0x2]  }
0x4: {  	s6 =	rddreg [dreg:$0x3];
	s3 =	srdreg.scid  }
0x5: {  	s0 =	stileid.u32;
	s4 =	rddreg [dreg:$0x4]  }
0x6: {  	s5 =	simm.s32 $0x0;
	s13 =	simm.s32 $0x80;
	s14 =	simm.s32 $0x0  }
0x7: {  	s8 =	sand.u32 $0x1, s3;
	s9 =	smul.u32 $0x2800, s0;
	s3 =	rddreg [dreg:$0x5]  }
0x8: {  	[smem:$0x7FF] =	sst s5;
	s11 =	sshll.u32 s0, $0x1;
	s31 =	sshll.u32 s0, $0x6  }
0x9: {  	s10 =	smul.u32 $0x28000, s8;
	_ =	strace $0x80000047;
	s12 =	ssub.s32 $0x2, s8  }
0xa: {  	s8 =	sor.u32 s8, s11;
	s11 =	simm.s32 $0x1;
	s28 =	sshrl.u32 s12, $0x1  }
0xb: {  	s8 =	smul.u32 $0x280, s8;
	s30 =	sadd.s32 s9, s4;
	s10 =	sadd.s32 s9, s10  }
0xc: {  	s29 =	ssub.s32 s12, s28;
	s12 =	simm.s32 $0x1400;
	s10 =	sshrl.u32 s10, $0x3  }
0xd: {  	s7 =	sadd.s32 s7, s8;
	s9 =	smax.u32 s29, $0x1;
	s10 =	sadd.s32 s10, s6  }
0xe: {  	s6 =	sor.u32 $0x1C01, s31;
	s8 =	sadd.s32 $0xB200, s10;
	s10 =	sshrl.u32 s30, $0x3  }
.LBB2_1:
0xf: {  	[spmem:s10], [sflag:s6] =	dma.local [hbm:s1], $0x500  }
0x10: {  	_ =	swait.ge [sflag:s11], $0x500  }
0x11: {  	[sflag:s11] =	ssyncset.done $0x0  }
0x12: {  	[sflag:s11] =	ssyncadd.s32 $0xFFFFFB00  }
0x13: {  	[tilespmem:s5], [sflag:$0x1] =	stream.linear.gather [hbm4b:s7+s5], $0x1400, $0x38;
	[tilespmem:$0x4400] =	vst v63  }
0x14: {  	_ =	swait.ge [sflag:s11], $0x1400  }
0x15: {  	[sflag:s11] =	ssyncset.done $0x0  }
0x16: {  	[sflag:s11] =	ssyncadd.s32 $0xFFFFEC00  }
0x17: {  	[tilespmem:s12], [sflag:$0x1] =	stream.linear.gather [hbm4b:s2+s5], $0x800, $0x38;
	[tilespmem:$0x4400] =	vst v63  }
0x18: {  	_ =	swait.ge [sflag:s11], $0x800  }
0x19: {  	[sflag:s11] =	ssyncset.done $0x0  }
0x1a: {  	[sflag:s11] =	ssyncadd.s32 $0xFFFFF800  }
0x1b: {  	s15 =	simm.s32 $0x0;
	[bflag:$0x0] =	sbarrier.arrive $0xFFFF  }
0x1c: {  	[spmem:s4] =	stream.indirect.scatter.add.f32 [tilespmem:s12], [sflag:$0x1], $0x10, s15, s13, $0xb8;
	[tilespmem:$0x4400] =	vst v63  }
0x1d: {  	_ =	swait.ge [sflag:s11], $0x800  }
0x1e: {  	s15 =	simm.s32 $0x200;
	[sflag:s11] =	ssyncset.done $0x0  }
.LBB2_2:
0x1f: {  	s16 =	sshra.s32 s15, $0x2;
	[sflag:s11] =	ssyncadd.s32 $0xFFFFF800;
	p0 =	sne.s32 s15, $0x4E00  }
0x20: {  	[spmem:s4] =	stream.indirect.scatter.add.f32 [tilespmem:s12], [sflag:$0x1], $0x10, s16, s13, $0xb8;
	[tilespmem:$0x4400] =	vst v63  }
.Ltmp0:
0x21: {  	_ = 	snop;
	(pc) =	sbr.rel @p0 .LBB2_2-.Ltmp0, $4  }
0x22: {  	_ = 	snop  }
0x23: {  	s15 =	sadd.s32 $0x200, s15  }
0x24: {  	_ =	swait.ge [sflag:s11], $0x800  }
0x25: {  	[sflag:s11] =	ssyncset.done $0x0  }
0x26: {  	s14 =	sadd.s32 $0x1, s14  }
0x27: {  	[sflag:s11] =	ssyncadd.s32 $0xFFFFF800;
	p0 =	sne.s32 s14, s9  }
.Ltmp1:
0x28: {  	[bflag:$0x0] =	sbarrier.arrive $0xFFFF;
	(pc) =	sbr.rel @p0 .LBB2_1-.Ltmp1, $4  }
0x29: {  	[hbm:s8], [sflag:s6] =	dma.local [spmem:s10], $0x500  }
0x2a: {  	_ =	swait.ge [sflag:s11], $0x500  }
0x2b: {  	[sflag:s11] =	ssyncset.done $0x0  }
0x2c: {  	[sflag:s11] =	ssyncadd.s32 $0xFFFFFB00  }
0x2d: {  	_ =	sfence.sel $0x180000  }
0x2e: {  	[bflag:$0x0] =	sbarrier.arrive $0xFFFF  }
0x2f: {  	p0 =	sne.s32 s0, $0x0;
	_ =	strace $0x90000047  }
0x30: {  	s0 =	sadd.s32 @!p0 $0x100000, s3;
	[bflag:$0x2] =	sbarrier.arrive $0xFFFF  }
0x31: {  	[sflag:s0] =	ssyncadd.tile.s32 @!p0 $0x1;
	_ =	shalt  }
.Lfunc_end2:
_tile_overlayer_lowered:
.L_overlay_start_2:
0x32: {  	(tag) =	ssettag $0x2  }
0x33: {  	s0 =	rddreg [dreg:$0x0];
	s2 =	stileid.u32  }
0x34: {  	s1 =	rddreg [dreg:$0x1];
	p0 =	sne.s32 s2, $0x0  }
0x35: {  	s3 =	rddreg [dreg:$0x2];
	[bflag:$0x3] =	sbarrier.arrive $0xFFFF;
	s2 =	simm.s32 @!p0 $0x1C01  }
0x36: {  	[timem:s3], [sflag:s2] =	dma.local @!p0 [hbm:s0], s1  }
0x37: {  	s0 =	simm.s32 @!p0 $0x1  }
0x38: {  	_ =	swait.ge @!p0 [sflag:s0], s1  }
0x39: {  	s1 =	ssub.s32 @!p0 $0x0, s1;
	[sflag:s0] =	ssyncset.done @!p0 $0x0  }
0x3a: {  	[sflag:s0] =	ssyncadd.s32 @!p0 s1  }
0x3b: {  	[bflag:$0x3] =	sbarrier.arrive $0xFFFF  }
0x3c: {  	_ =	shalt  }

// kernel: kernel.16.cloned.1.call-start
scs
__scs_entry_jumppad:
0x0: {  	(pc) =	sbr.rel $0x88, $3  }
0x1: {  	(tag) =	ssettag $0x0;
	lr =	simm.s32 $0x1  }
0x2: {  	[smem:$0x3F84] =	sst lr;
	_ =	strace $0xD0000000  }
0x3: {  	_ = 	snop  }
0x4: {  	_ = 	snop  }
0x5: {  	_ = 	snop  }
0x6: {  	_ = 	snop  }
0x7: {  	_ = 	snop  }
__scs_overlays_trampoline_lowered:
0x8: {  	[smem:$0x3F93] =	sst s0  }
0x9: {  	[smem:$0x3F94] =	sst s1  }
0xa: {  	[smem:$0x3F95] =	sst s2  }
0xb: {  	[smem:$0x3F96] =	sst s3  }
0xc: {  	[smem:$0x3F97] =	sst s4  }
0xd: {  	[smem:$0x3F98] =	sst s5  }
0xe: {  	[smem:$0x3F99] =	sst s6  }
0xf: {  	[smem:$0x3F9A] =	sst s7  }
0x10: {  	[smem:$0x3F9B] =	sst s8  }
0x11: {  	[smem:$0x3F9C] =	sst s9;
	s0 =	simm.s32 @!p0 $0x0  }
0x12: {  	s1 =	sld [smem:$0x3F82];
	s0 =	simm.s32 @p0 $0x1  }
0x13: {  	[smem:$0x3F9D] =	sst s0;
	s0 =	simm.s32 @!p1 $0x0  }
0x14: {  	s2 =	sld [smem:$0x3F81];
	s0 =	simm.s32 @p1 $0x1  }
0x15: {  	[smem:$0x3F9E] =	sst s0;
	s0 =	simm.s32 @!p2 $0x0  }
0x16: {  	s3 =	sld [smem:$0x3FDB];
	s0 =	simm.s32 @p2 $0x1  }
0x17: {  	s4 =	simm.s32 $0x1BF5;
	[smem:$0x3FA0] =	sst s0  }
0x18: {  	s0 =	sld [smem:$0x3F83];
	_ =	swait.ge [sflag:s4], $0x0  }
0x19: {  	s7 =	sld [smem:$0x3F84]  }
0x1a: {  	s8 =	sadd.s32 $0xFFFFE003, lr  }
0x1b: {  	s9 =	sadd.s32 $0xFFFFFEF7, lr;
	s5 =	simm.s32 $0xFFFFFFFF;
	p2 =	slt.u32 s8, $0xFFFFF086  }
0x1c: {  	p1 =	slt.u32 s9, $0xF7A;
	s5 =	simm.s32 @!p2 $0x0  }
0x1d: {  	s5 =	simm.s32 @p1 $0x1;
	p0 =	seq.s32 s7, s2  }
0x1e: {  	s7 =	smul.u32 @!p0 $0xF7A, s2;
	p2 =	seq.s32 @!p0 s5, $0x0  }
0x1f: {  	s9 =	smul.u32 $0xF7A, s1;
	s8 =	simm.s32 @!p0 $0x1BF5;
	p2 =	por !p2, p0  }
0x20: {  	[sflag:s8] =	ssyncset.s32 @!p0 $0xFFFFF086;
	s6 =	sadd.s32 @!p0 s3, s7;
	s7 =	simm.s32 @!p0 $0x108  }
0x21: {  	s3 =	sadd.s32 s3, s9;
	s6 =	sadd.s32 @!p0 $0x88, s6;
	s7 =	simm.s32 @p2 $0x1082  }
0x22: {  	[simem:s7], [sflag:s8] =	dma.local @!p0 [hbm:s6], $0xF7A  }
0x23: {  	s9 =	sor.u32 $0xD0000000, s2;
	s6 =	simm.s32 $0x108;
	_ =	swait.ge @!p0 [sflag:s8], $0x0  }
0x24: {  	s3 =	sadd.s32 $0x88, s3;
	s6 =	simm.s32 @!p1 $0x1082;
	[sflag:s4] =	ssyncset.s32 $0xFFFFF086  }
0x25: {  	[simem:s6], [sflag:s4] =	dma.local [hbm:s3], $0xF7A  }
0x26: {  	[smem:$0x3F84] =	sst s1;
	(tag) =	ssettag s2;
	_ =	strace s9  }
0x27: {  	s1 =	sld [smem:$0x3F94]  }
0x28: {  	s2 =	sld [smem:$0x3F95]  }
0x29: {  	s4 =	sld [smem:$0x3F97]  }
0x2a: {  	p0 =	seq.s32 s5, $0x0;
	s5 =	sld [smem:$0x3F98]  }
0x2b: {  	s6 =	sld [smem:$0x3F99]  }
0x2c: {  	s7 =	sld [smem:$0x3F9A]  }
0x2d: {  	s3 =	simm.s32 $0x108;
	s8 =	sld [smem:$0x3F9B]  }
0x2e: {  	s3 =	simm.s32 @!p0 $0x1082;
	s9 =	sld [smem:$0x3F9C]  }
0x2f: {  	lr =	sadd.s32 s0, s3;
	s0 =	sld [smem:$0x3F93]  }
0x30: {  	s3 =	sld [smem:$0x3F96]  }
0x31: {  	[smem:$0x3F9F] =	sst s10  }
0x32: {  	s10 =	sld [smem:$0x3F9D];
	_ =	sdelay $0x3  }
0x33: {  	p0 =	seq.s32 s10, $0x1;
	s10 =	sld [smem:$0x3F9F];
	_ =	sdelay $0x3  }
0x34: {  	[smem:$0x3F9F] =	sst s10  }
0x35: {  	s10 =	sld [smem:$0x3F9E];
	_ =	sdelay $0x3  }
0x36: {  	p1 =	seq.s32 s10, $0x1;
	s10 =	sld [smem:$0x3F9F];
	_ =	sdelay $0x3  }
0x37: {  	[smem:$0x3F9F] =	sst s10  }
0x38: {  	s10 =	sld [smem:$0x3FA0]  }
0x39: {  	_ = 	snop;
	(pc) =	sbr.ind lr, $3  }
0x3a: {  	_ = 	snop  }
0x3b: {  	_ = 	snop  }
0x3c: {  	p2 =	seq.s32 s10, $0x1;
	s10 =	sld [smem:$0x3F9F]  }
0x3d: {  	_ =	shalt  }
0x3e: {  	_ =	shalt  }
0x3f: {  	_ =	shalt  }
0x40: {  	_ =	shalt  }
0x41: {  	_ =	shalt  }
0x42: {  	_ =	shalt  }
0x43: {  	_ =	shalt  }
0x44: {  	_ =	shalt  }
0x45: {  	_ =	shalt  }
0x46: {  	_ =	shalt  }
0x47: {  	_ =	shalt  }
0x48: {  	_ =	shalt  }
0x49: {  	_ =	shalt  }
0x4a: {  	_ =	shalt  }
0x4b: {  	_ =	shalt  }
0x4c: {  	_ =	shalt  }
0x4d: {  	_ =	shalt  }
0x4e: {  	_ =	shalt  }
0x4f: {  	_ =	shalt  }
0x50: {  	_ =	shalt  }
0x51: {  	_ =	shalt  }
0x52: {  	_ =	shalt  }
0x53: {  	_ =	shalt  }
0x54: {  	_ =	shalt  }
0x55: {  	_ =	shalt  }
0x56: {  	_ =	shalt  }
0x57: {  	_ =	shalt  }
0x58: {  	_ =	shalt  }
0x59: {  	_ =	shalt  }
0x5a: {  	_ =	shalt  }
0x5b: {  	_ =	shalt  }
0x5c: {  	_ =	shalt  }
0x5d: {  	_ =	shalt  }
0x5e: {  	_ =	shalt  }
0x5f: {  	_ =	shalt  }
0x60: {  	_ =	shalt  }
0x61: {  	_ =	shalt  }
0x62: {  	_ =	shalt  }
0x63: {  	_ =	shalt  }
0x64: {  	_ =	shalt  }
0x65: {  	_ =	shalt  }
0x66: {  	_ =	shalt  }
0x67: {  	_ =	shalt  }
0x68: {  	_ =	shalt  }
0x69: {  	_ =	shalt  }
0x6a: {  	_ =	shalt  }
0x6b: {  	_ =	shalt  }
0x6c: {  	_ =	shalt  }
0x6d: {  	_ =	shalt  }
0x6e: {  	_ =	shalt  }
0x6f: {  	_ =	shalt  }
0x70: {  	_ =	shalt  }
0x71: {  	_ =	shalt  }
0x72: {  	_ =	shalt  }
0x73: {  	_ =	shalt  }
0x74: {  	_ =	shalt  }
0x75: {  	_ =	shalt  }
0x76: {  	_ =	shalt  }
0x77: {  	_ =	shalt  }
0x78: {  	_ =	shalt  }
0x79: {  	_ =	shalt  }
0x7a: {  	_ =	shalt  }
0x7b: {  	_ =	shalt  }
0x7c: {  	_ =	shalt  }
0x7d: {  	_ =	shalt  }
0x7e: {  	_ =	shalt  }
0x7f: {  	_ =	shalt  }
0x80: {  	_ =	shalt  }
0x81: {  	_ =	shalt  }
0x82: {  	_ =	shalt  }
0x83: {  	_ =	shalt  }
0x84: {  	_ =	shalt  }
0x85: {  	_ =	shalt  }
0x86: {  	_ =	shalt  }
0x87: {  	_ =	shalt  }
.Lfunc_end0:
.L_simem_size_0:
called_computation.1_lowered:
.L_overlay_start_0:
0x88: {  	s2 =	sld [smem:$0x3FD9]  }
0x89: {  	s3 =	sld [smem:$0x3FFE];
	_ =	sdelay $0x1  }
0x8a: {  	s1 =	srdreg.scid  }
0x8b: {  	s0 =	sand.u32 $0x1, s1  }
0x8c: {  	s15 =	sshll.u32 s0, $0xA;
	s2 =	sadd.s32 s3, s2  }
0x8d: {  	s2 =	sadd.s32 s2, s15  }
0x8e: {  	[smem:$0x3FAB] =	sst s2  }
0x8f: {  	_ = 	snop  }
0x90: {  	s2 =	sld [smem:$0x3FD0];
	_ =	sdelay $0x2  }
0x91: {  	s5 =	simm.s32 $0xB;
	s16 =	simm.s32 $0x10  }
0x92: {  	[smem:s16], [sflag:s5] =	dma.local [hbm:s2], $0x1  }
0x93: {  	_ =	swait.eq [sflag:s5], $0x1  }
0x94: {  	s4 =	sld [smem:$0x12];
	[sflag:s5] =	ssyncset.done $0x0  }
0x95: {  	s17 =	sld [smem:$0x14];
	[sflag:s5] =	ssyncadd.s32 $0xFFFFFFFF  }
0x96: {  	s18 =	sld [smem:$0x16];
	(tm) =	ssettm $0x1  }
0x97: {  	s19 =	sld [smem:$0x3FFB];
	_ =	sdelay $0x3  }
0x98: {  	_ =	strace s19  }
0x99: {  	s2 =	sld [smem:$0x3FFC];
	_ =	sdelay $0x3  }
0x9a: {  	_ =	strace s2  }
0x9b: {  	s2 =	sld [smem:$0x3FFD];
	_ =	sdelay $0x3  }
0x9c: {  	_ =	strace s2  }
0x9d: {  	_ =	strace $0x8FFFFFFF  }
0x9e: {  	s20 =	sld [smem:$0x3FDB];
	_ =	sdelay $0x1  }
0x9f: {  	s6 =	simm.s32 $_scs_section_size  }
0xa0: {  	s7 =	simm.s32 $_size__tile_overlayer_lowered;
	s8 =	simm.s32 $_tile_overlayer_lowered  }
0xa1: {  	s9 =	simm.s32 $0x1BFF;
	s21 =	sshll.u32 s8, $0x1;
	s6 =	sadd.s32 s6, s20  }
0xa2: {  	s22 =	simm.s32 $0x0;
	s7 =	sshll.u32 s7, $0x1;
	s8 =	sadd.s32 s21, s6  }
0xa3: {  	[timem:s22], [sflag:s9] =	dma.local [hbm:s8], s7  }
0xa4: {  	_ =	swait.ge [sflag:s9], s7  }
0xa5: {  	s7 =	ssub.s32 $0x0, s7;
	[sflag:s9] =	ssyncset.done $0x0  }
0xa6: {  	[sflag:s9] =	ssyncadd.s32 s7;
	_ =	sdelay $0x1  }
0xa7: {  	s23 =	simm.s32 $0x1B8B  }
0xa8: {  	_ =	swait.ge [sflag:s23], $0x1  }
0xa9: {  	[sflag:s23] =	ssyncset.done $0x0  }
0xaa: {  	[sflag:s23] =	ssyncadd.s32 $0xFFFFFFFF  }
0xab: {  	s7 =	sld [smem:$0x0]  }
0xac: {  	s8 =	sand.u32 $0xFFFFFFFE, s1  }
0xad: {  	p0 =	sne.s32 s1, s8  }
0xae: {  	s8 =	sshll.u32 @p0 s8, $0xE  }
0xaf: {  	s8 =	sadd.s32 @p0 $0x11B8D, s8;
	s9 =	sshll.u32 @p0 s7, $0x11  }
0xb0: {  	s8 =	sor.u32 @p0 s9, s8  }
0xb1: {  	[sflag:s8] =	ssyncadd.remote.s32 @p0 $0x1;
	_ =	sdelay $0x1  }
0xb2: {  	s8 =	simm.s32 @p0 $0x1B8D  }
0xb3: {  	_ =	swait.eq @p0 [sflag:s8], $0x1  }
0xb4: {  	[sflag:s8] =	ssyncadd.s32 @p0 $0xFFFFFFFF  }
0xb5: {  	s9 =	sshll.u32 @!p0 s1, $0xE  }
0xb6: {  	s9 =	sor.u32 @!p0 $0x4000, s9;
	s8 =	simm.s32 @!p0 $0x1B8D  }
0xb7: {  	s7 =	sshll.u32 @!p0 s7, $0x11;
	s9 =	sadd.s32 @!p0 $0x11B8D, s9;
	_ =	swait.eq @!p0 [sflag:s8], $0x1  }
0xb8: {  	s7 =	sor.u32 @!p0 s7, s9;
	[sflag:s8] =	ssyncadd.s32 @!p0 $0xFFFFFFFF  }
0xb9: {  	s25 =	simm.s32 $0x1B8E;
	s24 =	sld [smem:$0x3FFE];
	[sflag:s7] =	ssyncadd.remote.s32 @!p0 $0x1  }
0xba: {  	s26 =	simm.s32 $execute0_lowered;
	[smem:$0x3FD2] =	sst s25  }
0xbb: {  	s8 =	sshll.u32 s26, $0x1;
	_ =	strace $0x8000004C;
	[dreg:$0x1] =	wrdreg $0xFFFFFFFF  }
0xbc: {  	s28 =	simm.s32 $_size_execute0_lowered;
	s6 =	sadd.s32 s6, s8;
	[dreg:$0x0] =	wrdreg $0x0  }
0xbd: {  	s8 =	sshll.u32 s28, $0x1;
	[dreg:$0x2] =	wrdreg s6  }
0xbe: {  	[dreg:$0x3] =	wrdreg s8  }
0xbf: {  	[dreg:$0x4] =	wrdreg $0xC0  }
0xc0: {  	_ =	task [dreg:s22], $0x5FFFF  }
0xc1: {  	[dreg:$0x1] =	wrdreg $0xFFFFFFFF  }
0xc2: {  	[dreg:$0x0] =	wrdreg $0x60  }
0xc3: {  	[dreg:$0x2] =	wrdreg s24  }
0xc4: {  	[dreg:$0x3] =	wrdreg s4  }
0xc5: {  	[dreg:$0x4] =	wrdreg s18  }
0xc6: {  	[dreg:$0x5] =	wrdreg s17  }
0xc7: {  	[dreg:$0x6] =	wrdreg $0xA8000  }
0xc8: {  	[dreg:$0x7] =	wrdreg $0x9  }
0xc9: {  	_ =	task.clear_ibuf [dreg:s22], $0x8FFFF;
	_ =	strace $0x9000004C  }
0xca: {  	s29 =	simm.s32 $0x9;
	_ =	strace $0x8000004E  }
0xcb: {  	_ =	swait.ge [sflag:s29], $0x1  }
0xcc: {  	[sflag:s29] =	ssyncadd.s32 $0xFFFFFFFF  }
0xcd: {  	_ =	strace $0x9000004E  }
0xce: {  	_ =	sfence  }
0xcf: {  	s30 =	sld [smem:$0x0];
	_ =	sdelay $0x2  }
0xd0: {  	s31 =	sshll.u32 s1, $0xD;
	s1 =	sshrl.u32 s1, $0x2  }
0xd1: {  	s4 =	sand.u32 $0x4000, s31;
	s1 =	sadd.s32 s1, s30  }
0xd2: {  	s0 =	sor.u32 s4, s0;
	s1 =	sshll.u32 s1, $0x11  }
0xd3: {  	s0 =	sor.u32 s1, s0  }
0xd4: {  	s0 =	sadd.s32 $0x8F2B, s0  }
0xd5: {  	[sflag:s0] =	ssyncadd.remote.s32 $0x1  }
0xd6: {  	_ =	sfence.sel $0xFFFF  }
0xd7: {  	[dreg:$0x0] =	wrdreg $0xFFFFFFFF;
	(pc) =	sbr.abs _section_cstart, $3  }
0xd8: {  	[dreg:$0x1] =	wrdreg $0xFFFFFFFF  }
0xd9: {  	_ =	task.clear_ibuf [dreg:s22], $0x2FFFF;
	_ =	strace $0x9FFFFFFF  }
0xda: {  	(tm) =	ssettm $0x7FFFFFFF  }
0xdb: {  	_ =	shalt  }
tec
execute0_lowered:
.L_overlay_start_1:
0x0: {  	(tag) =	ssettag $0x1  }
0x1: {  	s6 =	rddreg [dreg:$0x0]  }
0x2: {  	s8 =	rddreg [dreg:$0x1]  }
0x3: {  	s1 =	rddreg [dreg:$0x2];
	s2 =	srdreg.scid  }
0x4: {  	s0 =	stileid.u32;
	s9 =	rddreg [dreg:$0x3]  }
0x5: {  	s3 =	rddreg [dreg:$0x4];
	s4 =	simm.s32 $0x0;
	s16 =	simm.s32 $0x6800  }
0x6: {  	s17 =	simm.s32 $0x1;
	s18 =	simm.s32 $0x2;
	s19 =	simm.s32 $0x1380  }
0x7: {  	s20 =	simm.s32 $0x2700;
	s21 =	simm.s32 $0x2780;
	s22 =	simm.s32 $0x0  }
0x8: {  	s5 =	sand.u32 $0x1, s2;
	s2 =	rddreg [dreg:$0x5];
	s28 =	smul.u32 $0x50000, s0  }
0x9: {  	s26 =	sshll.u32 s0, $0x1;
	[smem:$0x7FF] =	sst s4;
	s14 =	smul.u32 $0x14000, s0  }
0xa: {  	s31 =	sshll.u32 s0, $0x6;
	s7 =	sor.u32 s5, s26;
	_ =	strace $0x8000004D  }
0xb: {  	s11 =	ssub.s32 $0x2, s5;
	s12 =	smul.u32 $0x140000, s5;
	s5 =	sadd.s32 $0x41400, s6  }
0xc: {  	s10 =	smul.u32 $0x280, s7;
	s13 =	sshrl.u32 s11, $0x1;
	s29 =	sshrl.u32 s28, $0x2  }
0xd: {  	s11 =	ssub.s32 s11, s13;
	s30 =	sadd.s32 s29, s3;
	s12 =	sadd.s32 s14, s12  }
0xe: {  	s13 =	simm.s32 $0x1400;
	s14 =	simm.s32 $0x80;
	s15 =	sadd.s32 s10, s6  }
0xf: {  	s6 =	sor.u32 $0x1C03, s31;
	s12 =	sshrl.u32 s12, $0x3;
	s8 =	sadd.s32 s8, s10  }
0x10: {  	s10 =	smax.u32 s11, $0x1;
	s11 =	sshrl.u32 s30, $0x3;
	s7 =	sadd.s32 $0x15200, s15  }
0x11: {  	s9 =	sadd.s32 s9, s12;
	s12 =	simm.s32 $0x3;
	s15 =	simm.s32 $0x2800  }
.LBB2_1:
0x12: {  	[spmem:s11], [sflag:s6] =	dma.local [hbm:s1], $0x2800  }
0x13: {  	_ =	swait.ge [sflag:s12], $0x2800  }
0x14: {  	[sflag:s12] =	ssyncset.done $0x0  }
0x15: {  	[sflag:s12] =	ssyncadd.s32 $0xFFFFD800  }
0x16: {  	[tilespmem:s4], [sflag:$0x3] =	stream.linear.gather [hbm4b:s7+s4], $0x1400, $0x38;
	[tilespmem:$0x1E800] =	vst v63  }
0x17: {  	_ =	swait.ge [sflag:s12], $0x1400  }
0x18: {  	[sflag:s12] =	ssyncset.done $0x0  }
0x19: {  	[sflag:s12] =	ssyncadd.s32 $0xFFFFEC00  }
0x1a: {  	[tilespmem:s13], [sflag:$0x3] =	stream.linear.gather [hbm4b:s8+s4], $0x1400, $0x38;
	[tilespmem:$0x1E800] =	vst v63  }
0x1b: {  	_ =	swait.ge [sflag:s12], $0x1400  }
0x1c: {  	[sflag:s12] =	ssyncset.done $0x0  }
0x1d: {  	[sflag:s12] =	ssyncadd.s32 $0xFFFFEC00  }
0x1e: {  	[bflag:$0x0] =	sbarrier.arrive $0xFFFF  }
0x1f: {  	[tilespmem:s15], [sflag:$0x1] =	stream.indirect.gather [hbm4b:s5+s14], $0x80, s4, s14, $0xb8;
	[tilespmem:$0x1E800] =	vst v63  }
0x20: {  	s23 =	simm.s32 $0x80  }
0x21: {  	[tilespmem:s16], [sflag:$0x2] =	stream.indirect.gather [hbm4b:s5+s14], $0x80, s23, s14, $0xb8;
	[tilespmem:$0x1E800] =	vst v63  }
0x22: {  	_ =	swait.ge [sflag:s17], $0x4000  }
0x23: {  	[sflag:s17] =	ssyncset.done $0x0  }
0x24: {  	s29 =	simm.s32 $0x1400;
	[sflag:s17] =	ssyncadd.s32 $0xFFFFC000  }
0x25: {  	[spmem:s3] =	stream.indirect.scatter.add.f32 [tilespmem:s15], [sflag:$0x3], $0x80, s29, s14, $0xb8;
	[tilespmem:$0x1E800] =	vst v63  }
0x26: {  	_ =	swait.ge [sflag:s12], $0x4000  }
0x27: {  	[sflag:s12] =	ssyncset.done $0x0  }
0x28: {  	s30 =	simm.s32 $0x100;
	[sflag:s12] =	ssyncadd.s32 $0xFFFFC000  }
0x29: {  	[tilespmem:s15], [sflag:$0x1] =	stream.indirect.gather [hbm4b:s5+s14], $0x80, s30, s14, $0xb8;
	[tilespmem:$0x1E800] =	vst v63  }
0x2a: {  	_ =	swait.ge [sflag:s18], $0x4000  }
0x2b: {  	[sflag:s18] =	ssyncset.done $0x0  }
0x2c: {  	s31 =	simm.s32 $0x1480;
	[sflag:s18] =	ssyncadd.s32 $0xFFFFC000  }
0x2d: {  	[spmem:s3] =	stream.indirect.scatter.add.f32 [tilespmem:s16], [sflag:$0x3], $0x80, s31, s14, $0xb8;
	[tilespmem:$0x1E800] =	vst v63  }
0x2e: {  	_ =	swait.ge [sflag:s12], $0x4000  }
0x2f: {  	s24 =	simm.s32 $0x800;
	s23 =	simm.s32 $0x100;
	[sflag:s12] =	ssyncset.done $0x0  }
.LBB2_2:
0x30: {  	s25 =	sadd.s32 $0x80, s23  }
0x31: {  	[sflag:s12] =	ssyncadd.s32 $0xFFFFC000;
	s26 =	smov.u32 s24;
	s28 =	sadd.s32 $0x400, s24  }
0x32: {  	[tilespmem:s16], [sflag:$0x2] =	stream.indirect.gather [hbm4b:s5+s14], $0x80, s25, s14, $0xb8;
	[tilespmem:$0x1E800] =	vst v63  }
0x33: {  	p0 =	sne.s32 s24, $0x4800;
	_ =	swait.ge [sflag:s17], $0x4000  }
0x34: {  	[sflag:s17] =	ssyncset.done $0x0  }
0x35: {  	s24 =	sadd.s32 $0x1400, s23;
	[sflag:s17] =	ssyncadd.s32 $0xFFFFC000  }
0x36: {  	[spmem:s3] =	stream.indirect.scatter.add.f32 [tilespmem:s15], [sflag:$0x3], $0x80, s24, s14, $0xb8;
	[tilespmem:$0x1E800] =	vst v63  }
0x37: {  	_ =	swait.ge [sflag:s12], $0x4000  }
0x38: {  	[sflag:s12] =	ssyncset.done $0x0  }
0x39: {  	s24 =	sadd.s32 $0x100, s23;
	[sflag:s12] =	ssyncadd.s32 $0xFFFFC000  }
0x3a: {  	[tilespmem:s15], [sflag:$0x1] =	stream.indirect.gather [hbm4b:s5+s14], $0x80, s24, s14, $0xb8;
	[tilespmem:$0x1E800] =	vst v63  }
0x3b: {  	_ =	swait.ge [sflag:s18], $0x4000  }
.Ltmp0:
0x3c: {  	[sflag:s18] =	ssyncset.done $0x0;
	(pc) =	sbr.rel @p0 .LBB2_2-.Ltmp0, $4  }
0x3d: {  	s23 =	sadd.s32 $0x1480, s23;
	[sflag:s18] =	ssyncadd.s32 $0xFFFFC000  }
0x3e: {  	[spmem:s3] =	stream.indirect.scatter.add.f32 [tilespmem:s16], [sflag:$0x3], $0x80, s23, s14, $0xb8;
	[tilespmem:$0x1E800] =	vst v63  }
0x3f: {  	_ =	swait.ge [sflag:s12], $0x4000  }
0x40: {  	s24 =	smov.u32 s28;
	s23 =	sshra.s32 s26, $0x2;
	[sflag:s12] =	ssyncset.done $0x0  }
0x41: {  	s24 =	sadd.s32 $0x80, s23;
	[sflag:s12] =	ssyncadd.s32 $0xFFFFC000  }
0x42: {  	[tilespmem:s16], [sflag:$0x2] =	stream.indirect.gather [hbm4b:s5+s14], $0x80, s24, s14, $0xb8;
	[tilespmem:$0x1E800] =	vst v63  }
0x43: {  	_ =	swait.ge [sflag:s17], $0x4000  }
0x44: {  	[sflag:s17] =	ssyncset.done $0x0  }
0x45: {  	s29 =	sadd.s32 $0x1400, s23;
	[sflag:s17] =	ssyncadd.s32 $0xFFFFC000  }
0x46: {  	[spmem:s3] =	stream.indirect.scatter.add.f32 [tilespmem:s15], [sflag:$0x3], $0x80, s29, s14, $0xb8;
	[tilespmem:$0x1E800] =	vst v63  }
0x47: {  	_ =	swait.ge [sflag:s12], $0x4000  }
0x48: {  	[sflag:s12] =	ssyncset.done $0x0  }
0x49: {  	s30 =	sadd.s32 $0x100, s23;
	[sflag:s12] =	ssyncadd.s32 $0xFFFFC000  }
0x4a: {  	[tilespmem:s15], [sflag:$0x1] =	stream.indirect.gather [hbm4b:s5+s14], $0x80, s30, s14, $0xb8;
	[tilespmem:$0x1E800] =	vst v63  }
0x4b: {  	_ =	swait.ge [sflag:s18], $0x4000  }
0x4c: {  	[sflag:s18] =	ssyncset.done $0x0  }
0x4d: {  	s31 =	sadd.s32 $0x1480, s23;
	[sflag:s18] =	ssyncadd.s32 $0xFFFFC000  }
0x4e: {  	[spmem:s3] =	stream.indirect.scatter.add.f32 [tilespmem:s16], [sflag:$0x3], $0x80, s31, s14, $0xb8;
	[tilespmem:$0x1E800] =	vst v63  }
0x4f: {  	_ =	swait.ge [sflag:s12], $0x4000  }
0x50: {  	[sflag:s12] =	ssyncset.done $0x0  }
0x51: {  	[sflag:s12] =	ssyncadd.s32 $0xFFFFC000  }
0x52: {  	[tilespmem:s16], [sflag:$0x2] =	stream.indirect.gather [hbm4b:s5+s14], $0x80, s19, s14, $0xb8;
	[tilespmem:$0x1E800] =	vst v63  }
0x53: {  	_ =	swait.ge [sflag:s17], $0x4000  }
0x54: {  	[sflag:s17] =	ssyncset.done $0x0  }
0x55: {  	[sflag:s17] =	ssyncadd.s32 $0xFFFFC000  }
0x56: {  	[spmem:s3] =	stream.indirect.scatter.add.f32 [tilespmem:s15], [sflag:$0x3], $0x80, s20, s14, $0xb8;
	[tilespmem:$0x1E800] =	vst v63  }
0x57: {  	_ =	swait.ge [sflag:s12], $0x4000  }
0x58: {  	[sflag:s12] =	ssyncset.done $0x0  }
0x59: {  	[sflag:s12] =	ssyncadd.s32 $0xFFFFC000  }
0x5a: {  	_ =	swait.ge [sflag:s18], $0x4000  }
0x5b: {  	[sflag:s18] =	ssyncset.done $0x0  }
0x5c: {  	[sflag:s18] =	ssyncadd.s32 $0xFFFFC000  }
0x5d: {  	[spmem:s3] =	stream.indirect.scatter.add.f32 [tilespmem:s16], [sflag:$0x3], $0x80, s21, s14, $0xb8;
	[tilespmem:$0x1E800] =	vst v63  }
0x5e: {  	_ =	swait.ge [sflag:s12], $0x4000  }
0x5f: {  	s22 =	sadd.s32 $0x1, s22;
	[sflag:s12] =	ssyncset.done $0x0  }
0x60: {  	p0 =	sne.s32 s22, s10;
	[sflag:s12] =	ssyncadd.s32 $0xFFFFC000  }
.Ltmp1:
0x61: {  	[bflag:$0x0] =	sbarrier.arrive $0xFFFF;
	(pc) =	sbr.rel @p0 .LBB2_1-.Ltmp1, $4  }
0x62: {  	[hbm:s9], [sflag:s6] =	dma.local [spmem:s11], $0x2800  }
0x63: {  	_ =	swait.ge [sflag:s12], $0x2800  }
0x64: {  	[sflag:s12] =	ssyncset.done $0x0  }
0x65: {  	[sflag:s12] =	ssyncadd.s32 $0xFFFFD800  }
0x66: {  	_ =	sfence.sel $0x180000  }
0x67: {  	[bflag:$0x0] =	sbarrier.arrive $0xFFFF  }
0x68: {  	p0 =	sne.s32 s0, $0x0;
	_ =	strace $0x9000004D  }
0x69: {  	s0 =	sadd.s32 @!p0 $0x100000, s2;
	[bflag:$0x2] =	sbarrier.arrive $0xFFFF  }
0x6a: {  	[sflag:s0] =	ssyncadd.tile.s32 @!p0 $0x1;
	_ =	shalt  }
.Lfunc_end2:
_tile_overlayer_lowered:
.L_overlay_start_2:
0x6b: {  	(tag) =	ssettag $0x2  }
0x6c: {  	s0 =	rddreg [dreg:$0x0];
	s2 =	stileid.u32  }
0x6d: {  	s1 =	rddreg [dreg:$0x1];
	p0 =	sne.s32 s2, $0x0  }
0x6e: {  	s3 =	rddreg [dreg:$0x2];
	[bflag:$0x3] =	sbarrier.arrive $0xFFFF;
	s2 =	simm.s32 @!p0 $0x1C03  }
0x6f: {  	[timem:s3], [sflag:s2] =	dma.local @!p0 [hbm:s0], s1  }
0x70: {  	s0 =	simm.s32 @!p0 $0x3  }
0x71: {  	_ =	swait.ge @!p0 [sflag:s0], s1  }
0x72: {  	s1 =	ssub.s32 @!p0 $0x0, s1;
	[sflag:s0] =	ssyncset.done @!p0 $0x0  }
0x73: {  	[sflag:s0] =	ssyncadd.s32 @!p0 s1  }
0x74: {  	[bflag:$0x3] =	sbarrier.arrive $0xFFFF  }
0x75: {  	_ =	shalt  }

// kernel: kernel.19.cloned.1.call-start
scs
__scs_entry_jumppad:
0x0: {  	(pc) =	sbr.rel $0x88, $3  }
0x1: {  	(tag) =	ssettag $0x0;
	lr =	simm.s32 $0x1  }
0x2: {  	[smem:$0x3F84] =	sst lr;
	_ =	strace $0xD0000000  }
0x3: {  	_ = 	snop  }
0x4: {  	_ = 	snop  }
0x5: {  	_ = 	snop  }
0x6: {  	_ = 	snop  }
0x7: {  	_ = 	snop  }
__scs_overlays_trampoline_lowered:
0x8: {  	[smem:$0x3F93] =	sst s0  }
0x9: {  	[smem:$0x3F94] =	sst s1  }
0xa: {  	[smem:$0x3F95] =	sst s2  }
0xb: {  	[smem:$0x3F96] =	sst s3  }
0xc: {  	[smem:$0x3F97] =	sst s4  }
0xd: {  	[smem:$0x3F98] =	sst s5  }
0xe: {  	[smem:$0x3F99] =	sst s6  }
0xf: {  	[smem:$0x3F9A] =	sst s7  }
0x10: {  	[smem:$0x3F9B] =	sst s8  }
0x11: {  	[smem:$0x3F9C] =	sst s9;
	s0 =	simm.s32 @!p0 $0x0  }
0x12: {  	s1 =	sld [smem:$0x3F82];
	s0 =	simm.s32 @p0 $0x1  }
0x13: {  	[smem:$0x3F9D] =	sst s0;
	s0 =	simm.s32 @!p1 $0x0  }
0x14: {  	s2 =	sld [smem:$0x3F81];
	s0 =	simm.s32 @p1 $0x1  }
0x15: {  	[smem:$0x3F9E] =	sst s0;
	s0 =	simm.s32 @!p2 $0x0  }
0x16: {  	s3 =	sld [smem:$0x3FDB];
	s0 =	simm.s32 @p2 $0x1  }
0x17: {  	s4 =	simm.s32 $0x1BF5;
	[smem:$0x3FA0] =	sst s0  }
0x18: {  	s0 =	sld [smem:$0x3F83];
	_ =	swait.ge [sflag:s4], $0x0  }
0x19: {  	s7 =	sld [smem:$0x3F84]  }
0x1a: {  	s8 =	sadd.s32 $0xFFFFE003, lr  }
0x1b: {  	s9 =	sadd.s32 $0xFFFFFEF7, lr;
	s5 =	simm.s32 $0xFFFFFFFF;
	p2 =	slt.u32 s8, $0xFFFFF086  }
0x1c: {  	p1 =	slt.u32 s9, $0xF7A;
	s5 =	simm.s32 @!p2 $0x0  }
0x1d: {  	s5 =	simm.s32 @p1 $0x1;
	p0 =	seq.s32 s7, s2  }
0x1e: {  	s7 =	smul.u32 @!p0 $0xF7A, s2;
	p2 =	seq.s32 @!p0 s5, $0x0  }
0x1f: {  	s9 =	smul.u32 $0xF7A, s1;
	s8 =	simm.s32 @!p0 $0x1BF5;
	p2 =	por !p2, p0  }
0x20: {  	[sflag:s8] =	ssyncset.s32 @!p0 $0xFFFFF086;
	s6 =	sadd.s32 @!p0 s3, s7;
	s7 =	simm.s32 @!p0 $0x108  }
0x21: {  	s3 =	sadd.s32 s3, s9;
	s6 =	sadd.s32 @!p0 $0x88, s6;
	s7 =	simm.s32 @p2 $0x1082  }
0x22: {  	[simem:s7], [sflag:s8] =	dma.local @!p0 [hbm:s6], $0xF7A  }
0x23: {  	s9 =	sor.u32 $0xD0000000, s2;
	s6 =	simm.s32 $0x108;
	_ =	swait.ge @!p0 [sflag:s8], $0x0  }
0x24: {  	s3 =	sadd.s32 $0x88, s3;
	s6 =	simm.s32 @!p1 $0x1082;
	[sflag:s4] =	ssyncset.s32 $0xFFFFF086  }
0x25: {  	[simem:s6], [sflag:s4] =	dma.local [hbm:s3], $0xF7A  }
0x26: {  	[smem:$0x3F84] =	sst s1;
	(tag) =	ssettag s2;
	_ =	strace s9  }
0x27: {  	s1 =	sld [smem:$0x3F94]  }
0x28: {  	s2 =	sld [smem:$0x3F95]  }
0x29: {  	s4 =	sld [smem:$0x3F97]  }
0x2a: {  	p0 =	seq.s32 s5, $0x0;
	s5 =	sld [smem:$0x3F98]  }
0x2b: {  	s6 =	sld [smem:$0x3F99]  }
0x2c: {  	s7 =	sld [smem:$0x3F9A]  }
0x2d: {  	s3 =	simm.s32 $0x108;
	s8 =	sld [smem:$0x3F9B]  }
0x2e: {  	s3 =	simm.s32 @!p0 $0x1082;
	s9 =	sld [smem:$0x3F9C]  }
0x2f: {  	lr =	sadd.s32 s0, s3;
	s0 =	sld [smem:$0x3F93]  }
0x30: {  	s3 =	sld [smem:$0x3F96]  }
0x31: {  	[smem:$0x3F9F] =	sst s10  }
0x32: {  	s10 =	sld [smem:$0x3F9D];
	_ =	sdelay $0x3  }
0x33: {  	p0 =	seq.s32 s10, $0x1;
	s10 =	sld [smem:$0x3F9F];
	_ =	sdelay $0x3  }
0x34: {  	[smem:$0x3F9F] =	sst s10  }
0x35: {  	s10 =	sld [smem:$0x3F9E];
	_ =	sdelay $0x3  }
0x36: {  	p1 =	seq.s32 s10, $0x1;
	s10 =	sld [smem:$0x3F9F];
	_ =	sdelay $0x3  }
0x37: {  	[smem:$0x3F9F] =	sst s10  }
0x38: {  	s10 =	sld [smem:$0x3FA0]  }
0x39: {  	_ = 	snop;
	(pc) =	sbr.ind lr, $3  }
0x3a: {  	_ = 	snop  }
0x3b: {  	_ = 	snop  }
0x3c: {  	p2 =	seq.s32 s10, $0x1;
	s10 =	sld [smem:$0x3F9F]  }
0x3d: {  	_ =	shalt  }
0x3e: {  	_ =	shalt  }
0x3f: {  	_ =	shalt  }
0x40: {  	_ =	shalt  }
0x41: {  	_ =	shalt  }
0x42: {  	_ =	shalt  }
0x43: {  	_ =	shalt  }
0x44: {  	_ =	shalt  }
0x45: {  	_ =	shalt  }
0x46: {  	_ =	shalt  }
0x47: {  	_ =	shalt  }
0x48: {  	_ =	shalt  }
0x49: {  	_ =	shalt  }
0x4a: {  	_ =	shalt  }
0x4b: {  	_ =	shalt  }
0x4c: {  	_ =	shalt  }
0x4d: {  	_ =	shalt  }
0x4e: {  	_ =	shalt  }
0x4f: {  	_ =	shalt  }
0x50: {  	_ =	shalt  }
0x51: {  	_ =	shalt  }
0x52: {  	_ =	shalt  }
0x53: {  	_ =	shalt  }
0x54: {  	_ =	shalt  }
0x55: {  	_ =	shalt  }
0x56: {  	_ =	shalt  }
0x57: {  	_ =	shalt  }
0x58: {  	_ =	shalt  }
0x59: {  	_ =	shalt  }
0x5a: {  	_ =	shalt  }
0x5b: {  	_ =	shalt  }
0x5c: {  	_ =	shalt  }
0x5d: {  	_ =	shalt  }
0x5e: {  	_ =	shalt  }
0x5f: {  	_ =	shalt  }
0x60: {  	_ =	shalt  }
0x61: {  	_ =	shalt  }
0x62: {  	_ =	shalt  }
0x63: {  	_ =	shalt  }
0x64: {  	_ =	shalt  }
0x65: {  	_ =	shalt  }
0x66: {  	_ =	shalt  }
0x67: {  	_ =	shalt  }
0x68: {  	_ =	shalt  }
0x69: {  	_ =	shalt  }
0x6a: {  	_ =	shalt  }
0x6b: {  	_ =	shalt  }
0x6c: {  	_ =	shalt  }
0x6d: {  	_ =	shalt  }
0x6e: {  	_ =	shalt  }
0x6f: {  	_ =	shalt  }
0x70: {  	_ =	shalt  }
0x71: {  	_ =	shalt  }
0x72: {  	_ =	shalt  }
0x73: {  	_ =	shalt  }
0x74: {  	_ =	shalt  }
0x75: {  	_ =	shalt  }
0x76: {  	_ =	shalt  }
0x77: {  	_ =	shalt  }
0x78: {  	_ =	shalt  }
0x79: {  	_ =	shalt  }
0x7a: {  	_ =	shalt  }
0x7b: {  	_ =	shalt  }
0x7c: {  	_ =	shalt  }
0x7d: {  	_ =	shalt  }
0x7e: {  	_ =	shalt  }
0x7f: {  	_ =	shalt  }
0x80: {  	_ =	shalt  }
0x81: {  	_ =	shalt  }
0x82: {  	_ =	shalt  }
0x83: {  	_ =	shalt  }
0x84: {  	_ =	shalt  }
0x85: {  	_ =	shalt  }
0x86: {  	_ =	shalt  }
0x87: {  	_ =	shalt  }
.Lfunc_end0:
.L_simem_size_0:
called_computation.2_lowered:
.L_overlay_start_0:
0x88: {  	s2 =	sld [smem:$0x3FD9]  }
0x89: {  	s3 =	sld [smem:$0x3FFE];
	_ =	sdelay $0x1  }
0x8a: {  	s1 =	srdreg.scid  }
0x8b: {  	s0 =	sand.u32 $0x1, s1  }
0x8c: {  	s14 =	sshll.u32 s0, $0xA;
	s2 =	sadd.s32 s3, s2  }
0x8d: {  	s2 =	sadd.s32 s2, s14  }
0x8e: {  	[smem:$0x3FAB] =	sst s2  }
0x8f: {  	_ = 	snop  }
0x90: {  	s2 =	sld [smem:$0x3FD0];
	_ =	sdelay $0x2  }
0x91: {  	s15 =	simm.s32 $0xB;
	s4 =	simm.s32 $0x10  }
0x92: {  	[smem:s4], [sflag:s15] =	dma.local [hbm:s2], $0x1  }
0x93: {  	_ =	swait.eq [sflag:s15], $0x1  }
0x94: {  	s16 =	sld [smem:$0x12];
	[sflag:s15] =	ssyncset.done $0x0  }
0x95: {  	s17 =	sld [smem:$0x13];
	[sflag:s15] =	ssyncadd.s32 $0xFFFFFFFF  }
0x96: {  	s18 =	sld [smem:$0x16];
	(tm) =	ssettm $0x1  }
0x97: {  	s5 =	sld [smem:$0x3FFB];
	_ =	sdelay $0x3  }
0x98: {  	_ =	strace s5  }
0x99: {  	s5 =	sld [smem:$0x3FFC];
	_ =	sdelay $0x3  }
0x9a: {  	_ =	strace s5  }
0x9b: {  	s5 =	sld [smem:$0x3FFD];
	_ =	sdelay $0x3  }
0x9c: {  	_ =	strace s5  }
0x9d: {  	_ =	strace $0x8FFFFFFF  }
0x9e: {  	s19 =	sld [smem:$0x3FDB];
	_ =	sdelay $0x1  }
0x9f: {  	s6 =	simm.s32 $_scs_section_size  }
0xa0: {  	s7 =	simm.s32 $_size__tile_overlayer_lowered;
	s8 =	simm.s32 $_tile_overlayer_lowered  }
0xa1: {  	s22 =	simm.s32 $0x1BFF;
	s21 =	sshll.u32 s8, $0x1;
	s5 =	sadd.s32 s6, s19  }
0xa2: {  	s9 =	simm.s32 $0x0;
	s20 =	sshll.u32 s7, $0x1;
	s7 =	sadd.s32 s21, s5  }
0xa3: {  	[timem:s9], [sflag:s22] =	dma.local [hbm:s7], s20  }
0xa4: {  	_ =	swait.ge [sflag:s22], s20  }
0xa5: {  	s6 =	ssub.s32 $0x0, s20;
	[sflag:s22] =	ssyncset.done $0x0  }
0xa6: {  	[sflag:s22] =	ssyncadd.s32 s6;
	_ =	sdelay $0x1  }
0xa7: {  	s23 =	simm.s32 $0x1B8B  }
0xa8: {  	_ =	swait.ge [sflag:s23], $0x1  }
0xa9: {  	[sflag:s23] =	ssyncset.done $0x0  }
0xaa: {  	s25 =	simm.s32 $0x1B8E;
	s24 =	sld [smem:$0x3FFE];
	[sflag:s23] =	ssyncadd.s32 $0xFFFFFFFF  }
0xab: {  	s26 =	simm.s32 $execute0_lowered;
	[smem:$0x3FD2] =	sst s25  }
0xac: {  	s7 =	sshll.u32 s26, $0x1;
	_ =	strace $0x80000049;
	[dreg:$0x1] =	wrdreg $0xFFFFFFFF  }
0xad: {  	s28 =	simm.s32 $_size_execute0_lowered;
	s5 =	sadd.s32 s5, s7;
	[dreg:$0x0] =	wrdreg $0x0  }
0xae: {  	s7 =	sshll.u32 s28, $0x1;
	[dreg:$0x2] =	wrdreg s5  }
0xaf: {  	[dreg:$0x3] =	wrdreg s7  }
0xb0: {  	[dreg:$0x4] =	wrdreg $0xC0  }
0xb1: {  	_ =	task [dreg:s9], $0x5FFFF  }
0xb2: {  	[dreg:$0x1] =	wrdreg $0xFFFFFFFF  }
0xb3: {  	[dreg:$0x0] =	wrdreg $0x60  }
0xb4: {  	[dreg:$0x2] =	wrdreg s24  }
0xb5: {  	[dreg:$0x3] =	wrdreg s16  }
0xb6: {  	[dreg:$0x4] =	wrdreg s18  }
0xb7: {  	[dreg:$0x5] =	wrdreg s17  }
0xb8: {  	[dreg:$0x6] =	wrdreg $0xA8000  }
0xb9: {  	[dreg:$0x7] =	wrdreg $0xA  }
0xba: {  	_ =	task.clear_ibuf [dreg:s9], $0x8FFFF;
	_ =	strace $0x90000049  }
0xbb: {  	s29 =	simm.s32 $0xA;
	_ =	strace $0x8000004B  }
0xbc: {  	_ =	swait.ge [sflag:s29], $0x1  }
0xbd: {  	[sflag:s29] =	ssyncadd.s32 $0xFFFFFFFF  }
0xbe: {  	_ =	strace $0x9000004B  }
0xbf: {  	_ =	sfence  }
0xc0: {  	s30 =	sld [smem:$0x0];
	_ =	sdelay $0x2  }
0xc1: {  	s31 =	sshll.u32 s1, $0xD;
	s1 =	sshrl.u32 s1, $0x2  }
0xc2: {  	s3 =	sand.u32 $0x4000, s31;
	s1 =	sadd.s32 s1, s30  }
0xc3: {  	s0 =	sor.u32 s3, s0;
	s1 =	sshll.u32 s1, $0x11  }
0xc4: {  	s0 =	sor.u32 s1, s0  }
0xc5: {  	s0 =	sadd.s32 $0x8F2B, s0  }
0xc6: {  	[sflag:s0] =	ssyncadd.remote.s32 $0x1  }
0xc7: {  	_ =	sfence.sel $0xFFFF  }
0xc8: {  	[dreg:$0x0] =	wrdreg $0xFFFFFFFF;
	(pc) =	sbr.abs _section_cstart, $3  }
0xc9: {  	[dreg:$0x1] =	wrdreg $0xFFFFFFFF  }
0xca: {  	_ =	task.clear_ibuf [dreg:s9], $0x2FFFF;
	_ =	strace $0x9FFFFFFF  }
0xcb: {  	(tm) =	ssettm $0x7FFFFFFF  }
tec
execute0_lowered:
.L_overlay_start_1:
0x0: {  	(tag) =	ssettag $0x1  }
0x1: {  	s6 =	rddreg [dreg:$0x0]  }
0x2: {  	s8 =	rddreg [dreg:$0x1]  }
0x3: {  	s1 =	rddreg [dreg:$0x2];
	s2 =	srdreg.scid  }
0x4: {  	s0 =	stileid.u32;
	s9 =	rddreg [dreg:$0x3]  }
0x5: {  	s3 =	rddreg [dreg:$0x4];
	s4 =	simm.s32 $0x0;
	s16 =	simm.s32 $0x6800  }
0x6: {  	s17 =	simm.s32 $0x1;
	s18 =	simm.s32 $0x2;
	s19 =	simm.s32 $0x1380  }
0x7: {  	s20 =	simm.s32 $0x2700;
	s21 =	simm.s32 $0x2780;
	s22 =	simm.s32 $0x0  }
0x8: {  	s5 =	sand.u32 $0x1, s2;
	s2 =	rddreg [dreg:$0x5];
	s28 =	smul.u32 $0x50000, s0  }
0x9: {  	s26 =	sshll.u32 s0, $0x1;
	[smem:$0x7FF] =	sst s4;
	s14 =	smul.u32 $0x14000, s0  }
0xa: {  	s31 =	sshll.u32 s0, $0x6;
	s7 =	sor.u32 s5, s26;
	_ =	strace $0x8000004A  }
0xb: {  	s11 =	ssub.s32 $0x2, s5;
	s12 =	smul.u32 $0x140000, s5;
	s5 =	sadd.s32 $0x1A200, s6  }
0xc: {  	s10 =	smul.u32 $0x280, s7;
	s13 =	sshrl.u32 s11, $0x1;
	s29 =	sshrl.u32 s28, $0x2  }
0xd: {  	s11 =	ssub.s32 s11, s13;
	s30 =	sadd.s32 s29, s3;
	s12 =	sadd.s32 s14, s12  }
0xe: {  	s13 =	simm.s32 $0x1400;
	s14 =	simm.s32 $0x80;
	s15 =	sadd.s32 s10, s6  }
0xf: {  	s6 =	sor.u32 $0x1C03, s31;
	s12 =	sshrl.u32 s12, $0x3;
	s8 =	sadd.s32 s8, s10  }
0x10: {  	s10 =	smax.u32 s11, $0x1;
	s11 =	sshrl.u32 s30, $0x3;
	s7 =	sadd.s32 $0x15200, s15  }
0x11: {  	s9 =	sadd.s32 s9, s12;
	s12 =	simm.s32 $0x3;
	s15 =	simm.s32 $0x2800  }
.LBB2_1:
0x12: {  	[spmem:s11], [sflag:s6] =	dma.local [hbm:s1], $0x2800  }
0x13: {  	_ =	swait.ge [sflag:s12], $0x2800  }
0x14: {  	[sflag:s12] =	ssyncset.done $0x0  }
0x15: {  	[sflag:s12] =	ssyncadd.s32 $0xFFFFD800  }
0x16: {  	[tilespmem:s4], [sflag:$0x3] =	stream.linear.gather [hbm4b:s7+s4], $0x1400, $0x38;
	[tilespmem:$0x1E800] =	vst v63  }
0x17: {  	_ =	swait.ge [sflag:s12], $0x1400  }
0x18: {  	[sflag:s12] =	ssyncset.done $0x0  }
0x19: {  	[sflag:s12] =	ssyncadd.s32 $0xFFFFEC00  }
0x1a: {  	[tilespmem:s13], [sflag:$0x3] =	stream.linear.gather [hbm4b:s8+s4], $0x1400, $0x38;
	[tilespmem:$0x1E800] =	vst v63  }
0x1b: {  	_ =	swait.ge [sflag:s12], $0x1400  }
0x1c: {  	[sflag:s12] =	ssyncset.done $0x0  }
0x1d: {  	[sflag:s12] =	ssyncadd.s32 $0xFFFFEC00  }
0x1e: {  	[bflag:$0x0] =	sbarrier.arrive $0xFFFF  }
0x1f: {  	[tilespmem:s15], [sflag:$0x1] =	stream.indirect.gather [hbm4b:s5+s14], $0x80, s4, s14, $0xb8;
	[tilespmem:$0x1E800] =	vst v63  }
0x20: {  	s23 =	simm.s32 $0x80  }
0x21: {  	[tilespmem:s16], [sflag:$0x2] =	stream.indirect.gather [hbm4b:s5+s14], $0x80, s23, s14, $0xb8;
	[tilespmem:$0x1E800] =	vst v63  }
0x22: {  	_ =	swait.ge [sflag:s17], $0x4000  }
0x23: {  	[sflag:s17] =	ssyncset.done $0x0  }
0x24: {  	s29 =	simm.s32 $0x1400;
	[sflag:s17] =	ssyncadd.s32 $0xFFFFC000  }
0x25: {  	[spmem:s3] =	stream.indirect.scatter.add.f32 [tilespmem:s15], [sflag:$0x3], $0x80, s29, s14, $0xb8;
	[tilespmem:$0x1E800] =	vst v63  }
0x26: {  	_ =	swait.ge [sflag:s12], $0x4000  }
0x27: {  	[sflag:s12] =	ssyncset.done $0x0  }
0x28: {  	s30 =	simm.s32 $0x100;
	[sflag:s12] =	ssyncadd.s32 $0xFFFFC000  }
0x29: {  	[tilespmem:s15], [sflag:$0x1] =	stream.indirect.gather [hbm4b:s5+s14], $0x80, s30, s14, $0xb8;
	[tilespmem:$0x1E800] =	vst v63  }
0x2a: {  	_ =	swait.ge [sflag:s18], $0x4000  }
0x2b: {  	[sflag:s18] =	ssyncset.done $0x0  }
0x2c: {  	s31 =	simm.s32 $0x1480;
	[sflag:s18] =	ssyncadd.s32 $0xFFFFC000  }
0x2d: {  	[spmem:s3] =	stream.indirect.scatter.add.f32 [tilespmem:s16], [sflag:$0x3], $0x80, s31, s14, $0xb8;
	[tilespmem:$0x1E800] =	vst v63  }
0x2e: {  	_ =	swait.ge [sflag:s12], $0x4000  }
0x2f: {  	s24 =	simm.s32 $0x800;
	s23 =	simm.s32 $0x100;
	[sflag:s12] =	ssyncset.done $0x0  }
.LBB2_2:
0x30: {  	s25 =	sadd.s32 $0x80, s23  }
0x31: {  	[sflag:s12] =	ssyncadd.s32 $0xFFFFC000;
	s26 =	smov.u32 s24;
	s28 =	sadd.s32 $0x400, s24  }
0x32: {  	[tilespmem:s16], [sflag:$0x2] =	stream.indirect.gather [hbm4b:s5+s14], $0x80, s25, s14, $0xb8;
	[tilespmem:$0x1E800] =	vst v63  }
0x33: {  	p0 =	sne.s32 s24, $0x4800;
	_ =	swait.ge [sflag:s17], $0x4000  }
0x34: {  	[sflag:s17] =	ssyncset.done $0x0  }
0x35: {  	s24 =	sadd.s32 $0x1400, s23;
	[sflag:s17] =	ssyncadd.s32 $0xFFFFC000  }
0x36: {  	[spmem:s3] =	stream.indirect.scatter.add.f32 [tilespmem:s15], [sflag:$0x3], $0x80, s24, s14, $0xb8;
	[tilespmem:$0x1E800] =	vst v63  }
0x37: {  	_ =	swait.ge [sflag:s12], $0x4000  }
0x38: {  	[sflag:s12] =	ssyncset.done $0x0  }
0x39: {  	s24 =	sadd.s32 $0x100, s23;
	[sflag:s12] =	ssyncadd.s32 $0xFFFFC000  }
0x3a: {  	[tilespmem:s15], [sflag:$0x1] =	stream.indirect.gather [hbm4b:s5+s14], $0x80, s24, s14, $0xb8;
	[tilespmem:$0x1E800] =	vst v63  }
0x3b: {  	_ =	swait.ge [sflag:s18], $0x4000  }
.Ltmp0:
0x3c: {  	[sflag:s18] =	ssyncset.done $0x0;
	(pc) =	sbr.rel @p0 .LBB2_2-.Ltmp0, $4  }
0x3d: {  	s23 =	sadd.s32 $0x1480, s23;
	[sflag:s18] =	ssyncadd.s32 $0xFFFFC000  }
0x3e: {  	[spmem:s3] =	stream.indirect.scatter.add.f32 [tilespmem:s16], [sflag:$0x3], $0x80, s23, s14, $0xb8;
	[tilespmem:$0x1E800] =	vst v63  }
0x3f: {  	_ =	swait.ge [sflag:s12], $0x4000  }
0x40: {  	s24 =	smov.u32 s28;
	s23 =	sshra.s32 s26, $0x2;
	[sflag:s12] =	ssyncset.done $0x0  }
0x41: {  	s24 =	sadd.s32 $0x80, s23;
	[sflag:s12] =	ssyncadd.s32 $0xFFFFC000  }
0x42: {  	[tilespmem:s16], [sflag:$0x2] =	stream.indirect.gather [hbm4b:s5+s14], $0x80, s24, s14, $0xb8;
	[tilespmem:$0x1E800] =	vst v63  }
0x43: {  	_ =	swait.ge [sflag:s17], $0x4000  }
0x44: {  	[sflag:s17] =	ssyncset.done $0x0  }
0x45: {  	s29 =	sadd.s32 $0x1400, s23;
	[sflag:s17] =	ssyncadd.s32 $0xFFFFC000  }
0x46: {  	[spmem:s3] =	stream.indirect.scatter.add.f32 [tilespmem:s15], [sflag:$0x3], $0x80, s29, s14, $0xb8;
	[tilespmem:$0x1E800] =	vst v63  }
0x47: {  	_ =	swait.ge [sflag:s12], $0x4000  }
0x48: {  	[sflag:s12] =	ssyncset.done $0x0  }
0x49: {  	s30 =	sadd.s32 $0x100, s23;
	[sflag:s12] =	ssyncadd.s32 $0xFFFFC000  }
0x4a: {  	[tilespmem:s15], [sflag:$0x1] =	stream.indirect.gather [hbm4b:s5+s14], $0x80, s30, s14, $0xb8;
	[tilespmem:$0x1E800] =	vst v63  }
0x4b: {  	_ =	swait.ge [sflag:s18], $0x4000  }
0x4c: {  	[sflag:s18] =	ssyncset.done $0x0  }
0x4d: {  	s31 =	sadd.s32 $0x1480, s23;
	[sflag:s18] =	ssyncadd.s32 $0xFFFFC000  }
0x4e: {  	[spmem:s3] =	stream.indirect.scatter.add.f32 [tilespmem:s16], [sflag:$0x3], $0x80, s31, s14, $0xb8;
	[tilespmem:$0x1E800] =	vst v63  }
0x4f: {  	_ =	swait.ge [sflag:s12], $0x4000  }
0x50: {  	[sflag:s12] =	ssyncset.done $0x0  }
0x51: {  	[sflag:s12] =	ssyncadd.s32 $0xFFFFC000  }
0x52: {  	[tilespmem:s16], [sflag:$0x2] =	stream.indirect.gather [hbm4b:s5+s14], $0x80, s19, s14, $0xb8;
	[tilespmem:$0x1E800] =	vst v63  }
0x53: {  	_ =	swait.ge [sflag:s17], $0x4000  }
0x54: {  	[sflag:s17] =	ssyncset.done $0x0  }
0x55: {  	[sflag:s17] =	ssyncadd.s32 $0xFFFFC000  }
0x56: {  	[spmem:s3] =	stream.indirect.scatter.add.f32 [tilespmem:s15], [sflag:$0x3], $0x80, s20, s14, $0xb8;
	[tilespmem:$0x1E800] =	vst v63  }
0x57: {  	_ =	swait.ge [sflag:s12], $0x4000  }
0x58: {  	[sflag:s12] =	ssyncset.done $0x0  }
0x59: {  	[sflag:s12] =	ssyncadd.s32 $0xFFFFC000  }
0x5a: {  	_ =	swait.ge [sflag:s18], $0x4000  }
0x5b: {  	[sflag:s18] =	ssyncset.done $0x0  }
0x5c: {  	[sflag:s18] =	ssyncadd.s32 $0xFFFFC000  }
0x5d: {  	[spmem:s3] =	stream.indirect.scatter.add.f32 [tilespmem:s16], [sflag:$0x3], $0x80, s21, s14, $0xb8;
	[tilespmem:$0x1E800] =	vst v63  }
0x5e: {  	_ =	swait.ge [sflag:s12], $0x4000  }
0x5f: {  	s22 =	sadd.s32 $0x1, s22;
	[sflag:s12] =	ssyncset.done $0x0  }
0x60: {  	p0 =	sne.s32 s22, s10;
	[sflag:s12] =	ssyncadd.s32 $0xFFFFC000  }
.Ltmp1:
0x61: {  	[bflag:$0x0] =	sbarrier.arrive $0xFFFF;
	(pc) =	sbr.rel @p0 .LBB2_1-.Ltmp1, $4  }
0x62: {  	[hbm:s9], [sflag:s6] =	dma.local [spmem:s11], $0x2800  }
0x63: {  	_ =	swait.ge [sflag:s12], $0x2800  }
0x64: {  	[sflag:s12] =	ssyncset.done $0x0  }
0x65: {  	[sflag:s12] =	ssyncadd.s32 $0xFFFFD800  }
0x66: {  	_ =	sfence.sel $0x180000  }
0x67: {  	[bflag:$0x0] =	sbarrier.arrive $0xFFFF  }
0x68: {  	p0 =	sne.s32 s0, $0x0;
	_ =	strace $0x9000004A  }
0x69: {  	s0 =	sadd.s32 @!p0 $0x100000, s2;
	[bflag:$0x2] =	sbarrier.arrive $0xFFFF  }
0x6a: {  	[sflag:s0] =	ssyncadd.tile.s32 @!p0 $0x1;
	_ =	shalt  }
.Lfunc_end2:
_tile_overlayer_lowered:
.L_overlay_start_2:
0x6b: {  	(tag) =	ssettag $0x2  }
0x6c: {  	s0 =	rddreg [dreg:$0x0];
	s2 =	stileid.u32  }
0x6d: {  	s1 =	rddreg [dreg:$0x1];
	p0 =	sne.s32 s2, $0x0  }
0x6e: {  	s3 =	rddreg [dreg:$0x2];
	[bflag:$0x3] =	sbarrier.arrive $0xFFFF;
	s2 =	simm.s32 @!p0 $0x1C03  }
0x6f: {  	[timem:s3], [sflag:s2] =	dma.local @!p0 [hbm:s0], s1  }
0x70: {  	s0 =	simm.s32 @!p0 $0x3  }
0x71: {  	_ =	swait.ge @!p0 [sflag:s0], s1  }
0x72: {  	s1 =	ssub.s32 @!p0 $0x0, s1;
	[sflag:s0] =	ssyncset.done @!p0 $0x0  }
0x73: {  	[sflag:s0] =	ssyncadd.s32 @!p0 s1  }
0x74: {  	[bflag:$0x3] =	sbarrier.arrive $0xFFFF  }
0x75: {  	_ =	shalt  }

// kernel: kernel.22.cloned.1.call-start
scs
__scs_entry_jumppad:
0x0: {  	(pc) =	sbr.rel $0x88, $3  }
0x1: {  	(tag) =	ssettag $0x0;
	lr =	simm.s32 $0x1  }
0x2: {  	[smem:$0x3F84] =	sst lr;
	_ =	strace $0xD0000000  }
0x3: {  	_ = 	snop  }
0x4: {  	_ = 	snop  }
0x5: {  	_ = 	snop  }
0x6: {  	_ = 	snop  }
0x7: {  	_ = 	snop  }
__scs_overlays_trampoline_lowered:
0x8: {  	[smem:$0x3F93] =	sst s0  }
0x9: {  	[smem:$0x3F94] =	sst s1  }
0xa: {  	[smem:$0x3F95] =	sst s2  }
0xb: {  	[smem:$0x3F96] =	sst s3  }
0xc: {  	[smem:$0x3F97] =	sst s4  }
0xd: {  	[smem:$0x3F98] =	sst s5  }
0xe: {  	[smem:$0x3F99] =	sst s6  }
0xf: {  	[smem:$0x3F9A] =	sst s7  }
0x10: {  	[smem:$0x3F9B] =	sst s8  }
0x11: {  	[smem:$0x3F9C] =	sst s9;
	s0 =	simm.s32 @!p0 $0x0  }
0x12: {  	s1 =	sld [smem:$0x3F82];
	s0 =	simm.s32 @p0 $0x1  }
0x13: {  	[smem:$0x3F9D] =	sst s0;
	s0 =	simm.s32 @!p1 $0x0  }
0x14: {  	s2 =	sld [smem:$0x3F81];
	s0 =	simm.s32 @p1 $0x1  }
0x15: {  	[smem:$0x3F9E] =	sst s0;
	s0 =	simm.s32 @!p2 $0x0  }
0x16: {  	s3 =	sld [smem:$0x3FDB];
	s0 =	simm.s32 @p2 $0x1  }
0x17: {  	s4 =	simm.s32 $0x1BF5;
	[smem:$0x3FA0] =	sst s0  }
0x18: {  	s0 =	sld [smem:$0x3F83];
	_ =	swait.ge [sflag:s4], $0x0  }
0x19: {  	s7 =	sld [smem:$0x3F84]  }
0x1a: {  	s8 =	sadd.s32 $0xFFFFE003, lr  }
0x1b: {  	s9 =	sadd.s32 $0xFFFFFEF7, lr;
	s5 =	simm.s32 $0xFFFFFFFF;
	p2 =	slt.u32 s8, $0xFFFFF086  }
0x1c: {  	p1 =	slt.u32 s9, $0xF7A;
	s5 =	simm.s32 @!p2 $0x0  }
0x1d: {  	s5 =	simm.s32 @p1 $0x1;
	p0 =	seq.s32 s7, s2  }
0x1e: {  	s7 =	smul.u32 @!p0 $0xF7A, s2;
	p2 =	seq.s32 @!p0 s5, $0x0  }
0x1f: {  	s9 =	smul.u32 $0xF7A, s1;
	s8 =	simm.s32 @!p0 $0x1BF5;
	p2 =	por !p2, p0  }
0x20: {  	[sflag:s8] =	ssyncset.s32 @!p0 $0xFFFFF086;
	s6 =	sadd.s32 @!p0 s3, s7;
	s7 =	simm.s32 @!p0 $0x108  }
0x21: {  	s3 =	sadd.s32 s3, s9;
	s6 =	sadd.s32 @!p0 $0x88, s6;
	s7 =	simm.s32 @p2 $0x1082  }
0x22: {  	[simem:s7], [sflag:s8] =	dma.local @!p0 [hbm:s6], $0xF7A  }
0x23: {  	s9 =	sor.u32 $0xD0000000, s2;
	s6 =	simm.s32 $0x108;
	_ =	swait.ge @!p0 [sflag:s8], $0x0  }
0x24: {  	s3 =	sadd.s32 $0x88, s3;
	s6 =	simm.s32 @!p1 $0x1082;
	[sflag:s4] =	ssyncset.s32 $0xFFFFF086  }
0x25: {  	[simem:s6], [sflag:s4] =	dma.local [hbm:s3], $0xF7A  }
0x26: {  	[smem:$0x3F84] =	sst s1;
	(tag) =	ssettag s2;
	_ =	strace s9  }
0x27: {  	s1 =	sld [smem:$0x3F94]  }
0x28: {  	s2 =	sld [smem:$0x3F95]  }
0x29: {  	s4 =	sld [smem:$0x3F97]  }
0x2a: {  	p0 =	seq.s32 s5, $0x0;
	s5 =	sld [smem:$0x3F98]  }
0x2b: {  	s6 =	sld [smem:$0x3F99]  }
0x2c: {  	s7 =	sld [smem:$0x3F9A]  }
0x2d: {  	s3 =	simm.s32 $0x108;
	s8 =	sld [smem:$0x3F9B]  }
0x2e: {  	s3 =	simm.s32 @!p0 $0x1082;
	s9 =	sld [smem:$0x3F9C]  }
0x2f: {  	lr =	sadd.s32 s0, s3;
	s0 =	sld [smem:$0x3F93]  }
0x30: {  	s3 =	sld [smem:$0x3F96]  }
0x31: {  	[smem:$0x3F9F] =	sst s10  }
0x32: {  	s10 =	sld [smem:$0x3F9D];
	_ =	sdelay $0x3  }
0x33: {  	p0 =	seq.s32 s10, $0x1;
	s10 =	sld [smem:$0x3F9F];
	_ =	sdelay $0x3  }
0x34: {  	[smem:$0x3F9F] =	sst s10  }
0x35: {  	s10 =	sld [smem:$0x3F9E];
	_ =	sdelay $0x3  }
0x36: {  	p1 =	seq.s32 s10, $0x1;
	s10 =	sld [smem:$0x3F9F];
	_ =	sdelay $0x3  }
0x37: {  	[smem:$0x3F9F] =	sst s10  }
0x38: {  	s10 =	sld [smem:$0x3FA0]  }
0x39: {  	_ = 	snop;
	(pc) =	sbr.ind lr, $3  }
0x3a: {  	_ = 	snop  }
0x3b: {  	_ = 	snop  }
0x3c: {  	p2 =	seq.s32 s10, $0x1;
	s10 =	sld [smem:$0x3F9F]  }
0x3d: {  	_ =	shalt  }
0x3e: {  	_ =	shalt  }
0x3f: {  	_ =	shalt  }
0x40: {  	_ =	shalt  }
0x41: {  	_ =	shalt  }
0x42: {  	_ =	shalt  }
0x43: {  	_ =	shalt  }
0x44: {  	_ =	shalt  }
0x45: {  	_ =	shalt  }
0x46: {  	_ =	shalt  }
0x47: {  	_ =	shalt  }
0x48: {  	_ =	shalt  }
0x49: {  	_ =	shalt  }
0x4a: {  	_ =	shalt  }
0x4b: {  	_ =	shalt  }
0x4c: {  	_ =	shalt  }
0x4d: {  	_ =	shalt  }
0x4e: {  	_ =	shalt  }
0x4f: {  	_ =	shalt  }
0x50: {  	_ =	shalt  }
0x51: {  	_ =	shalt  }
0x52: {  	_ =	shalt  }
0x53: {  	_ =	shalt  }
0x54: {  	_ =	shalt  }
0x55: {  	_ =	shalt  }
0x56: {  	_ =	shalt  }
0x57: {  	_ =	shalt  }
0x58: {  	_ =	shalt  }
0x59: {  	_ =	shalt  }
0x5a: {  	_ =	shalt  }
0x5b: {  	_ =	shalt  }
0x5c: {  	_ =	shalt  }
0x5d: {  	_ =	shalt  }
0x5e: {  	_ =	shalt  }
0x5f: {  	_ =	shalt  }
0x60: {  	_ =	shalt  }
0x61: {  	_ =	shalt  }
0x62: {  	_ =	shalt  }
0x63: {  	_ =	shalt  }
0x64: {  	_ =	shalt  }
0x65: {  	_ =	shalt  }
0x66: {  	_ =	shalt  }
0x67: {  	_ =	shalt  }
0x68: {  	_ =	shalt  }
0x69: {  	_ =	shalt  }
0x6a: {  	_ =	shalt  }
0x6b: {  	_ =	shalt  }
0x6c: {  	_ =	shalt  }
0x6d: {  	_ =	shalt  }
0x6e: {  	_ =	shalt  }
0x6f: {  	_ =	shalt  }
0x70: {  	_ =	shalt  }
0x71: {  	_ =	shalt  }
0x72: {  	_ =	shalt  }
0x73: {  	_ =	shalt  }
0x74: {  	_ =	shalt  }
0x75: {  	_ =	shalt  }
0x76: {  	_ =	shalt  }
0x77: {  	_ =	shalt  }
0x78: {  	_ =	shalt  }
0x79: {  	_ =	shalt  }
0x7a: {  	_ =	shalt  }
0x7b: {  	_ =	shalt  }
0x7c: {  	_ =	shalt  }
0x7d: {  	_ =	shalt  }
0x7e: {  	_ =	shalt  }
0x7f: {  	_ =	shalt  }
0x80: {  	_ =	shalt  }
0x81: {  	_ =	shalt  }
0x82: {  	_ =	shalt  }
0x83: {  	_ =	shalt  }
0x84: {  	_ =	shalt  }
0x85: {  	_ =	shalt  }
0x86: {  	_ =	shalt  }
0x87: {  	_ =	shalt  }
.Lfunc_end0:
.L_simem_size_0:
called_computation.3_lowered:
.L_overlay_start_0:
0x88: {  	s2 =	sld [smem:$0x3FD9]  }
0x89: {  	s3 =	sld [smem:$0x3FFE];
	_ =	sdelay $0x1  }
0x8a: {  	s1 =	srdreg.scid  }
0x8b: {  	s0 =	sand.u32 $0x1, s1  }
0x8c: {  	s14 =	sshll.u32 s0, $0xA;
	s2 =	sadd.s32 s3, s2  }
0x8d: {  	s2 =	sadd.s32 s2, s14  }
0x8e: {  	[smem:$0x3FAB] =	sst s2  }
0x8f: {  	_ = 	snop  }
0x90: {  	s2 =	sld [smem:$0x3FD0];
	_ =	sdelay $0x2  }
0x91: {  	s15 =	simm.s32 $0xB;
	s4 =	simm.s32 $0x10  }
0x92: {  	[smem:s4], [sflag:s15] =	dma.local [hbm:s2], $0x1  }
0x93: {  	_ =	swait.eq [sflag:s15], $0x1  }
0x94: {  	s16 =	sld [smem:$0x12]  }
0x95: {  	s17 =	sld [smem:$0x13];
	[sflag:s15] =	ssyncset.done $0x0  }
0x96: {  	s5 =	sld [smem:$0x14];
	[sflag:s15] =	ssyncadd.s32 $0xFFFFFFFF  }
0x97: {  	s18 =	sld [smem:$0x16];
	(tm) =	ssettm $0x1  }
0x98: {  	s6 =	sld [smem:$0x3FFB];
	_ =	sdelay $0x3  }
0x99: {  	_ =	strace s6  }
0x9a: {  	s6 =	sld [smem:$0x3FFC];
	_ =	sdelay $0x3  }
0x9b: {  	_ =	strace s6  }
0x9c: {  	s6 =	sld [smem:$0x3FFD];
	_ =	sdelay $0x3  }
0x9d: {  	_ =	strace s6  }
0x9e: {  	_ =	strace $0x8FFFFFFF  }
0x9f: {  	s19 =	sld [smem:$0x3FDB];
	_ =	sdelay $0x1  }
0xa0: {  	s7 =	simm.s32 $_scs_section_size  }
0xa1: {  	s8 =	simm.s32 $_size__tile_overlayer_lowered;
	s9 =	simm.s32 $_tile_overlayer_lowered  }
0xa2: {  	s22 =	simm.s32 $0x1BFF;
	s21 =	sshll.u32 s9, $0x1;
	s6 =	sadd.s32 s7, s19  }
0xa3: {  	s10 =	simm.s32 $0x0;
	s20 =	sshll.u32 s8, $0x1;
	s8 =	sadd.s32 s21, s6  }
0xa4: {  	[timem:s10], [sflag:s22] =	dma.local [hbm:s8], s20  }
0xa5: {  	_ =	swait.ge [sflag:s22], s20  }
0xa6: {  	s7 =	ssub.s32 $0x0, s20;
	[sflag:s22] =	ssyncset.done $0x0  }
0xa7: {  	[sflag:s22] =	ssyncadd.s32 s7;
	_ =	sdelay $0x1  }
0xa8: {  	s23 =	simm.s32 $0x1B8B  }
0xa9: {  	_ =	swait.ge [sflag:s23], $0x1  }
0xaa: {  	[sflag:s23] =	ssyncset.done $0x0  }
0xab: {  	s25 =	simm.s32 $0x1B8E;
	s24 =	sld [smem:$0x3FFE];
	[sflag:s23] =	ssyncadd.s32 $0xFFFFFFFF  }
0xac: {  	s26 =	simm.s32 $execute0_lowered;
	[smem:$0x3FD2] =	sst s25  }
0xad: {  	s8 =	sshll.u32 s26, $0x1;
	_ =	strace $0x8000004F;
	[dreg:$0x1] =	wrdreg $0xFFFFFFFF  }
0xae: {  	s28 =	simm.s32 $_size_execute0_lowered;
	s6 =	sadd.s32 s6, s8;
	[dreg:$0x0] =	wrdreg $0x0  }
0xaf: {  	s8 =	sshll.u32 s28, $0x1;
	[dreg:$0x2] =	wrdreg s6  }
0xb0: {  	[dreg:$0x3] =	wrdreg s8  }
0xb1: {  	[dreg:$0x4] =	wrdreg $0xC0  }
0xb2: {  	_ =	task [dreg:s10], $0x5FFFF  }
0xb3: {  	[dreg:$0x1] =	wrdreg $0xFFFFFFFF  }
0xb4: {  	[dreg:$0x0] =	wrdreg $0x60  }
0xb5: {  	[dreg:$0x2] =	wrdreg s17  }
0xb6: {  	[dreg:$0x3] =	wrdreg s24  }
0xb7: {  	[dreg:$0x4] =	wrdreg s16  }
0xb8: {  	[dreg:$0x5] =	wrdreg s18  }
0xb9: {  	[dreg:$0x6] =	wrdreg s5  }
0xba: {  	[dreg:$0x7] =	wrdreg $0xA8000  }
0xbb: {  	[dreg:$0x8] =	wrdreg $0x9  }
0xbc: {  	_ =	task.clear_ibuf [dreg:s10], $0x9FFFF;
	_ =	strace $0x9000004F  }
0xbd: {  	s29 =	simm.s32 $0x9;
	_ =	strace $0x80000051  }
0xbe: {  	_ =	swait.ge [sflag:s29], $0x1  }
0xbf: {  	[sflag:s29] =	ssyncadd.s32 $0xFFFFFFFF  }
0xc0: {  	_ =	strace $0x90000051  }
0xc1: {  	_ =	sfence  }
0xc2: {  	s30 =	sld [smem:$0x0];
	_ =	sdelay $0x2  }
0xc3: {  	s31 =	sshll.u32 s1, $0xD;
	s1 =	sshrl.u32 s1, $0x2  }
0xc4: {  	s3 =	sand.u32 $0x4000, s31;
	s1 =	sadd.s32 s1, s30  }
0xc5: {  	s0 =	sor.u32 s3, s0;
	s1 =	sshll.u32 s1, $0x11  }
0xc6: {  	s0 =	sor.u32 s1, s0  }
0xc7: {  	s0 =	sadd.s32 $0x8F2B, s0  }
0xc8: {  	[sflag:s0] =	ssyncadd.remote.s32 $0x1  }
0xc9: {  	_ =	sfence.sel $0xFFFF  }
0xca: {  	[dreg:$0x0] =	wrdreg $0xFFFFFFFF;
	(pc) =	sbr.abs _section_cstart, $3  }
0xcb: {  	[dreg:$0x1] =	wrdreg $0xFFFFFFFF  }
0xcc: {  	_ =	task.clear_ibuf [dreg:s10], $0x2FFFF;
	_ =	strace $0x9FFFFFFF  }
0xcd: {  	(tm) =	ssettm $0x7FFFFFFF  }
tec
execute0_lowered:
.L_overlay_start_1:
0x0: {  	(tag) =	ssettag $0x1  }
0x1: {  	s1 =	rddreg [dreg:$0x0]  }
0x2: {  	s6 =	rddreg [dreg:$0x1]  }
0x3: {  	s8 =	rddreg [dreg:$0x2]  }
0x4: {  	s2 =	rddreg [dreg:$0x3]  }
0x5: {  	s3 =	srdreg.scid;
	s9 =	rddreg [dreg:$0x4]  }
0x6: {  	s0 =	stileid.u32;
	s4 =	rddreg [dreg:$0x5];
	s5 =	simm.s32 $0x0  }
0x7: {  	s16 =	simm.s32 $0x6800;
	s17 =	simm.s32 $0x1;
	s18 =	simm.s32 $0x2  }
0x8: {  	s19 =	simm.s32 $0x1380;
	s20 =	simm.s32 $0x2700;
	s21 =	simm.s32 $0x2780  }
0x9: {  	s22 =	simm.s32 $0x0;
	s7 =	sand.u32 $0x1, s3;
	s11 =	smul.u32 $0x50000, s0  }
0xa: {  	s28 =	sshll.u32 s0, $0x1;
	[smem:$0x7FF] =	sst s5;
	s14 =	smul.u32 $0x14000, s0  }
0xb: {  	s3 =	sor.u32 s7, s28;
	s12 =	ssub.s32 $0x2, s7;
	s7 =	smul.u32 $0x140000, s7  }
0xc: {  	s30 =	sshll.u32 s0, $0x6;
	s10 =	smul.u32 $0x280, s3;
	s3 =	rddreg [dreg:$0x6]  }
0xd: {  	_ =	strace $0x80000050;
	s13 =	sshrl.u32 s12, $0x1;
	s29 =	sshrl.u32 s11, $0x2  }
0xe: {  	s12 =	ssub.s32 s12, s13;
	s11 =	sadd.s32 s29, s4;
	s31 =	sadd.s32 s14, s7  }
0xf: {  	s14 =	simm.s32 $0x80;
	s15 =	sadd.s32 s10, s6;
	s6 =	sor.u32 $0x1C03, s30  }
0x10: {  	s13 =	sshrl.u32 s31, $0x3;
	s8 =	sadd.s32 s8, s10;
	s10 =	smax.u32 s12, $0x1  }
0x11: {  	s11 =	sshrl.u32 s11, $0x3;
	s12 =	simm.s32 $0x3;
	s7 =	sadd.s32 $0x15200, s15  }
0x12: {  	s9 =	sadd.s32 s9, s13;
	s13 =	simm.s32 $0x1400;
	s15 =	simm.s32 $0x2800  }
.LBB2_1:
0x13: {  	[spmem:s11], [sflag:s6] =	dma.local [hbm:s2], $0x2800  }
0x14: {  	_ =	swait.ge [sflag:s12], $0x2800  }
0x15: {  	[sflag:s12] =	ssyncset.done $0x0  }
0x16: {  	[sflag:s12] =	ssyncadd.s32 $0xFFFFD800  }
0x17: {  	[tilespmem:s5], [sflag:$0x3] =	stream.linear.gather [hbm4b:s7+s5], $0x1400, $0x38;
	[tilespmem:$0x1E800] =	vst v63  }
0x18: {  	_ =	swait.ge [sflag:s12], $0x1400  }
0x19: {  	[sflag:s12] =	ssyncset.done $0x0  }
0x1a: {  	[sflag:s12] =	ssyncadd.s32 $0xFFFFEC00  }
0x1b: {  	[tilespmem:s13], [sflag:$0x3] =	stream.linear.gather [hbm4b:s8+s5], $0x1400, $0x38;
	[tilespmem:$0x1E800] =	vst v63  }
0x1c: {  	_ =	swait.ge [sflag:s12], $0x1400  }
0x1d: {  	[sflag:s12] =	ssyncset.done $0x0  }
0x1e: {  	[sflag:s12] =	ssyncadd.s32 $0xFFFFEC00  }
0x1f: {  	[bflag:$0x0] =	sbarrier.arrive $0xFFFF  }
0x20: {  	[tilespmem:s15], [sflag:$0x1] =	stream.indirect.gather [hbm4b:s1+s14], $0x80, s5, s14, $0xb8;
	[tilespmem:$0x1E800] =	vst v63  }
0x21: {  	s23 =	simm.s32 $0x80  }
0x22: {  	[tilespmem:s16], [sflag:$0x2] =	stream.indirect.gather [hbm4b:s1+s14], $0x80, s23, s14, $0xb8;
	[tilespmem:$0x1E800] =	vst v63  }
0x23: {  	_ =	swait.ge [sflag:s17], $0x4000  }
0x24: {  	[sflag:s17] =	ssyncset.done $0x0  }
0x25: {  	s29 =	simm.s32 $0x1400;
	[sflag:s17] =	ssyncadd.s32 $0xFFFFC000  }
0x26: {  	[spmem:s4] =	stream.indirect.scatter.add.f32 [tilespmem:s15], [sflag:$0x3], $0x80, s29, s14, $0xb8;
	[tilespmem:$0x1E800] =	vst v63  }
0x27: {  	_ =	swait.ge [sflag:s12], $0x4000  }
0x28: {  	[sflag:s12] =	ssyncset.done $0x0  }
0x29: {  	s30 =	simm.s32 $0x100;
	[sflag:s12] =	ssyncadd.s32 $0xFFFFC000  }
0x2a: {  	[tilespmem:s15], [sflag:$0x1] =	stream.indirect.gather [hbm4b:s1+s14], $0x80, s30, s14, $0xb8;
	[tilespmem:$0x1E800] =	vst v63  }
0x2b: {  	_ =	swait.ge [sflag:s18], $0x4000  }
0x2c: {  	[sflag:s18] =	ssyncset.done $0x0  }
0x2d: {  	s31 =	simm.s32 $0x1480;
	[sflag:s18] =	ssyncadd.s32 $0xFFFFC000  }
0x2e: {  	[spmem:s4] =	stream.indirect.scatter.add.f32 [tilespmem:s16], [sflag:$0x3], $0x80, s31, s14, $0xb8;
	[tilespmem:$0x1E800] =	vst v63  }
0x2f: {  	_ =	swait.ge [sflag:s12], $0x4000  }
0x30: {  	s24 =	simm.s32 $0x800;
	s23 =	simm.s32 $0x100;
	[sflag:s12] =	ssyncset.done $0x0  }
.LBB2_2:
0x31: {  	s25 =	sadd.s32 $0x80, s23  }
0x32: {  	[sflag:s12] =	ssyncadd.s32 $0xFFFFC000;
	s26 =	smov.u32 s24;
	s28 =	sadd.s32 $0x400, s24  }
0x33: {  	[tilespmem:s16], [sflag:$0x2] =	stream.indirect.gather [hbm4b:s1+s14], $0x80, s25, s14, $0xb8;
	[tilespmem:$0x1E800] =	vst v63  }
0x34: {  	p0 =	sne.s32 s24, $0x4800;
	_ =	swait.ge [sflag:s17], $0x4000  }
0x35: {  	[sflag:s17] =	ssyncset.done $0x0  }
0x36: {  	s24 =	sadd.s32 $0x1400, s23;
	[sflag:s17] =	ssyncadd.s32 $0xFFFFC000  }
0x37: {  	[spmem:s4] =	stream.indirect.scatter.add.f32 [tilespmem:s15], [sflag:$0x3], $0x80, s24, s14, $0xb8;
	[tilespmem:$0x1E800] =	vst v63  }
0x38: {  	_ =	swait.ge [sflag:s12], $0x4000  }
0x39: {  	[sflag:s12] =	ssyncset.done $0x0  }
0x3a: {  	s24 =	sadd.s32 $0x100, s23;
	[sflag:s12] =	ssyncadd.s32 $0xFFFFC000  }
0x3b: {  	[tilespmem:s15], [sflag:$0x1] =	stream.indirect.gather [hbm4b:s1+s14], $0x80, s24, s14, $0xb8;
	[tilespmem:$0x1E800] =	vst v63  }
0x3c: {  	_ =	swait.ge [sflag:s18], $0x4000  }
.Ltmp0:
0x3d: {  	[sflag:s18] =	ssyncset.done $0x0;
	(pc) =	sbr.rel @p0 .LBB2_2-.Ltmp0, $4  }
0x3e: {  	s23 =	sadd.s32 $0x1480, s23;
	[sflag:s18] =	ssyncadd.s32 $0xFFFFC000  }
0x3f: {  	[spmem:s4] =	stream.indirect.scatter.add.f32 [tilespmem:s16], [sflag:$0x3], $0x80, s23, s14, $0xb8;
	[tilespmem:$0x1E800] =	vst v63  }
0x40: {  	_ =	swait.ge [sflag:s12], $0x4000  }
0x41: {  	s24 =	smov.u32 s28;
	s23 =	sshra.s32 s26, $0x2;
	[sflag:s12] =	ssyncset.done $0x0  }
0x42: {  	s24 =	sadd.s32 $0x80, s23;
	[sflag:s12] =	ssyncadd.s32 $0xFFFFC000  }
0x43: {  	[tilespmem:s16], [sflag:$0x2] =	stream.indirect.gather [hbm4b:s1+s14], $0x80, s24, s14, $0xb8;
	[tilespmem:$0x1E800] =	vst v63  }
0x44: {  	_ =	swait.ge [sflag:s17], $0x4000  }
0x45: {  	[sflag:s17] =	ssyncset.done $0x0  }
0x46: {  	s29 =	sadd.s32 $0x1400, s23;
	[sflag:s17] =	ssyncadd.s32 $0xFFFFC000  }
0x47: {  	[spmem:s4] =	stream.indirect.scatter.add.f32 [tilespmem:s15], [sflag:$0x3], $0x80, s29, s14, $0xb8;
	[tilespmem:$0x1E800] =	vst v63  }
0x48: {  	_ =	swait.ge [sflag:s12], $0x4000  }
0x49: {  	[sflag:s12] =	ssyncset.done $0x0  }
0x4a: {  	s30 =	sadd.s32 $0x100, s23;
	[sflag:s12] =	ssyncadd.s32 $0xFFFFC000  }
0x4b: {  	[tilespmem:s15], [sflag:$0x1] =	stream.indirect.gather [hbm4b:s1+s14], $0x80, s30, s14, $0xb8;
	[tilespmem:$0x1E800] =	vst v63  }
0x4c: {  	_ =	swait.ge [sflag:s18], $0x4000  }
0x4d: {  	[sflag:s18] =	ssyncset.done $0x0  }
0x4e: {  	s31 =	sadd.s32 $0x1480, s23;
	[sflag:s18] =	ssyncadd.s32 $0xFFFFC000  }
0x4f: {  	[spmem:s4] =	stream.indirect.scatter.add.f32 [tilespmem:s16], [sflag:$0x3], $0x80, s31, s14, $0xb8;
	[tilespmem:$0x1E800] =	vst v63  }
0x50: {  	_ =	swait.ge [sflag:s12], $0x4000  }
0x51: {  	[sflag:s12] =	ssyncset.done $0x0  }
0x52: {  	[sflag:s12] =	ssyncadd.s32 $0xFFFFC000  }
0x53: {  	[tilespmem:s16], [sflag:$0x2] =	stream.indirect.gather [hbm4b:s1+s14], $0x80, s19, s14, $0xb8;
	[tilespmem:$0x1E800] =	vst v63  }
0x54: {  	_ =	swait.ge [sflag:s17], $0x4000  }
0x55: {  	[sflag:s17] =	ssyncset.done $0x0  }
0x56: {  	[sflag:s17] =	ssyncadd.s32 $0xFFFFC000  }
0x57: {  	[spmem:s4] =	stream.indirect.scatter.add.f32 [tilespmem:s15], [sflag:$0x3], $0x80, s20, s14, $0xb8;
	[tilespmem:$0x1E800] =	vst v63  }
0x58: {  	_ =	swait.ge [sflag:s12], $0x4000  }
0x59: {  	[sflag:s12] =	ssyncset.done $0x0  }
0x5a: {  	[sflag:s12] =	ssyncadd.s32 $0xFFFFC000  }
0x5b: {  	_ =	swait.ge [sflag:s18], $0x4000  }
0x5c: {  	[sflag:s18] =	ssyncset.done $0x0  }
0x5d: {  	[sflag:s18] =	ssyncadd.s32 $0xFFFFC000  }
0x5e: {  	[spmem:s4] =	stream.indirect.scatter.add.f32 [tilespmem:s16], [sflag:$0x3], $0x80, s21, s14, $0xb8;
	[tilespmem:$0x1E800] =	vst v63  }
0x5f: {  	_ =	swait.ge [sflag:s12], $0x4000  }
0x60: {  	s22 =	sadd.s32 $0x1, s22;
	[sflag:s12] =	ssyncset.done $0x0  }
0x61: {  	p0 =	sne.s32 s22, s10;
	[sflag:s12] =	ssyncadd.s32 $0xFFFFC000  }
.Ltmp1:
0x62: {  	[bflag:$0x0] =	sbarrier.arrive $0xFFFF;
	(pc) =	sbr.rel @p0 .LBB2_1-.Ltmp1, $4  }
0x63: {  	[hbm:s9], [sflag:s6] =	dma.local [spmem:s11], $0x2800  }
0x64: {  	_ =	swait.ge [sflag:s12], $0x2800  }
0x65: {  	[sflag:s12] =	ssyncset.done $0x0  }
0x66: {  	[sflag:s12] =	ssyncadd.s32 $0xFFFFD800  }
0x67: {  	_ =	sfence.sel $0x180000  }
0x68: {  	[bflag:$0x0] =	sbarrier.arrive $0xFFFF  }
0x69: {  	p0 =	sne.s32 s0, $0x0;
	_ =	strace $0x90000050  }
0x6a: {  	s0 =	sadd.s32 @!p0 $0x100000, s3;
	[bflag:$0x2] =	sbarrier.arrive $0xFFFF  }
0x6b: {  	[sflag:s0] =	ssyncadd.tile.s32 @!p0 $0x1;
	_ =	shalt  }
.Lfunc_end2:
_tile_overlayer_lowered:
.L_overlay_start_2:
0x6c: {  	(tag) =	ssettag $0x2  }
0x6d: {  	s0 =	rddreg [dreg:$0x0];
	s2 =	stileid.u32  }
0x6e: {  	s1 =	rddreg [dreg:$0x1];
	p0 =	sne.s32 s2, $0x0  }
0x6f: {  	s3 =	rddreg [dreg:$0x2];
	[bflag:$0x3] =	sbarrier.arrive $0xFFFF;
	s2 =	simm.s32 @!p0 $0x1C03  }
0x70: {  	[timem:s3], [sflag:s2] =	dma.local @!p0 [hbm:s0], s1  }
0x71: {  	s0 =	simm.s32 @!p0 $0x3  }
0x72: {  	_ =	swait.ge @!p0 [sflag:s0], s1  }
0x73: {  	s1 =	ssub.s32 @!p0 $0x0, s1;
	[sflag:s0] =	ssyncset.done @!p0 $0x0  }
0x74: {  	[sflag:s0] =	ssyncadd.s32 @!p0 s1  }
0x75: {  	[bflag:$0x3] =	sbarrier.arrive $0xFFFF  }
0x76: {  	_ =	shalt  }

// kernel: kernel.25.cloned.1.call-start
scs
__scs_entry_jumppad:
0x0: {  	(pc) =	sbr.rel $0x88, $3  }
0x1: {  	(tag) =	ssettag $0x0;
	lr =	simm.s32 $0x1  }
0x2: {  	[smem:$0x3F84] =	sst lr;
	_ =	strace $0xD0000000  }
0x3: {  	_ = 	snop  }
0x4: {  	_ = 	snop  }
0x5: {  	_ = 	snop  }
0x6: {  	_ = 	snop  }
0x7: {  	_ = 	snop  }
__scs_overlays_trampoline_lowered:
0x8: {  	[smem:$0x3F93] =	sst s0  }
0x9: {  	[smem:$0x3F94] =	sst s1  }
0xa: {  	[smem:$0x3F95] =	sst s2  }
0xb: {  	[smem:$0x3F96] =	sst s3  }
0xc: {  	[smem:$0x3F97] =	sst s4  }
0xd: {  	[smem:$0x3F98] =	sst s5  }
0xe: {  	[smem:$0x3F99] =	sst s6  }
0xf: {  	[smem:$0x3F9A] =	sst s7  }
0x10: {  	[smem:$0x3F9B] =	sst s8  }
0x11: {  	[smem:$0x3F9C] =	sst s9;
	s0 =	simm.s32 @!p0 $0x0  }
0x12: {  	s1 =	sld [smem:$0x3F82];
	s0 =	simm.s32 @p0 $0x1  }
0x13: {  	[smem:$0x3F9D] =	sst s0;
	s0 =	simm.s32 @!p1 $0x0  }
0x14: {  	s2 =	sld [smem:$0x3F81];
	s0 =	simm.s32 @p1 $0x1  }
0x15: {  	[smem:$0x3F9E] =	sst s0;
	s0 =	simm.s32 @!p2 $0x0  }
0x16: {  	s3 =	sld [smem:$0x3FDB];
	s0 =	simm.s32 @p2 $0x1  }
0x17: {  	s4 =	simm.s32 $0x1BF5;
	[smem:$0x3FA0] =	sst s0  }
0x18: {  	s0 =	sld [smem:$0x3F83];
	_ =	swait.ge [sflag:s4], $0x0  }
0x19: {  	s7 =	sld [smem:$0x3F84]  }
0x1a: {  	s8 =	sadd.s32 $0xFFFFE003, lr  }
0x1b: {  	s9 =	sadd.s32 $0xFFFFFEF7, lr;
	s5 =	simm.s32 $0xFFFFFFFF;
	p2 =	slt.u32 s8, $0xFFFFF086  }
0x1c: {  	p1 =	slt.u32 s9, $0xF7A;
	s5 =	simm.s32 @!p2 $0x0  }
0x1d: {  	s5 =	simm.s32 @p1 $0x1;
	p0 =	seq.s32 s7, s2  }
0x1e: {  	s7 =	smul.u32 @!p0 $0xF7A, s2;
	p2 =	seq.s32 @!p0 s5, $0x0  }
0x1f: {  	s9 =	smul.u32 $0xF7A, s1;
	s8 =	simm.s32 @!p0 $0x1BF5;
	p2 =	por !p2, p0  }
0x20: {  	[sflag:s8] =	ssyncset.s32 @!p0 $0xFFFFF086;
	s6 =	sadd.s32 @!p0 s3, s7;
	s7 =	simm.s32 @!p0 $0x108  }
0x21: {  	s3 =	sadd.s32 s3, s9;
	s6 =	sadd.s32 @!p0 $0x88, s6;
	s7 =	simm.s32 @p2 $0x1082  }
0x22: {  	[simem:s7], [sflag:s8] =	dma.local @!p0 [hbm:s6], $0xF7A  }
0x23: {  	s9 =	sor.u32 $0xD0000000, s2;
	s6 =	simm.s32 $0x108;
	_ =	swait.ge @!p0 [sflag:s8], $0x0  }
0x24: {  	s3 =	sadd.s32 $0x88, s3;
	s6 =	simm.s32 @!p1 $0x1082;
	[sflag:s4] =	ssyncset.s32 $0xFFFFF086  }
0x25: {  	[simem:s6], [sflag:s4] =	dma.local [hbm:s3], $0xF7A  }
0x26: {  	[smem:$0x3F84] =	sst s1;
	(tag) =	ssettag s2;
	_ =	strace s9  }
0x27: {  	s1 =	sld [smem:$0x3F94]  }
0x28: {  	s2 =	sld [smem:$0x3F95]  }
0x29: {  	s4 =	sld [smem:$0x3F97]  }
0x2a: {  	p0 =	seq.s32 s5, $0x0;
	s5 =	sld [smem:$0x3F98]  }
0x2b: {  	s6 =	sld [smem:$0x3F99]  }
0x2c: {  	s7 =	sld [smem:$0x3F9A]  }
0x2d: {  	s3 =	simm.s32 $0x108;
	s8 =	sld [smem:$0x3F9B]  }
0x2e: {  	s3 =	simm.s32 @!p0 $0x1082;
	s9 =	sld [smem:$0x3F9C]  }
0x2f: {  	lr =	sadd.s32 s0, s3;
	s0 =	sld [smem:$0x3F93]  }
0x30: {  	s3 =	sld [smem:$0x3F96]  }
0x31: {  	[smem:$0x3F9F] =	sst s10  }
0x32: {  	s10 =	sld [smem:$0x3F9D];
	_ =	sdelay $0x3  }
0x33: {  	p0 =	seq.s32 s10, $0x1;
	s10 =	sld [smem:$0x3F9F];
	_ =	sdelay $0x3  }
0x34: {  	[smem:$0x3F9F] =	sst s10  }
0x35: {  	s10 =	sld [smem:$0x3F9E];
	_ =	sdelay $0x3  }
0x36: {  	p1 =	seq.s32 s10, $0x1;
	s10 =	sld [smem:$0x3F9F];
	_ =	sdelay $0x3  }
0x37: {  	[smem:$0x3F9F] =	sst s10  }
0x38: {  	s10 =	sld [smem:$0x3FA0]  }
0x39: {  	_ = 	snop;
	(pc) =	sbr.ind lr, $3  }
0x3a: {  	_ = 	snop  }
0x3b: {  	_ = 	snop  }
0x3c: {  	p2 =	seq.s32 s10, $0x1;
	s10 =	sld [smem:$0x3F9F]  }
0x3d: {  	_ =	shalt  }
0x3e: {  	_ =	shalt  }
0x3f: {  	_ =	shalt  }
0x40: {  	_ =	shalt  }
0x41: {  	_ =	shalt  }
0x42: {  	_ =	shalt  }
0x43: {  	_ =	shalt  }
0x44: {  	_ =	shalt  }
0x45: {  	_ =	shalt  }
0x46: {  	_ =	shalt  }
0x47: {  	_ =	shalt  }
0x48: {  	_ =	shalt  }
0x49: {  	_ =	shalt  }
0x4a: {  	_ =	shalt  }
0x4b: {  	_ =	shalt  }
0x4c: {  	_ =	shalt  }
0x4d: {  	_ =	shalt  }
0x4e: {  	_ =	shalt  }
0x4f: {  	_ =	shalt  }
0x50: {  	_ =	shalt  }
0x51: {  	_ =	shalt  }
0x52: {  	_ =	shalt  }
0x53: {  	_ =	shalt  }
0x54: {  	_ =	shalt  }
0x55: {  	_ =	shalt  }
0x56: {  	_ =	shalt  }
0x57: {  	_ =	shalt  }
0x58: {  	_ =	shalt  }
0x59: {  	_ =	shalt  }
0x5a: {  	_ =	shalt  }
0x5b: {  	_ =	shalt  }
0x5c: {  	_ =	shalt  }
0x5d: {  	_ =	shalt  }
0x5e: {  	_ =	shalt  }
0x5f: {  	_ =	shalt  }
0x60: {  	_ =	shalt  }
0x61: {  	_ =	shalt  }
0x62: {  	_ =	shalt  }
0x63: {  	_ =	shalt  }
0x64: {  	_ =	shalt  }
0x65: {  	_ =	shalt  }
0x66: {  	_ =	shalt  }
0x67: {  	_ =	shalt  }
0x68: {  	_ =	shalt  }
0x69: {  	_ =	shalt  }
0x6a: {  	_ =	shalt  }
0x6b: {  	_ =	shalt  }
0x6c: {  	_ =	shalt  }
0x6d: {  	_ =	shalt  }
0x6e: {  	_ =	shalt  }
0x6f: {  	_ =	shalt  }
0x70: {  	_ =	shalt  }
0x71: {  	_ =	shalt  }
0x72: {  	_ =	shalt  }
0x73: {  	_ =	shalt  }
0x74: {  	_ =	shalt  }
0x75: {  	_ =	shalt  }
0x76: {  	_ =	shalt  }
0x77: {  	_ =	shalt  }
0x78: {  	_ =	shalt  }
0x79: {  	_ =	shalt  }
0x7a: {  	_ =	shalt  }
0x7b: {  	_ =	shalt  }
0x7c: {  	_ =	shalt  }
0x7d: {  	_ =	shalt  }
0x7e: {  	_ =	shalt  }
0x7f: {  	_ =	shalt  }
0x80: {  	_ =	shalt  }
0x81: {  	_ =	shalt  }
0x82: {  	_ =	shalt  }
0x83: {  	_ =	shalt  }
0x84: {  	_ =	shalt  }
0x85: {  	_ =	shalt  }
0x86: {  	_ =	shalt  }
0x87: {  	_ =	shalt  }
.Lfunc_end0:
.L_simem_size_0:
called_computation.4_lowered:
.L_overlay_start_0:
0x88: {  	s2 =	sld [smem:$0x3FD9]  }
0x89: {  	s3 =	sld [smem:$0x3FFE];
	_ =	sdelay $0x1  }
0x8a: {  	s1 =	srdreg.scid  }
0x8b: {  	s0 =	sand.u32 $0x1, s1  }
0x8c: {  	s16 =	sshll.u32 s0, $0xA;
	s2 =	sadd.s32 s3, s2  }
0x8d: {  	s2 =	sadd.s32 s2, s16  }
0x8e: {  	[smem:$0x3FAB] =	sst s2  }
0x8f: {  	_ = 	snop  }
0x90: {  	(tm) =	ssettm $0x1  }
0x91: {  	s17 =	sld [smem:$0x3FFB];
	_ =	sdelay $0x3  }
0x92: {  	_ =	strace s17  }
0x93: {  	s2 =	sld [smem:$0x3FFC];
	_ =	sdelay $0x3  }
0x94: {  	_ =	strace s2  }
0x95: {  	s2 =	sld [smem:$0x3FFD];
	_ =	sdelay $0x3  }
0x96: {  	_ =	strace s2  }
0x97: {  	_ =	strace $0x8FFFFFFF  }
0x98: {  	s18 =	sld [smem:$0x3FDB];
	_ =	sdelay $0x1  }
0x99: {  	s19 =	simm.s32 $_scs_section_size  }
0x9a: {  	s4 =	simm.s32 $_size__tile_overlayer_lowered;
	s5 =	simm.s32 $_tile_overlayer_lowered  }
0x9b: {  	s22 =	simm.s32 $0x1BFF;
	s21 =	sshll.u32 s5, $0x1;
	s2 =	sadd.s32 s19, s18  }
0x9c: {  	s6 =	simm.s32 $0x0;
	s20 =	sshll.u32 s4, $0x1;
	s4 =	sadd.s32 s21, s2  }
0x9d: {  	[timem:s6], [sflag:s22] =	dma.local [hbm:s4], s20  }
0x9e: {  	_ =	swait.ge [sflag:s22], s20  }
0x9f: {  	s3 =	ssub.s32 $0x0, s20;
	[sflag:s22] =	ssyncset.done $0x0  }
0xa0: {  	[sflag:s22] =	ssyncadd.s32 s3;
	_ =	sdelay $0x1  }
0xa1: {  	s23 =	simm.s32 $0x1B8B  }
0xa2: {  	_ =	swait.ge [sflag:s23], $0x1  }
0xa3: {  	[sflag:s23] =	ssyncset.done $0x0  }
0xa4: {  	s25 =	simm.s32 $0x1B8E;
	s24 =	sld [smem:$0x3FFE];
	[sflag:s23] =	ssyncadd.s32 $0xFFFFFFFF  }
0xa5: {  	s26 =	simm.s32 $execute0_lowered;
	[smem:$0x3FD2] =	sst s25  }
0xa6: {  	s4 =	sshll.u32 s26, $0x1;
	_ =	strace $0x80000052;
	[dreg:$0x1] =	wrdreg $0xFFFFFFFF  }
0xa7: {  	s28 =	simm.s32 $_size_execute0_lowered;
	s2 =	sadd.s32 s2, s4;
	[dreg:$0x0] =	wrdreg $0x0  }
0xa8: {  	s4 =	sshll.u32 s28, $0x1;
	[dreg:$0x2] =	wrdreg s2  }
0xa9: {  	[dreg:$0x3] =	wrdreg s4  }
0xaa: {  	[dreg:$0x4] =	wrdreg $0xC0  }
0xab: {  	_ =	task [dreg:s6], $0x5FFFF  }
0xac: {  	[dreg:$0x1] =	wrdreg $0xFFFFFFFF  }
0xad: {  	[dreg:$0x0] =	wrdreg $0x60  }
0xae: {  	[dreg:$0x2] =	wrdreg s24  }
0xaf: {  	[dreg:$0x3] =	wrdreg $0x9  }
0xb0: {  	_ =	task.clear_ibuf [dreg:s6], $0x4FFFF;
	_ =	strace $0x90000052  }
0xb1: {  	s29 =	simm.s32 $0x9;
	_ =	strace $0x80000054  }
0xb2: {  	_ =	swait.ge [sflag:s29], $0x1  }
0xb3: {  	[sflag:s29] =	ssyncadd.s32 $0xFFFFFFFF  }
0xb4: {  	_ =	strace $0x90000054  }
0xb5: {  	_ =	sfence  }
0xb6: {  	s30 =	sld [smem:$0x0];
	_ =	sdelay $0x2  }
0xb7: {  	s31 =	sshll.u32 s1, $0xD;
	s1 =	sshrl.u32 s1, $0x2  }
0xb8: {  	s3 =	sand.u32 $0x4000, s31;
	s1 =	sadd.s32 s1, s30  }
0xb9: {  	s0 =	sor.u32 s3, s0;
	s1 =	sshll.u32 s1, $0x11  }
0xba: {  	s0 =	sor.u32 s1, s0  }
0xbb: {  	s0 =	sadd.s32 $0x8F2B, s0  }
0xbc: {  	[sflag:s0] =	ssyncadd.remote.s32 $0x1  }
0xbd: {  	_ =	sfence.sel $0xFFFF  }
0xbe: {  	[dreg:$0x0] =	wrdreg $0xFFFFFFFF;
	(pc) =	sbr.abs _section_cstart, $3  }
0xbf: {  	[dreg:$0x1] =	wrdreg $0xFFFFFFFF  }
0xc0: {  	_ =	task.clear_ibuf [dreg:s6], $0x2FFFF;
	_ =	strace $0x9FFFFFFF  }
0xc1: {  	(tm) =	ssettm $0x7FFFFFFF  }
tec
execute0_lowered:
.L_overlay_start_1:
0x0: {  	(tag) =	ssettag $0x1  }
0x1: {  	s1 =	srdreg.scid;
	s0 =	stileid.u32  }
0x2: {  	s4 =	rddreg [dreg:$0x0];
	s2 =	simm.s32 $0x0;
	s16 =	simm.s32 $0x2800  }
0x3: {  	s17 =	simm.s32 $0x3800;
	s18 =	simm.s32 $0x4800;
	s19 =	simm.s32 $0x5800  }
0x4: {  	s20 =	simm.s32 $0x1;
	s21 =	simm.s32 $0x2;
	s22 =	simm.s32 $0x1380  }
0x5: {  	s23 =	simm.s32 $0x2780;
	s9 =	sand.u32 $0x1, s1;
	s1 =	rddreg [dreg:$0x1]  }
0x6: {  	s24 =	simm.s32 $0x0;
	s3 =	sshll.u32 s0, $0x1;
	[smem:$0x7FF] =	sst s2  }
0x7: {  	s11 =	sadd.s32 $0xBA200, s4;
	s12 =	sadd.s32 $0x1A200, s4;
	s13 =	smul.u32 $0xA000, s0  }
0x8: {  	s5 =	sor.u32 s9, s3;
	_ =	strace $0x80000053;
	s14 =	smul.u32 $0x5000, s9  }
0x9: {  	s3 =	sadd.s32 $0xB200, s4;
	s7 =	ssub.s32 $0x2, s9;
	s6 =	smul.u32 $0x1400, s5  }
0xa: {  	s8 =	sshrl.u32 s7, $0x1;
	s10 =	smul.u32 $0x5000, s5;
	s15 =	sadd.s32 s13, s12  }
0xb: {  	s13 =	sadd.s32 s13, s11;
	s7 =	ssub.s32 s7, s8;
	s6 =	sshrl.u32 s6, $0x3  }
0xc: {  	s31 =	sadd.s32 $0x4C00, s10;
	s10 =	sadd.s32 $0x4E00, s10;
	s6 =	sadd.s32 s6, s4  }
0xd: {  	s8 =	sadd.s32 s12, s31;
	s9 =	sadd.s32 s11, s10;
	s10 =	sadd.s32 s12, s10  }
0xe: {  	s12 =	sadd.s32 s14, s13;
	s13 =	simm.s32 $0x3;
	s4 =	sadd.s32 $0x15200, s6  }
0xf: {  	s5 =	sadd.s32 $0x6200, s6;
	s6 =	smax.u32 s7, $0x1;
	s7 =	sadd.s32 s11, s31  }
0x10: {  	s11 =	sadd.s32 s14, s15;
	s14 =	simm.s32 $0x1400;
	s15 =	simm.s32 $0x80  }
.LBB2_1:
0x11: {  	[tilespmem:s2], [sflag:$0x3] =	stream.linear.gather [hbm4b:s4+s2], $0x1400, $0x38;
	[tilespmem:$0x6800] =	vst v63  }
0x12: {  	_ =	swait.ge [sflag:s13], $0x1400  }
0x13: {  	[sflag:s13] =	ssyncset.done $0x0  }
0x14: {  	[sflag:s13] =	ssyncadd.s32 $0xFFFFEC00  }
0x15: {  	[tilespmem:s14], [sflag:$0x3] =	stream.linear.gather [hbm4b:s5+s2], $0x1400, $0x38;
	[tilespmem:$0x6800] =	vst v63  }
0x16: {  	_ =	swait.ge [sflag:s13], $0x1400  }
0x17: {  	[sflag:s13] =	ssyncset.done $0x0  }
0x18: {  	[sflag:s13] =	ssyncadd.s32 $0xFFFFEC00  }
0x19: {  	[tilespmem:s16], [sflag:$0x1] =	stream.indirect.gather [hbm4b:s3+s15], $0x20, s2, s15, $0xb8;
	[tilespmem:$0x6800] =	vst v63  }
0x1a: {  	_ = 	snop  }
0x1b: {  	[tilespmem:s17], [sflag:$0x1] =	stream.indirect.gather [hbm4b:s3+s15], $0x20, s14, s15, $0xb8;
	[tilespmem:$0x6800] =	vst v63  }
0x1c: {  	s25 =	simm.s32 $0x80  }
0x1d: {  	[tilespmem:s18], [sflag:$0x2] =	stream.indirect.gather [hbm4b:s3+s15], $0x20, s25, s15, $0xb8;
	[tilespmem:$0x6800] =	vst v63  }
0x1e: {  	s30 =	simm.s32 $0x1480  }
0x1f: {  	[tilespmem:s19], [sflag:$0x2] =	stream.indirect.gather [hbm4b:s3+s15], $0x20, s30, s15, $0xb8;
	[tilespmem:$0x6800] =	vst v63  }
0x20: {  	_ =	swait.ge [sflag:s20], $0x1000  }
0x21: {  	[sflag:s20] =	ssyncset.done $0x0  }
0x22: {  	[sflag:s20] =	ssyncadd.s32 $0xFFFFF000  }
0x23: {  	_ =	swait.ge [sflag:s20], $0x1000  }
0x24: {  	[sflag:s20] =	ssyncset.done $0x0  }
0x25: {  	s31 =	sadd.s32 $0x0, s12;
	[sflag:s20] =	ssyncadd.s32 $0xFFFFF000  }
0x26: {  	[hbm4b:s31+s2] =	stream.linear.scatter [tilespmem:s16], [sflag:$0x3], $0x1000, $0x38;
	[tilespmem:$0x6800] =	vst v63  }
0x27: {  	_ =	swait.ge [sflag:s13], $0x1000  }
0x28: {  	[sflag:s13] =	ssyncset.done $0x0  }
0x29: {  	s26 =	sadd.s32 $0x0, s11;
	[sflag:s13] =	ssyncadd.s32 $0xFFFFF000  }
0x2a: {  	[hbm4b:s26+s2] =	stream.linear.scatter [tilespmem:s17], [sflag:$0x3], $0x1000, $0x38;
	[tilespmem:$0x6800] =	vst v63  }
0x2b: {  	_ =	swait.ge [sflag:s13], $0x1000  }
0x2c: {  	[sflag:s13] =	ssyncset.done $0x0  }
0x2d: {  	s28 =	simm.s32 $0x100;
	[sflag:s13] =	ssyncadd.s32 $0xFFFFF000  }
0x2e: {  	[tilespmem:s16], [sflag:$0x1] =	stream.indirect.gather [hbm4b:s3+s15], $0x20, s28, s15, $0xb8;
	[tilespmem:$0x6800] =	vst v63  }
0x2f: {  	s30 =	simm.s32 $0x1500  }
0x30: {  	[tilespmem:s17], [sflag:$0x1] =	stream.indirect.gather [hbm4b:s3+s15], $0x20, s30, s15, $0xb8;
	[tilespmem:$0x6800] =	vst v63  }
0x31: {  	_ =	swait.ge [sflag:s21], $0x1000  }
0x32: {  	[sflag:s21] =	ssyncset.done $0x0  }
0x33: {  	[sflag:s21] =	ssyncadd.s32 $0xFFFFF000  }
0x34: {  	_ =	swait.ge [sflag:s21], $0x1000  }
0x35: {  	[sflag:s21] =	ssyncset.done $0x0  }
0x36: {  	s25 =	sadd.s32 $0x200, s31;
	[sflag:s21] =	ssyncadd.s32 $0xFFFFF000  }
0x37: {  	[hbm4b:s25+s2] =	stream.linear.scatter [tilespmem:s18], [sflag:$0x3], $0x1000, $0x38;
	[tilespmem:$0x6800] =	vst v63  }
0x38: {  	_ =	swait.ge [sflag:s13], $0x1000  }
0x39: {  	[sflag:s13] =	ssyncset.done $0x0  }
0x3a: {  	s31 =	sadd.s32 $0x200, s26;
	[sflag:s13] =	ssyncadd.s32 $0xFFFFF000  }
0x3b: {  	[hbm4b:s31+s2] =	stream.linear.scatter [tilespmem:s19], [sflag:$0x3], $0x1000, $0x38;
	[tilespmem:$0x6800] =	vst v63  }
0x3c: {  	s29 =	simm.s32 $0x800;
	_ =	swait.ge [sflag:s13], $0x1000  }
0x3d: {  	s26 =	simm.s32 $0x100;
	s25 =	simm.s32 $0x400;
	[sflag:s13] =	ssyncset.done $0x0  }
.LBB2_2:
0x3e: {  	s30 =	sadd.s32 $0x80, s26  }
0x3f: {  	[sflag:s13] =	ssyncadd.s32 $0xFFFFF000;
	s31 =	smov.u32 s29;
	s28 =	sadd.s32 $0x400, s29  }
0x40: {  	[tilespmem:s18], [sflag:$0x2] =	stream.indirect.gather [hbm4b:s3+s15], $0x20, s30, s15, $0xb8;
	[tilespmem:$0x6800] =	vst v63  }
0x41: {  	p0 =	sne.s32 s29, $0x4800;
	s29 =	sadd.s32 $0x1480, s26  }
0x42: {  	[tilespmem:s19], [sflag:$0x2] =	stream.indirect.gather [hbm4b:s3+s15], $0x20, s29, s15, $0xb8;
	[tilespmem:$0x6800] =	vst v63  }
0x43: {  	_ =	swait.ge [sflag:s20], $0x1000  }
0x44: {  	[sflag:s20] =	ssyncset.done $0x0  }
0x45: {  	[sflag:s20] =	ssyncadd.s32 $0xFFFFF000  }
0x46: {  	_ =	swait.ge [sflag:s20], $0x1000  }
0x47: {  	[sflag:s20] =	ssyncset.done $0x0  }
0x48: {  	s29 =	sadd.s32 s25, s12;
	[sflag:s20] =	ssyncadd.s32 $0xFFFFF000  }
0x49: {  	[hbm4b:s29+s2] =	stream.linear.scatter [tilespmem:s16], [sflag:$0x3], $0x1000, $0x38;
	[tilespmem:$0x6800] =	vst v63  }
0x4a: {  	_ =	swait.ge [sflag:s13], $0x1000  }
0x4b: {  	[sflag:s13] =	ssyncset.done $0x0  }
0x4c: {  	s30 =	sadd.s32 s25, s11;
	s25 =	smov.u32 s31;
	[sflag:s13] =	ssyncadd.s32 $0xFFFFF000  }
0x4d: {  	[hbm4b:s30+s2] =	stream.linear.scatter [tilespmem:s17], [sflag:$0x3], $0x1000, $0x38;
	[tilespmem:$0x6800] =	vst v63  }
0x4e: {  	_ =	swait.ge [sflag:s13], $0x1000  }
0x4f: {  	[sflag:s13] =	ssyncset.done $0x0  }
0x50: {  	s31 =	sadd.s32 $0x100, s26;
	[sflag:s13] =	ssyncadd.s32 $0xFFFFF000  }
0x51: {  	[tilespmem:s16], [sflag:$0x1] =	stream.indirect.gather [hbm4b:s3+s15], $0x20, s31, s15, $0xb8;
	[tilespmem:$0x6800] =	vst v63  }
0x52: {  	s26 =	sadd.s32 $0x1500, s26  }
0x53: {  	[tilespmem:s17], [sflag:$0x1] =	stream.indirect.gather [hbm4b:s3+s15], $0x20, s26, s15, $0xb8;
	[tilespmem:$0x6800] =	vst v63  }
0x54: {  	_ =	swait.ge [sflag:s21], $0x1000  }
0x55: {  	[sflag:s21] =	ssyncset.done $0x0  }
0x56: {  	[sflag:s21] =	ssyncadd.s32 $0xFFFFF000  }
0x57: {  	_ =	swait.ge [sflag:s21], $0x1000  }
0x58: {  	[sflag:s21] =	ssyncset.done $0x0  }
0x59: {  	s26 =	sadd.s32 $0x200, s29;
	[sflag:s21] =	ssyncadd.s32 $0xFFFFF000  }
0x5a: {  	[hbm4b:s26+s2] =	stream.linear.scatter [tilespmem:s18], [sflag:$0x3], $0x1000, $0x38;
	[tilespmem:$0x6800] =	vst v63  }
0x5b: {  	_ =	swait.ge [sflag:s13], $0x1000  }
.Ltmp0:
0x5c: {  	[sflag:s13] =	ssyncset.done $0x0;
	(pc) =	sbr.rel @p0 .LBB2_2-.Ltmp0, $4  }
0x5d: {  	s26 =	sadd.s32 $0x200, s30;
	[sflag:s13] =	ssyncadd.s32 $0xFFFFF000  }
0x5e: {  	[hbm4b:s26+s2] =	stream.linear.scatter [tilespmem:s19], [sflag:$0x3], $0x1000, $0x38;
	[tilespmem:$0x6800] =	vst v63  }
0x5f: {  	_ =	swait.ge [sflag:s13], $0x1000  }
0x60: {  	s29 =	smov.u32 s28;
	s26 =	sshra.s32 s25, $0x2;
	[sflag:s13] =	ssyncset.done $0x0  }
0x61: {  	s28 =	sadd.s32 $0x80, s26;
	[sflag:s13] =	ssyncadd.s32 $0xFFFFF000  }
0x62: {  	[tilespmem:s18], [sflag:$0x2] =	stream.indirect.gather [hbm4b:s3+s15], $0x20, s28, s15, $0xb8;
	[tilespmem:$0x6800] =	vst v63  }
0x63: {  	s30 =	sadd.s32 $0x1480, s26  }
0x64: {  	[tilespmem:s19], [sflag:$0x2] =	stream.indirect.gather [hbm4b:s3+s15], $0x20, s30, s15, $0xb8;
	[tilespmem:$0x6800] =	vst v63  }
0x65: {  	_ =	swait.ge [sflag:s20], $0x1000  }
0x66: {  	[sflag:s20] =	ssyncset.done $0x0  }
0x67: {  	[sflag:s20] =	ssyncadd.s32 $0xFFFFF000  }
0x68: {  	_ =	swait.ge [sflag:s20], $0x1000  }
0x69: {  	[sflag:s20] =	ssyncset.done $0x0  }
0x6a: {  	s31 =	sadd.s32 s25, s12;
	[sflag:s20] =	ssyncadd.s32 $0xFFFFF000  }
0x6b: {  	[hbm4b:s31+s2] =	stream.linear.scatter [tilespmem:s16], [sflag:$0x3], $0x1000, $0x38;
	[tilespmem:$0x6800] =	vst v63  }
0x6c: {  	_ =	swait.ge [sflag:s13], $0x1000  }
0x6d: {  	[sflag:s13] =	ssyncset.done $0x0  }
0x6e: {  	s25 =	sadd.s32 s25, s11;
	[sflag:s13] =	ssyncadd.s32 $0xFFFFF000  }
0x6f: {  	[hbm4b:s25+s2] =	stream.linear.scatter [tilespmem:s17], [sflag:$0x3], $0x1000, $0x38;
	[tilespmem:$0x6800] =	vst v63  }
0x70: {  	_ =	swait.ge [sflag:s13], $0x1000  }
0x71: {  	[sflag:s13] =	ssyncset.done $0x0  }
0x72: {  	s29 =	sadd.s32 $0x100, s26;
	[sflag:s13] =	ssyncadd.s32 $0xFFFFF000  }
0x73: {  	[tilespmem:s16], [sflag:$0x1] =	stream.indirect.gather [hbm4b:s3+s15], $0x20, s29, s15, $0xb8;
	[tilespmem:$0x6800] =	vst v63  }
0x74: {  	s30 =	sadd.s32 $0x1500, s26  }
0x75: {  	[tilespmem:s17], [sflag:$0x1] =	stream.indirect.gather [hbm4b:s3+s15], $0x20, s30, s15, $0xb8;
	[tilespmem:$0x6800] =	vst v63  }
0x76: {  	_ =	swait.ge [sflag:s21], $0x1000  }
0x77: {  	[sflag:s21] =	ssyncset.done $0x0  }
0x78: {  	[sflag:s21] =	ssyncadd.s32 $0xFFFFF000  }
0x79: {  	_ =	swait.ge [sflag:s21], $0x1000  }
0x7a: {  	[sflag:s21] =	ssyncset.done $0x0  }
0x7b: {  	s31 =	sadd.s32 $0x200, s31;
	[sflag:s21] =	ssyncadd.s32 $0xFFFFF000  }
0x7c: {  	[hbm4b:s31+s2] =	stream.linear.scatter [tilespmem:s18], [sflag:$0x3], $0x1000, $0x38;
	[tilespmem:$0x6800] =	vst v63  }
0x7d: {  	_ =	swait.ge [sflag:s13], $0x1000  }
0x7e: {  	[sflag:s13] =	ssyncset.done $0x0  }
0x7f: {  	s25 =	sadd.s32 $0x200, s25;
	[sflag:s13] =	ssyncadd.s32 $0xFFFFF000  }
0x80: {  	[hbm4b:s25+s2] =	stream.linear.scatter [tilespmem:s19], [sflag:$0x3], $0x1000, $0x38;
	[tilespmem:$0x6800] =	vst v63  }
0x81: {  	_ =	swait.ge [sflag:s13], $0x1000  }
0x82: {  	[sflag:s13] =	ssyncset.done $0x0  }
0x83: {  	[sflag:s13] =	ssyncadd.s32 $0xFFFFF000  }
0x84: {  	[tilespmem:s18], [sflag:$0x2] =	stream.indirect.gather [hbm4b:s3+s15], $0x20, s22, s15, $0xb8;
	[tilespmem:$0x6800] =	vst v63  }
0x85: {  	_ = 	snop  }
0x86: {  	[tilespmem:s19], [sflag:$0x2] =	stream.indirect.gather [hbm4b:s3+s15], $0x20, s23, s15, $0xb8;
	[tilespmem:$0x6800] =	vst v63  }
0x87: {  	_ =	swait.ge [sflag:s20], $0x1000  }
0x88: {  	[sflag:s20] =	ssyncset.done $0x0  }
0x89: {  	[sflag:s20] =	ssyncadd.s32 $0xFFFFF000  }
0x8a: {  	_ =	swait.ge [sflag:s20], $0x1000  }
0x8b: {  	[sflag:s20] =	ssyncset.done $0x0  }
0x8c: {  	[sflag:s20] =	ssyncadd.s32 $0xFFFFF000  }
0x8d: {  	[hbm4b:s7+s2] =	stream.linear.scatter [tilespmem:s16], [sflag:$0x3], $0x1000, $0x38;
	[tilespmem:$0x6800] =	vst v63  }
0x8e: {  	_ =	swait.ge [sflag:s13], $0x1000  }
0x8f: {  	[sflag:s13] =	ssyncset.done $0x0  }
0x90: {  	[sflag:s13] =	ssyncadd.s32 $0xFFFFF000  }
0x91: {  	[hbm4b:s8+s2] =	stream.linear.scatter [tilespmem:s17], [sflag:$0x3], $0x1000, $0x38;
	[tilespmem:$0x6800] =	vst v63  }
0x92: {  	_ =	swait.ge [sflag:s13], $0x1000  }
0x93: {  	[sflag:s13] =	ssyncset.done $0x0  }
0x94: {  	[sflag:s13] =	ssyncadd.s32 $0xFFFFF000  }
0x95: {  	_ =	swait.ge [sflag:s21], $0x1000  }
0x96: {  	[sflag:s21] =	ssyncset.done $0x0  }
0x97: {  	[sflag:s21] =	ssyncadd.s32 $0xFFFFF000  }
0x98: {  	_ =	swait.ge [sflag:s21], $0x1000  }
0x99: {  	[sflag:s21] =	ssyncset.done $0x0  }
0x9a: {  	[sflag:s21] =	ssyncadd.s32 $0xFFFFF000  }
0x9b: {  	[hbm4b:s9+s2] =	stream.linear.scatter [tilespmem:s18], [sflag:$0x3], $0x1000, $0x38;
	[tilespmem:$0x6800] =	vst v63  }
0x9c: {  	s24 =	sadd.s32 $0x1, s24;
	_ =	swait.ge [sflag:s13], $0x1000  }
0x9d: {  	p0 =	sne.s32 s24, s6;
	[sflag:s13] =	ssyncset.done $0x0  }
.Ltmp1:
0x9e: {  	[sflag:s13] =	ssyncadd.s32 $0xFFFFF000;
	(pc) =	sbr.rel @p0 .LBB2_1-.Ltmp1, $4  }
0x9f: {  	[hbm4b:s10+s2] =	stream.linear.scatter [tilespmem:s19], [sflag:$0x3], $0x1000, $0x38;
	[tilespmem:$0x6800] =	vst v63  }
0xa0: {  	_ =	swait.ge [sflag:s13], $0x1000  }
0xa1: {  	[sflag:s13] =	ssyncset.done $0x0  }
0xa2: {  	[sflag:s13] =	ssyncadd.s32 $0xFFFFF000  }
0xa3: {  	_ =	sfence.sel $0x180000  }
0xa4: {  	[bflag:$0x0] =	sbarrier.arrive $0xFFFF  }
0xa5: {  	p0 =	sne.s32 s0, $0x0;
	_ =	strace $0x90000053  }
0xa6: {  	s0 =	sadd.s32 @!p0 $0x100000, s1;
	[bflag:$0x2] =	sbarrier.arrive $0xFFFF  }
0xa7: {  	[sflag:s0] =	ssyncadd.tile.s32 @!p0 $0x1;
	_ =	shalt  }
.Lfunc_end2:
_tile_overlayer_lowered:
.L_overlay_start_2:
0xa8: {  	(tag) =	ssettag $0x2  }
0xa9: {  	s0 =	rddreg [dreg:$0x0];
	s2 =	stileid.u32  }
0xaa: {  	s1 =	rddreg [dreg:$0x1];
	p0 =	sne.s32 s2, $0x0  }
0xab: {  	s3 =	rddreg [dreg:$0x2];
	[bflag:$0x3] =	sbarrier.arrive $0xFFFF;
	s2 =	simm.s32 @!p0 $0x1C03  }
0xac: {  	[timem:s3], [sflag:s2] =	dma.local @!p0 [hbm:s0], s1  }
0xad: {  	s0 =	simm.s32 @!p0 $0x3  }
0xae: {  	_ =	swait.ge @!p0 [sflag:s0], s1  }
0xaf: {  	s1 =	ssub.s32 @!p0 $0x0, s1;
	[sflag:s0] =	ssyncset.done @!p0 $0x0  }
0xb0: {  	[sflag:s0] =	ssyncadd.s32 @!p0 s1  }
0xb1: {  	[bflag:$0x3] =	sbarrier.arrive $0xFFFF  }
0xb2: {  	_ =	shalt  }

</sc_bundles>
